<compile_context>
chip_gen: v7x
topology: tpu7x:2x2x1
jax: 0.10.2.dev20260603
libtpu: 0.0.44.dev20260713+nightly
codegen_flags: <defaults>
</compile_context>

<pallas_src>
import functools

import jax
import jax.numpy as jnp
import numpy as np
from jax import lax
from jax.experimental import pallas as pl
from jax.experimental.pallas import tpu as pltpu
from jax.experimental.pallas import tpu_sc as plsc

N = 10000
NPAD = 10240
D = 128
E = 320000

NC = 2
NS = 16
NW = NC * NS
CHUNK = 128
NCHUNK = 80
EPW = NCHUNK * CHUNK
EPAD = NW * EPW
SUPER = 8
SUPN = NCHUNK // SUPER
ROWS_PER_TILE = NPAD // NS

_MESH = plsc.VectorSubcoreMesh(core_axis_name="c", subcore_axis_name="s")


@functools.partial(
    pl.kernel,
    out_type=(
        jax.ShapeDtypeStruct((NC, NPAD, D), jnp.float32),
        jax.ShapeDtypeStruct((NW * NPAD // D, D), jnp.float32),
    ),
    mesh=_MESH,
    compiler_params=pltpu.CompilerParams(use_tc_tiling_on_sc=True,
                                         needs_layout_passes=False),
    scratch_types=[
        pltpu.VMEM((SUPER, CHUNK), jnp.int32),
        pltpu.VMEM((SUPER, CHUNK), jnp.int32),
        pltpu.VMEM((SUPER, CHUNK), jnp.int32),
        pltpu.VMEM((SUPER, CHUNK), jnp.int32),
        pltpu.VMEM((CHUNK, D), jnp.float32),
        pltpu.VMEM((CHUNK, D), jnp.float32),
        pltpu.VMEM((NPAD // D, D), jnp.float32),
        pltpu.VMEM_SHARED((NPAD, D), jnp.float32),
        pltpu.SemaphoreType.DMA,
        pltpu.SemaphoreType.DMA,
        pltpu.SemaphoreType.DMA,
        pltpu.SemaphoreType.DMA,
    ],
)
def _sc_aggregate(table_hbm, src_hbm, dst_hbm, zeros_hbm,
                  feat_hbm, deg_hbm,
                  src_a, dst_a, src_b, dst_b, rows0_v, rows1_v, deg_v,
                  acc_sh, sem0, sem1, sem_is, sem_id):
    c = lax.axis_index("c")
    s = lax.axis_index("s")
    w = c * NS + s
    r0 = s * ROWS_PER_TILE
    base = w * NCHUNK
    pltpu.sync_copy(zeros_hbm.at[pl.ds(r0, ROWS_PER_TILE)],
                    acc_sh.at[pl.ds(r0, ROWS_PER_TILE)])
    pltpu.sync_copy(zeros_hbm.at[pl.ds(r0, NPAD // D)], deg_v)
    pltpu.sync_copy(src_hbm.at[pl.ds(base, SUPER)], src_a)
    pltpu.sync_copy(dst_hbm.at[pl.ds(base, SUPER)], dst_a)
    plsc.subcore_barrier()

    ones16 = jnp.ones((16,), jnp.float32)

    pltpu.async_copy(table_hbm.at[src_a.at[0]], rows0_v, sem0)

    def process_super(u, src_c, dst_c, src_n, dst_n):
        @pl.when(u + 1 < SUPN)
        def _():
            off = base + (u + 1) * SUPER
            pltpu.async_copy(src_hbm.at[pl.ds(off, SUPER)], src_n, sem_is)
            pltpu.async_copy(dst_hbm.at[pl.ds(off, SUPER)], dst_n, sem_id)

        def dbody(k, carry):
            idx = dst_c[k // 8, pl.ds((k % 8) * 16, 16)]
            plsc.addupdate_scatter(deg_v, [idx >> 7, idx & 127], ones16)
            return carry

        lax.fori_loop(0, SUPER * 8, dbody, 0)

        def inner(i, carry):
            j0 = 2 * i
            pltpu.async_copy(table_hbm.at[src_c.at[j0 + 1]], rows1_v, sem1)
            pltpu.make_async_copy(table_hbm.at[src_c.at[j0]], rows0_v,
                                  sem0).wait()
            pltpu.sync_copy(rows0_v, acc_sh.at[dst_c.at[j0]], add=True)

            @pl.when(j0 + 2 < SUPER)
            def _():
                pltpu.async_copy(table_hbm.at[src_c.at[j0 + 2]], rows0_v,
                                 sem0)

            pltpu.make_async_copy(table_hbm.at[src_c.at[j0 + 1]], rows1_v,
                                  sem1).wait()
            pltpu.sync_copy(rows1_v, acc_sh.at[dst_c.at[j0 + 1]], add=True)
            return carry

        lax.fori_loop(0, SUPER // 2 - 1, inner, 0)

        jl = SUPER - 2
        pltpu.async_copy(table_hbm.at[src_c.at[jl + 1]], rows1_v, sem1)
        pltpu.make_async_copy(table_hbm.at[src_c.at[jl]], rows0_v,
                              sem0).wait()
        pltpu.sync_copy(rows0_v, acc_sh.at[dst_c.at[jl]], add=True)

        @pl.when(u + 1 < SUPN)
        def _():
            pltpu.make_async_copy(src_hbm.at[pl.ds(base, SUPER)], src_n,
                                  sem_is).wait()
            pltpu.make_async_copy(dst_hbm.at[pl.ds(base, SUPER)], dst_n,
                                  sem_id).wait()
            pltpu.async_copy(table_hbm.at[src_n.at[0]], rows0_v, sem0)

        pltpu.make_async_copy(table_hbm.at[src_c.at[jl + 1]], rows1_v,
                              sem1).wait()
        pltpu.sync_copy(rows1_v, acc_sh.at[dst_c.at[jl + 1]], add=True)

    def super_body(t, carry):
        u0 = 2 * t
        process_super(u0, src_a, dst_a, src_b, dst_b)
        process_super(u0 + 1, src_b, dst_b, src_a, dst_a)
        return carry

    lax.fori_loop(0, SUPN // 2, super_body, 0)
    plsc.subcore_barrier()
    pltpu.sync_copy(acc_sh.at[pl.ds(r0, ROWS_PER_TILE)],
                    feat_hbm.at[c, pl.ds(r0, ROWS_PER_TILE)])
    pltpu.sync_copy(deg_v, deg_hbm.at[pl.ds(w * (NPAD // D), NPAD // D)])


_RBLK = 1024


def _self_body(h_ref, ws_ref, b_ref, o_ref):
    o_ref[...] = (jnp.dot(h_ref[...], ws_ref[...],
                          preferred_element_type=jnp.float32) + b_ref[...])


def _self_mm(h, w_self, b):
    return pl.pallas_call(
        _self_body,
        grid=(NPAD // _RBLK,),
        in_specs=[
            pl.BlockSpec((_RBLK, D), lambda i: (i, 0)),
            pl.BlockSpec((D, D), lambda i: (0, 0)),
            pl.BlockSpec((1, D), lambda i: (0, 0)),
        ],
        out_specs=pl.BlockSpec((_RBLK, D), lambda i: (i, 0)),
        out_shape=jax.ShapeDtypeStruct((NPAD, D), jnp.float32),
    )(h, w_self, b)


def _combine_body(relu, s_ref, p_ref, degp_ref, wn_ref, o_ref):
    feat = p_ref[0] + p_ref[1]
    deg = lax.dot_general(degp_ref[...], jnp.ones((NW, 1), jnp.float32),
                          (((0,), (0,)), ((), ())),
                          preferred_element_type=jnp.float32)
    hn = feat / jnp.maximum(deg, 1.0)
    act = s_ref[...] + jnp.dot(hn, wn_ref[...],
                               preferred_element_type=jnp.float32)
    if relu:
        act = jnp.maximum(act, 0.0)
    o_ref[...] = act


def _combine(selfmm, p, degp, w_neigh, relu):
    return pl.pallas_call(
        functools.partial(_combine_body, relu),
        grid=(NPAD // _RBLK,),
        in_specs=[
            pl.BlockSpec((_RBLK, D), lambda i: (i, 0)),
            pl.BlockSpec((NC, _RBLK, D), lambda i: (0, i, 0)),
            pl.BlockSpec((NW, _RBLK), lambda i: (0, i)),
            pl.BlockSpec((D, D), lambda i: (0, 0)),
        ],
        out_specs=pl.BlockSpec((_RBLK, D), lambda i: (i, 0)),
        out_shape=jax.ShapeDtypeStruct((NPAD, D), jnp.float32),
    )(selfmm, p, degp, w_neigh)


_PAD = EPAD - E
_SRC_TMPL = np.zeros((EPAD,), np.int32)
_SRC_TMPL[E:] = np.arange(_PAD, dtype=np.int32) % N
_DST_TMPL = np.zeros((EPAD,), np.int32)
_DST_TMPL[E:] = N + np.arange(_PAD, dtype=np.int32) % (NPAD - N)


def _pad_edges(ei):
    src = jnp.concatenate([ei[0].astype(jnp.int32),
                           jnp.asarray(_SRC_TMPL[E:])])
    dst = jnp.concatenate([ei[1].astype(jnp.int32),
                           jnp.asarray(_DST_TMPL[E:])])
    return src.reshape(-1, CHUNK), dst.reshape(-1, CHUNK)


def kernel(x, edge_index0, edge_index1, W_self1, W_neigh1, b1,
           W_self2, W_neigh2, b2):
    src0, dst0 = _pad_edges(edge_index0)
    src1, dst1 = _pad_edges(edge_index1)
    zeros = jnp.zeros((NPAD, D), jnp.float32)
    xp = jnp.pad(x, ((0, NPAD - N), (0, 0)))
    b1r = b1.reshape(1, D)
    b2r = b2.reshape(1, D)

    p1, d1 = _sc_aggregate(x, src0, dst0, zeros)
    s1 = _self_mm(xp, W_self1, b1r)
    h = _combine(s1, p1, d1.reshape(NW, NPAD), W_neigh1, relu=True)
    p2, d2 = _sc_aggregate(h, src1, dst1, zeros)
    s2 = _self_mm(h, W_self2, b2r)
    out = _combine(s2, p2, d2.reshape(NW, NPAD), W_neigh2, relu=False)
    return out[:N]

# --- scband reference (transcript-rebuilt; emitter-appended) ---
"""Pipeline reference for scband-graph-sage-81217831568087 (READ-ONLY COPY).

The authoritative reference and input builder live on the scoring server;
editing this copy changes nothing except your own understanding.
"""

import jax, jax.numpy as jnp
import numpy as np

N = 10000
E = 320000
D_IN = 128
D_HID = 128
D_OUT = 128


def setup_inputs(seed: int = 0) -> dict:
    key = jax.random.key(seed)
    ks = jax.random.split(key, 10)
    x = jax.random.normal(ks[0], (N, D_IN), dtype=jnp.float32)
    edge_index0 = jax.random.randint(ks[1], (2, E), 0, N, dtype=jnp.int64)
    edge_index1 = jax.random.randint(ks[2], (2, E), 0, N, dtype=jnp.int64)
    s_in = 1.0 / np.sqrt(D_IN)
    s_hid = 1.0 / np.sqrt(D_HID)
    W_self1 = jax.random.normal(ks[3], (D_IN, D_HID), dtype=jnp.float32) * s_in
    W_neigh1 = jax.random.normal(ks[4], (D_IN, D_HID), dtype=jnp.float32) * s_in
    b1 = jnp.zeros((D_HID,), dtype=jnp.float32)
    W_self2 = jax.random.normal(ks[5], (D_HID, D_OUT), dtype=jnp.float32) * s_hid
    W_neigh2 = jax.random.normal(ks[6], (D_HID, D_OUT), dtype=jnp.float32) * s_hid
    b2 = jnp.zeros((D_OUT,), dtype=jnp.float32)
    return {
        "x": x,
        "edge_index0": edge_index0,
        "edge_index1": edge_index1,
        "W_self1": W_self1,
        "W_neigh1": W_neigh1,
        "b1": b1,
        "W_self2": W_self2,
        "W_neigh2": W_neigh2,
        "b2": b2,
    }


def _sage_conv(h, src, dst, W_self, W_neigh, b):
    # DGL SAGEConv with aggregator_type='mean':
    #   h_neigh = mean_{u in N(v)} h_u ; out = fc_self(h_v) + fc_neigh(h_neigh) + b
    msgs = jnp.take(h, src, axis=0)  # gather source features over edges
    summed = jax.ops.segment_sum(msgs, dst, num_segments=N)  # scatter-add by dst
    deg = jax.ops.segment_sum(jnp.ones((src.shape[0],), dtype=h.dtype), dst, num_segments=N)
    h_neigh = summed / jnp.maximum(deg, 1.0)[:, None]
    return h @ W_self + h_neigh @ W_neigh + b


def reference(x, edge_index0, edge_index1, W_self1, W_neigh1, b1, W_self2, W_neigh2, b2):
    # Layer 1 (block 0) + ReLU, single relation, aggregate='sum' over 1 rel == identity
    h = _sage_conv(x, edge_index0[0], edge_index0[1], W_self1, W_neigh1, b1)
    h = jax.nn.relu(h.reshape(-1, D_HID))
    # Layer 2 (block 1)
    out = _sage_conv(h, edge_index1[0], edge_index1[1], W_self2, W_neigh2, b2)
    return out.reshape(-1, D_OUT)

if __name__ == "__main__":
    import jax
    _d = setup_inputs()
    print(jax.jit(kernel)(*tuple(_d.values())))

</pallas_src>

<mosaic_0001>
#map = affine_map<(d0, d1) -> (0, 0)>
#map1 = affine_map<(d0, d1) -> (0, 0, 0)>
module attributes {stable_mosaic.version = 14 : i64} {
  func.func @_sc_aggregate(%arg0: i32, %arg1: i32, %arg2: memref<10000x128xf32, #tpu.memory_space<hbm>>, %arg3: memref<2560x128xi32, #tpu.memory_space<hbm>>, %arg4: memref<2560x128xi32, #tpu.memory_space<hbm>>, %arg5: memref<10240x128xf32, #tpu.memory_space<hbm>>, %arg6: memref<2x10240x128xf32, #tpu.memory_space<hbm>>, %arg7: memref<2560x128xf32, #tpu.memory_space<hbm>>, %arg8: memref<8x128xi32, #tpu.memory_space<vmem>>, %arg9: memref<8x128xi32, #tpu.memory_space<vmem>>, %arg10: memref<8x128xi32, #tpu.memory_space<vmem>>, %arg11: memref<8x128xi32, #tpu.memory_space<vmem>>, %arg12: memref<128x128xf32, #tpu.memory_space<vmem>>, %arg13: memref<128x128xf32, #tpu.memory_space<vmem>>, %arg14: memref<80x128xf32, #tpu.memory_space<vmem>>, %arg15: memref<10240x128xf32, #tpu.memory_space<vmem_shared>>, %arg16: memref<!tpu.dma_semaphore, #tpu.memory_space<semaphore_mem>>, %arg17: memref<!tpu.dma_semaphore, #tpu.memory_space<semaphore_mem>>, %arg18: memref<!tpu.dma_semaphore, #tpu.memory_space<semaphore_mem>>, %arg19: memref<!tpu.dma_semaphore, #tpu.memory_space<semaphore_mem>>) attributes {dimension_semantics = [#tpu.dimension_semantics<core_parallel>, #tpu.dimension_semantics<subcore_parallel>], iteration_bounds = array<i64: 2, 16>, scalar_prefetch = 0 : i64, scratch_operands = 12 : i64, tpu.core_type = #tpu.core_type<sc_vector_subcore>, window_params = [{transform_indices = #map}, {transform_indices = #map}, {transform_indices = #map}, {transform_indices = #map}, {transform_indices = #map1}, {transform_indices = #map}]} {
    %mul3A = arith.constant 16 : i32
    %mul3A_0 = arith.muli %arg0, %mul3A : i32
    %add3A = arith.addi %mul3A_0, %arg1 : i32
    %mul3A_1 = arith.constant 640 : i32
    %mul3A_2 = arith.muli %arg1, %mul3A_1 : i32
    %mul3A_3 = arith.constant 80 : i32
    %mul3A_4 = arith.muli %add3A, %mul3A_3 : i32
    "tpu.region"() ({
      %run_scoped3A = tpu.sem_alloc : memref<!tpu.dma_semaphore, #tpu.memory_space<semaphore_mem>>
      %dma_start3A_20 = arith.constant 0 : i32
      %dma_start3A_21 = tpu.memref_slice %arg15[%mul3A_2, %dma_start3A_20] : memref<10240x128xf32, #tpu.memory_space<vmem_shared>> -> memref<640x128xf32, #tpu.memory_space<vmem_shared>>
      %dma_start3A_22 = arith.constant 0 : i32
      %dma_start3A_23 = tpu.memref_slice %arg5[%mul3A_2, %dma_start3A_22] : memref<10240x128xf32, #tpu.memory_space<hbm>> -> memref<640x128xf32, #tpu.memory_space<hbm>>
      tpu.enqueue_dma source(%dma_start3A_23 : memref<640x128xf32, #tpu.memory_space<hbm>>) target(%dma_start3A_21 : memref<640x128xf32, #tpu.memory_space<vmem_shared>>) target_semaphore(%run_scoped3A : memref<!tpu.dma_semaphore, #tpu.memory_space<semaphore_mem>>)
      %dma_wait3A = arith.constant 0 : i32
      %dma_wait3A_24 = tpu.memref_slice %arg15[%mul3A_2, %dma_wait3A] : memref<10240x128xf32, #tpu.memory_space<vmem_shared>> -> memref<640x128xf32, #tpu.memory_space<vmem_shared>>
      %dma_wait3A_25 = arith.constant 0 : i32
      %dma_wait3A_26 = tpu.memref_slice %arg5[%mul3A_2, %dma_wait3A_25] : memref<10240x128xf32, #tpu.memory_space<hbm>> -> memref<640x128xf32, #tpu.memory_space<hbm>>
      tpu.wait_dma2 semaphore(%run_scoped3A : memref<!tpu.dma_semaphore, #tpu.memory_space<semaphore_mem>>) src(%dma_wait3A_26 : memref<640x128xf32, #tpu.memory_space<hbm>>) dst(%dma_wait3A_24 : memref<640x128xf32, #tpu.memory_space<vmem_shared>>)
      tpu.yield
    }) : () -> ()
    "tpu.region"() ({
      %run_scoped3A = tpu.sem_alloc : memref<!tpu.dma_semaphore, #tpu.memory_space<semaphore_mem>>
      %dma_start3A_20 = arith.constant 0 : i32
      %dma_start3A_21 = tpu.memref_slice %arg5[%mul3A_2, %dma_start3A_20] : memref<10240x128xf32, #tpu.memory_space<hbm>> -> memref<80x128xf32, #tpu.memory_space<hbm>>
      %dma_start3A_22 = arith.constant 0 : i32
      %dma_start3A_23 = tpu.memref_slice %arg5[%mul3A_2, %dma_start3A_22] : memref<10240x128xf32, #tpu.memory_space<hbm>> -> memref<80x128xf32, #tpu.memory_space<hbm>>
      tpu.enqueue_dma source(%dma_start3A_23 : memref<80x128xf32, #tpu.memory_space<hbm>>) target(%arg14 : memref<80x128xf32, #tpu.memory_space<vmem>>) target_semaphore(%run_scoped3A : memref<!tpu.dma_semaphore, #tpu.memory_space<semaphore_mem>>)
      %dma_wait3A = arith.constant 0 : i32
      %dma_wait3A_24 = tpu.memref_slice %arg5[%mul3A_2, %dma_wait3A] : memref<10240x128xf32, #tpu.memory_space<hbm>> -> memref<80x128xf32, #tpu.memory_space<hbm>>
      %dma_wait3A_25 = arith.constant 0 : i32
      %dma_wait3A_26 = tpu.memref_slice %arg5[%mul3A_2, %dma_wait3A_25] : memref<10240x128xf32, #tpu.memory_space<hbm>> -> memref<80x128xf32, #tpu.memory_space<hbm>>
      tpu.wait_dma2 semaphore(%run_scoped3A : memref<!tpu.dma_semaphore, #tpu.memory_space<semaphore_mem>>) src(%dma_wait3A_26 : memref<80x128xf32, #tpu.memory_space<hbm>>) dst(%arg14 : memref<80x128xf32, #tpu.memory_space<vmem>>)
      tpu.yield
    }) : () -> ()
    "tpu.region"() ({
      %run_scoped3A = tpu.sem_alloc : memref<!tpu.dma_semaphore, #tpu.memory_space<semaphore_mem>>
      %dma_start3A_20 = arith.constant 0 : i32
      %dma_start3A_21 = tpu.memref_slice %arg3[%mul3A_4, %dma_start3A_20] : memref<2560x128xi32, #tpu.memory_space<hbm>> -> memref<8x128xi32, #tpu.memory_space<hbm>>
      %dma_start3A_22 = arith.constant 0 : i32
      %dma_start3A_23 = tpu.memref_slice %arg3[%mul3A_4, %dma_start3A_22] : memref<2560x128xi32, #tpu.memory_space<hbm>> -> memref<8x128xi32, #tpu.memory_space<hbm>>
      tpu.enqueue_dma source(%dma_start3A_23 : memref<8x128xi32, #tpu.memory_space<hbm>>) target(%arg8 : memref<8x128xi32, #tpu.memory_space<vmem>>) target_semaphore(%run_scoped3A : memref<!tpu.dma_semaphore, #tpu.memory_space<semaphore_mem>>)
      %dma_wait3A = arith.constant 0 : i32
      %dma_wait3A_24 = tpu.memref_slice %arg3[%mul3A_4, %dma_wait3A] : memref<2560x128xi32, #tpu.memory_space<hbm>> -> memref<8x128xi32, #tpu.memory_space<hbm>>
      %dma_wait3A_25 = arith.constant 0 : i32
      %dma_wait3A_26 = tpu.memref_slice %arg3[%mul3A_4, %dma_wait3A_25] : memref<2560x128xi32, #tpu.memory_space<hbm>> -> memref<8x128xi32, #tpu.memory_space<hbm>>
      tpu.wait_dma2 semaphore(%run_scoped3A : memref<!tpu.dma_semaphore, #tpu.memory_space<semaphore_mem>>) src(%dma_wait3A_26 : memref<8x128xi32, #tpu.memory_space<hbm>>) dst(%arg8 : memref<8x128xi32, #tpu.memory_space<vmem>>)
      tpu.yield
    }) : () -> ()
    "tpu.region"() ({
      %run_scoped3A = tpu.sem_alloc : memref<!tpu.dma_semaphore, #tpu.memory_space<semaphore_mem>>
      %dma_start3A_20 = arith.constant 0 : i32
      %dma_start3A_21 = tpu.memref_slice %arg4[%mul3A_4, %dma_start3A_20] : memref<2560x128xi32, #tpu.memory_space<hbm>> -> memref<8x128xi32, #tpu.memory_space<hbm>>
      %dma_start3A_22 = arith.constant 0 : i32
      %dma_start3A_23 = tpu.memref_slice %arg4[%mul3A_4, %dma_start3A_22] : memref<2560x128xi32, #tpu.memory_space<hbm>> -> memref<8x128xi32, #tpu.memory_space<hbm>>
      tpu.enqueue_dma source(%dma_start3A_23 : memref<8x128xi32, #tpu.memory_space<hbm>>) target(%arg9 : memref<8x128xi32, #tpu.memory_space<vmem>>) target_semaphore(%run_scoped3A : memref<!tpu.dma_semaphore, #tpu.memory_space<semaphore_mem>>)
      %dma_wait3A = arith.constant 0 : i32
      %dma_wait3A_24 = tpu.memref_slice %arg4[%mul3A_4, %dma_wait3A] : memref<2560x128xi32, #tpu.memory_space<hbm>> -> memref<8x128xi32, #tpu.memory_space<hbm>>
      %dma_wait3A_25 = arith.constant 0 : i32
      %dma_wait3A_26 = tpu.memref_slice %arg4[%mul3A_4, %dma_wait3A_25] : memref<2560x128xi32, #tpu.memory_space<hbm>> -> memref<8x128xi32, #tpu.memory_space<hbm>>
      tpu.wait_dma2 semaphore(%run_scoped3A : memref<!tpu.dma_semaphore, #tpu.memory_space<semaphore_mem>>) src(%dma_wait3A_26 : memref<8x128xi32, #tpu.memory_space<hbm>>) dst(%arg9 : memref<8x128xi32, #tpu.memory_space<vmem>>)
      tpu.yield
    }) : () -> ()
    %barrier3A = arith.constant 0 : index
    tpu.barrier barrier_id(%barrier3A)
    %broadcast_in_dim3A = arith.constant 1.000000e+00 : f32
    %broadcast_in_dim3A_5 = vector.broadcast %broadcast_in_dim3A : f32 to vector<16xf32>
    %dma_start3A = arith.constant 0 : i32
    %dma_start3A_6 = arith.constant 0 : i32
    %dma_start3A_7 = tpu.memref_slice %arg8[%dma_start3A, %dma_start3A_6] : memref<8x128xi32, #tpu.memory_space<vmem>> -> memref<1x128xi32, #tpu.memory_space<vmem>>
    %dma_start3A_8 = tpu.memref_squeeze %dma_start3A_7 : memref<1x128xi32, #tpu.memory_space<vmem>> -> memref<128xi32, #tpu.memory_space<vmem>>
    %dma_start3A_9 = arith.constant 0 : i32
    %dma_start3A_10 = arith.constant 0 : i32
    %dma_start3A_11 = tpu.memref_slice %arg2[%dma_start3A_9, %dma_start3A_10] : memref<10000x128xf32, #tpu.memory_space<hbm>> -> memref<10000x128xf32, #tpu.memory_space<hbm>>
    tpu.enqueue_indirect_dma source(%dma_start3A_11 : memref<10000x128xf32, #tpu.memory_space<hbm>>) target(%arg12 : memref<128x128xf32, #tpu.memory_space<vmem>>) offsets(%dma_start3A_8 : memref<128xi32, #tpu.memory_space<vmem>>) semaphore(%arg16 : memref<!tpu.dma_semaphore, #tpu.memory_space<semaphore_mem>>)
    %scan3A = arith.constant 0 : i32
    %scan3A_12 = arith.constant 0 : i32
    %scan3A_13 = arith.constant 5 : i32
    %scan3A_14 = arith.addi %scan3A_12, %scan3A_13 : i32
    %scan3A_15 = arith.constant 1 : i32
    scf.for %scan3A_20 = %scan3A_12 to %scan3A_14 step %scan3A_15  : i32 {
      %mul3A_21 = arith.constant 2 : i32
      %mul3A_22 = arith.muli %mul3A_21, %scan3A_20 : i32
      %add3A_23 = arith.constant 1 : i32
      %add3A_24 = arith.addi %mul3A_22, %add3A_23 : i32
      %lt3A = arith.constant 10 : i32
      %lt3A_25 = arith.cmpi slt, %add3A_24, %lt3A : i32
      %convert_element_type3A = arith.extui %lt3A_25 : i1 to i32
      %cond3A = arith.constant 0 : i32
      %cond3A_26 = arith.cmpi ne, %convert_element_type3A, %cond3A : i32
      scf.if %cond3A_26 {
        %add3A_118 = arith.constant 1 : i32
        %add3A_119 = arith.addi %mul3A_22, %add3A_118 : i32
        %mul3A_120 = arith.constant 8 : i32
        %mul3A_121 = arith.muli %add3A_119, %mul3A_120 : i32
        %add3A_122 = arith.addi %mul3A_4, %mul3A_121 : i32
        %dma_start3A_123 = arith.constant 0 : i32
        %dma_start3A_124 = tpu.memref_slice %arg3[%add3A_122, %dma_start3A_123] : memref<2560x128xi32, #tpu.memory_space<hbm>> -> memref<8x128xi32, #tpu.memory_space<hbm>>
        %dma_start3A_125 = arith.constant 0 : i32
        %dma_start3A_126 = tpu.memref_slice %arg3[%add3A_122, %dma_start3A_125] : memref<2560x128xi32, #tpu.memory_space<hbm>> -> memref<8x128xi32, #tpu.memory_space<hbm>>
        tpu.enqueue_dma source(%dma_start3A_126 : memref<8x128xi32, #tpu.memory_space<hbm>>) target(%arg10 : memref<8x128xi32, #tpu.memory_space<vmem>>) target_semaphore(%arg18 : memref<!tpu.dma_semaphore, #tpu.memory_space<semaphore_mem>>)
        %dma_start3A_127 = arith.constant 0 : i32
        %dma_start3A_128 = tpu.memref_slice %arg4[%add3A_122, %dma_start3A_127] : memref<2560x128xi32, #tpu.memory_space<hbm>> -> memref<8x128xi32, #tpu.memory_space<hbm>>
        %dma_start3A_129 = arith.constant 0 : i32
        %dma_start3A_130 = tpu.memref_slice %arg4[%add3A_122, %dma_start3A_129] : memref<2560x128xi32, #tpu.memory_space<hbm>> -> memref<8x128xi32, #tpu.memory_space<hbm>>
        tpu.enqueue_dma source(%dma_start3A_130 : memref<8x128xi32, #tpu.memory_space<hbm>>) target(%arg11 : memref<8x128xi32, #tpu.memory_space<vmem>>) target_semaphore(%arg19 : memref<!tpu.dma_semaphore, #tpu.memory_space<semaphore_mem>>)
      } else {
      }
      %scan3A_27 = arith.constant 0 : i32
      %scan3A_28 = arith.constant 0 : i32
      %scan3A_29 = arith.constant 64 : i32
      %scan3A_30 = arith.addi %scan3A_28, %scan3A_29 : i32
      %scan3A_31 = arith.constant 1 : i32
      scf.for %scan3A_118 = %scan3A_28 to %scan3A_30 step %scan3A_31  : i32 {
        %jit3A = arith.constant 8 : i32
        %div3A = arith.divsi %scan3A_118, %jit3A : i32
        %sign3A = arith.constant 0 : i32
        %sign3A_119 = arith.cmpi sgt, %scan3A_118, %sign3A : i32
        %sign3A_120 = arith.extui %sign3A_119 : i1 to i32
        %sign3A_121 = arith.constant 0 : i32
        %sign3A_122 = arith.cmpi slt, %scan3A_118, %sign3A_121 : i32
        %sign3A_123 = arith.extui %sign3A_122 : i1 to i32
        %sign3A_124 = arith.subi %sign3A_120, %sign3A_123 : i32
        %sign3A_125 = arith.constant 0 : i32
        %sign3A_126 = arith.cmpi sgt, %jit3A, %sign3A_125 : i32
        %sign3A_127 = arith.extui %sign3A_126 : i1 to i32
        %sign3A_128 = arith.constant 0 : i32
        %sign3A_129 = arith.cmpi slt, %jit3A, %sign3A_128 : i32
        %sign3A_130 = arith.extui %sign3A_129 : i1 to i32
        %sign3A_131 = arith.subi %sign3A_127, %sign3A_130 : i32
        %ne3A = arith.cmpi ne, %sign3A_124, %sign3A_131 : i32
        %rem3A = arith.remsi %scan3A_118, %jit3A : i32
        %ne3A_132 = arith.constant 0 : i32
        %ne3A_133 = arith.cmpi ne, %rem3A, %ne3A_132 : i32
        %and3A = arith.andi %ne3A, %ne3A_133 : i1
        %sub3A = arith.constant 1 : i32
        %sub3A_134 = arith.subi %div3A, %sub3A : i32
        %select_n3A = arith.select %and3A, %sub3A_134, %div3A : i32
        %jit3A_135 = arith.constant 8 : i32
        %eq3A = arith.constant 0 : i32
        %eq3A_136 = arith.cmpi eq, %jit3A_135, %eq3A : i32
        %jit3A_137 = arith.constant 1 : i32
        %select_n3A_138 = arith.select %eq3A_136, %jit3A_137, %jit3A_135 : i32
        %rem3A_139 = arith.remsi %scan3A_118, %select_n3A_138 : i32
        %ne3A_140 = arith.constant 0 : i32
        %ne3A_141 = arith.cmpi ne, %rem3A_139, %ne3A_140 : i32
        %lt3A_142 = arith.constant 0 : i32
        %lt3A_143 = arith.cmpi slt, %rem3A_139, %lt3A_142 : i32
        %lt3A_144 = arith.constant 0 : i32
        %lt3A_145 = arith.cmpi slt, %select_n3A_138, %lt3A_144 : i32
        %ne3A_146 = arith.xori %lt3A_143, %lt3A_145 : i1
        %and3A_147 = arith.andi %ne3A_146, %ne3A_141 : i1
        %add3A_148 = arith.addi %rem3A_139, %select_n3A_138 : i32
        %select_n3A_149 = arith.select %and3A_147, %add3A_148, %rem3A_139 : i32
        %mul3A_150 = arith.constant 16 : i32
        %mul3A_151 = arith.muli %select_n3A_149, %mul3A_150 : i32
        %get3A = arith.index_cast %select_n3A : i32 to index
        %get3A_152 = arith.index_cast %mul3A_151 : i32 to index
        %get3A_153 = tpu.vector_load %arg9[%get3A, %get3A_152] {strides = array<i32>} : memref<8x128xi32, #tpu.memory_space<vmem>>, vector<16xi32>,
        %shift_right_arithmetic3A = arith.constant 7 : i32
        %shift_right_arithmetic3A_154 = vector.broadcast %shift_right_arithmetic3A : i32 to vector<16xi32>
        %shift_right_arithmetic3A_155 = arith.shrsi %get3A_153, %shift_right_arithmetic3A_154 : vector<16xi32>
        %and3A_156 = arith.constant 127 : i32
        %and3A_157 = vector.broadcast %and3A_156 : i32 to vector<16xi32>
        %and3A_158 = arith.andi %get3A_153, %and3A_157 : vector<16xi32>
        tpu.vector_store_idx %arg14[%shift_right_arithmetic3A_155, %and3A_158], %broadcast_in_dim3A_5 {add = true} : memref<80x128xf32, #tpu.memory_space<vmem>>[vector<16xi32>, vector<16xi32>], vector<16xf32>,
      }
      %scan3A_32 = arith.constant 64 : i32
      %scan3A_33 = arith.constant 0 : i32
      %scan3A_34 = arith.constant 0 : i32
      %scan3A_35 = arith.constant 3 : i32
      %scan3A_36 = arith.addi %scan3A_34, %scan3A_35 : i32
      %scan3A_37 = arith.constant 1 : i32
      scf.for %scan3A_118 = %scan3A_34 to %scan3A_36 step %scan3A_37  : i32 {
        %mul3A_119 = arith.constant 2 : i32
        %mul3A_120 = arith.muli %mul3A_119, %scan3A_118 : i32
        %add3A_121 = arith.constant 1 : i32
        %add3A_122 = arith.addi %mul3A_120, %add3A_121 : i32
        %dma_start3A_123 = arith.constant 0 : i32
        %dma_start3A_124 = tpu.memref_slice %arg8[%add3A_122, %dma_start3A_123] : memref<8x128xi32, #tpu.memory_space<vmem>> -> memref<1x128xi32, #tpu.memory_space<vmem>>
        %dma_start3A_125 = tpu.memref_squeeze %dma_start3A_124 : memref<1x128xi32, #tpu.memory_space<vmem>> -> memref<128xi32, #tpu.memory_space<vmem>>
        %dma_start3A_126 = arith.constant 0 : i32
        %dma_start3A_127 = arith.constant 0 : i32
        %dma_start3A_128 = tpu.memref_slice %arg2[%dma_start3A_126, %dma_start3A_127] : memref<10000x128xf32, #tpu.memory_space<hbm>> -> memref<10000x128xf32, #tpu.memory_space<hbm>>
        tpu.enqueue_indirect_dma source(%dma_start3A_128 : memref<10000x128xf32, #tpu.memory_space<hbm>>) target(%arg13 : memref<128x128xf32, #tpu.memory_space<vmem>>) offsets(%dma_start3A_125 : memref<128xi32, #tpu.memory_space<vmem>>) semaphore(%arg17 : memref<!tpu.dma_semaphore, #tpu.memory_space<semaphore_mem>>)
        %dma_wait3A_129 = arith.constant 0 : i32
        %dma_wait3A_130 = tpu.memref_slice %arg8[%mul3A_120, %dma_wait3A_129] : memref<8x128xi32, #tpu.memory_space<vmem>> -> memref<1x128xi32, #tpu.memory_space<vmem>>
        %dma_wait3A_131 = tpu.memref_squeeze %dma_wait3A_130 : memref<1x128xi32, #tpu.memory_space<vmem>> -> memref<128xi32, #tpu.memory_space<vmem>>
        %dma_wait3A_132 = arith.constant 0 : i32
        %dma_wait3A_133 = arith.constant 0 : i32
        %dma_wait3A_134 = tpu.memref_slice %arg2[%dma_wait3A_132, %dma_wait3A_133] : memref<10000x128xf32, #tpu.memory_space<hbm>> -> memref<10000x128xf32, #tpu.memory_space<hbm>>
        tpu.wait_indirect_dma semaphore(%arg16 : memref<!tpu.dma_semaphore, #tpu.memory_space<semaphore_mem>>) src(%dma_wait3A_134 : memref<10000x128xf32, #tpu.memory_space<hbm>>) dst(%arg12 : memref<128x128xf32, #tpu.memory_space<vmem>>)
        "tpu.region"() ({
          %run_scoped3A_152 = tpu.sem_alloc : memref<!tpu.dma_semaphore, #tpu.memory_space<semaphore_mem>>
          %dma_start3A_153 = arith.constant 0 : i32
          %dma_start3A_154 = tpu.memref_slice %arg9[%mul3A_120, %dma_start3A_153] : memref<8x128xi32, #tpu.memory_space<vmem>> -> memref<1x128xi32, #tpu.memory_space<vmem>>
          %dma_start3A_155 = tpu.memref_squeeze %dma_start3A_154 : memref<1x128xi32, #tpu.memory_space<vmem>> -> memref<128xi32, #tpu.memory_space<vmem>>
          %dma_start3A_156 = arith.constant 0 : i32
          %dma_start3A_157 = arith.constant 0 : i32
          %dma_start3A_158 = tpu.memref_slice %arg15[%dma_start3A_156, %dma_start3A_157] : memref<10240x128xf32, #tpu.memory_space<vmem_shared>> -> memref<10240x128xf32, #tpu.memory_space<vmem_shared>>
          tpu.enqueue_indirect_dma source(%arg12 : memref<128x128xf32, #tpu.memory_space<vmem>>) target(%dma_start3A_158 : memref<10240x128xf32, #tpu.memory_space<vmem_shared>>) offsets(%dma_start3A_155 : memref<128xi32, #tpu.memory_space<vmem>>) semaphore(%run_scoped3A_152 : memref<!tpu.dma_semaphore, #tpu.memory_space<semaphore_mem>>) {add = true}
          %dma_wait3A_159 = arith.constant 0 : i32
          %dma_wait3A_160 = tpu.memref_slice %arg9[%mul3A_120, %dma_wait3A_159] : memref<8x128xi32, #tpu.memory_space<vmem>> -> memref<1x128xi32, #tpu.memory_space<vmem>>
          %dma_wait3A_161 = tpu.memref_squeeze %dma_wait3A_160 : memref<1x128xi32, #tpu.memory_space<vmem>> -> memref<128xi32, #tpu.memory_space<vmem>>
          %dma_wait3A_162 = arith.constant 0 : i32
          %dma_wait3A_163 = arith.constant 0 : i32
          %dma_wait3A_164 = tpu.memref_slice %arg15[%dma_wait3A_162, %dma_wait3A_163] : memref<10240x128xf32, #tpu.memory_space<vmem_shared>> -> memref<10240x128xf32, #tpu.memory_space<vmem_shared>>
          tpu.wait_indirect_dma semaphore(%run_scoped3A_152 : memref<!tpu.dma_semaphore, #tpu.memory_space<semaphore_mem>>) src(%arg12 : memref<128x128xf32, #tpu.memory_space<vmem>>) dst(%dma_wait3A_164 : memref<10240x128xf32, #tpu.memory_space<vmem_shared>>)
          tpu.yield
        }) : () -> ()
        %add3A_135 = arith.constant 2 : i32
        %add3A_136 = arith.addi %mul3A_120, %add3A_135 : i32
        %lt3A_137 = arith.constant 8 : i32
        %lt3A_138 = arith.cmpi slt, %add3A_136, %lt3A_137 : i32
        %convert_element_type3A_139 = arith.extui %lt3A_138 : i1 to i32
        %cond3A_140 = arith.constant 0 : i32
        %cond3A_141 = arith.cmpi ne, %convert_element_type3A_139, %cond3A_140 : i32
        scf.if %cond3A_141 {
          %add3A_152 = arith.constant 2 : i32
          %add3A_153 = arith.addi %mul3A_120, %add3A_152 : i32
          %dma_start3A_154 = arith.constant 0 : i32
          %dma_start3A_155 = tpu.memref_slice %arg8[%add3A_153, %dma_start3A_154] : memref<8x128xi32, #tpu.memory_space<vmem>> -> memref<1x128xi32, #tpu.memory_space<vmem>>
          %dma_start3A_156 = tpu.memref_squeeze %dma_start3A_155 : memref<1x128xi32, #tpu.memory_space<vmem>> -> memref<128xi32, #tpu.memory_space<vmem>>
          %dma_start3A_157 = arith.constant 0 : i32
          %dma_start3A_158 = arith.constant 0 : i32
          %dma_start3A_159 = tpu.memref_slice %arg2[%dma_start3A_157, %dma_start3A_158] : memref<10000x128xf32, #tpu.memory_space<hbm>> -> memref<10000x128xf32, #tpu.memory_space<hbm>>
          tpu.enqueue_indirect_dma source(%dma_start3A_159 : memref<10000x128xf32, #tpu.memory_space<hbm>>) target(%arg12 : memref<128x128xf32, #tpu.memory_space<vmem>>) offsets(%dma_start3A_156 : memref<128xi32, #tpu.memory_space<vmem>>) semaphore(%arg16 : memref<!tpu.dma_semaphore, #tpu.memory_space<semaphore_mem>>)
        } else {
        }
        %add3A_142 = arith.constant 1 : i32
        %add3A_143 = arith.addi %mul3A_120, %add3A_142 : i32
        %dma_wait3A_144 = arith.constant 0 : i32
        %dma_wait3A_145 = tpu.memref_slice %arg8[%add3A_143, %dma_wait3A_144] : memref<8x128xi32, #tpu.memory_space<vmem>> -> memref<1x128xi32, #tpu.memory_space<vmem>>
        %dma_wait3A_146 = tpu.memref_squeeze %dma_wait3A_145 : memref<1x128xi32, #tpu.memory_space<vmem>> -> memref<128xi32, #tpu.memory_space<vmem>>
        %dma_wait3A_147 = arith.constant 0 : i32
        %dma_wait3A_148 = arith.constant 0 : i32
        %dma_wait3A_149 = tpu.memref_slice %arg2[%dma_wait3A_147, %dma_wait3A_148] : memref<10000x128xf32, #tpu.memory_space<hbm>> -> memref<10000x128xf32, #tpu.memory_space<hbm>>
        tpu.wait_indirect_dma semaphore(%arg17 : memref<!tpu.dma_semaphore, #tpu.memory_space<semaphore_mem>>) src(%dma_wait3A_149 : memref<10000x128xf32, #tpu.memory_space<hbm>>) dst(%arg13 : memref<128x128xf32, #tpu.memory_space<vmem>>)
        %add3A_150 = arith.constant 1 : i32
        %add3A_151 = arith.addi %mul3A_120, %add3A_150 : i32
        "tpu.region"() ({
          %run_scoped3A_152 = tpu.sem_alloc : memref<!tpu.dma_semaphore, #tpu.memory_space<semaphore_mem>>
          %dma_start3A_153 = arith.constant 0 : i32
          %dma_start3A_154 = tpu.memref_slice %arg9[%add3A_151, %dma_start3A_153] : memref<8x128xi32, #tpu.memory_space<vmem>> -> memref<1x128xi32, #tpu.memory_space<vmem>>
          %dma_start3A_155 = tpu.memref_squeeze %dma_start3A_154 : memref<1x128xi32, #tpu.memory_space<vmem>> -> memref<128xi32, #tpu.memory_space<vmem>>
          %dma_start3A_156 = arith.constant 0 : i32
          %dma_start3A_157 = arith.constant 0 : i32
          %dma_start3A_158 = tpu.memref_slice %arg15[%dma_start3A_156, %dma_start3A_157] : memref<10240x128xf32, #tpu.memory_space<vmem_shared>> -> memref<10240x128xf32, #tpu.memory_space<vmem_shared>>
          tpu.enqueue_indirect_dma source(%arg13 : memref<128x128xf32, #tpu.memory_space<vmem>>) target(%dma_start3A_158 : memref<10240x128xf32, #tpu.memory_space<vmem_shared>>) offsets(%dma_start3A_155 : memref<128xi32, #tpu.memory_space<vmem>>) semaphore(%run_scoped3A_152 : memref<!tpu.dma_semaphore, #tpu.memory_space<semaphore_mem>>) {add = true}
          %dma_wait3A_159 = arith.constant 0 : i32
          %dma_wait3A_160 = tpu.memref_slice %arg9[%add3A_151, %dma_wait3A_159] : memref<8x128xi32, #tpu.memory_space<vmem>> -> memref<1x128xi32, #tpu.memory_space<vmem>>
          %dma_wait3A_161 = tpu.memref_squeeze %dma_wait3A_160 : memref<1x128xi32, #tpu.memory_space<vmem>> -> memref<128xi32, #tpu.memory_space<vmem>>
          %dma_wait3A_162 = arith.constant 0 : i32
          %dma_wait3A_163 = arith.constant 0 : i32
          %dma_wait3A_164 = tpu.memref_slice %arg15[%dma_wait3A_162, %dma_wait3A_163] : memref<10240x128xf32, #tpu.memory_space<vmem_shared>> -> memref<10240x128xf32, #tpu.memory_space<vmem_shared>>
          tpu.wait_indirect_dma semaphore(%run_scoped3A_152 : memref<!tpu.dma_semaphore, #tpu.memory_space<semaphore_mem>>) src(%arg13 : memref<128x128xf32, #tpu.memory_space<vmem>>) dst(%dma_wait3A_164 : memref<10240x128xf32, #tpu.memory_space<vmem_shared>>)
          tpu.yield
        }) : () -> ()
      }
      %scan3A_38 = arith.constant 3 : i32
      %dma_start3A_39 = arith.constant 7 : i32
      %dma_start3A_40 = arith.constant 0 : i32
      %dma_start3A_41 = tpu.memref_slice %arg8[%dma_start3A_39, %dma_start3A_40] : memref<8x128xi32, #tpu.memory_space<vmem>> -> memref<1x128xi32, #tpu.memory_space<vmem>>
      %dma_start3A_42 = tpu.memref_squeeze %dma_start3A_41 : memref<1x128xi32, #tpu.memory_space<vmem>> -> memref<128xi32, #tpu.memory_space<vmem>>
      %dma_start3A_43 = arith.constant 0 : i32
      %dma_start3A_44 = arith.constant 0 : i32
      %dma_start3A_45 = tpu.memref_slice %arg2[%dma_start3A_43, %dma_start3A_44] : memref<10000x128xf32, #tpu.memory_space<hbm>> -> memref<10000x128xf32, #tpu.memory_space<hbm>>
      tpu.enqueue_indirect_dma source(%dma_start3A_45 : memref<10000x128xf32, #tpu.memory_space<hbm>>) target(%arg13 : memref<128x128xf32, #tpu.memory_space<vmem>>) offsets(%dma_start3A_42 : memref<128xi32, #tpu.memory_space<vmem>>) semaphore(%arg17 : memref<!tpu.dma_semaphore, #tpu.memory_space<semaphore_mem>>)
      %dma_wait3A = arith.constant 6 : i32
      %dma_wait3A_46 = arith.constant 0 : i32
      %dma_wait3A_47 = tpu.memref_slice %arg8[%dma_wait3A, %dma_wait3A_46] : memref<8x128xi32, #tpu.memory_space<vmem>> -> memref<1x128xi32, #tpu.memory_space<vmem>>
      %dma_wait3A_48 = tpu.memref_squeeze %dma_wait3A_47 : memref<1x128xi32, #tpu.memory_space<vmem>> -> memref<128xi32, #tpu.memory_space<vmem>>
      %dma_wait3A_49 = arith.constant 0 : i32
      %dma_wait3A_50 = arith.constant 0 : i32
      %dma_wait3A_51 = tpu.memref_slice %arg2[%dma_wait3A_49, %dma_wait3A_50] : memref<10000x128xf32, #tpu.memory_space<hbm>> -> memref<10000x128xf32, #tpu.memory_space<hbm>>
      tpu.wait_indirect_dma semaphore(%arg16 : memref<!tpu.dma_semaphore, #tpu.memory_space<semaphore_mem>>) src(%dma_wait3A_51 : memref<10000x128xf32, #tpu.memory_space<hbm>>) dst(%arg12 : memref<128x128xf32, #tpu.memory_space<vmem>>)
      %run_scoped3A = arith.constant 6 : i32
      "tpu.region"() ({
        %run_scoped3A_118 = tpu.sem_alloc : memref<!tpu.dma_semaphore, #tpu.memory_space<semaphore_mem>>
        %dma_start3A_119 = arith.constant 0 : i32
        %dma_start3A_120 = tpu.memref_slice %arg9[%run_scoped3A, %dma_start3A_119] : memref<8x128xi32, #tpu.memory_space<vmem>> -> memref<1x128xi32, #tpu.memory_space<vmem>>
        %dma_start3A_121 = tpu.memref_squeeze %dma_start3A_120 : memref<1x128xi32, #tpu.memory_space<vmem>> -> memref<128xi32, #tpu.memory_space<vmem>>
        %dma_start3A_122 = arith.constant 0 : i32
        %dma_start3A_123 = arith.constant 0 : i32
        %dma_start3A_124 = tpu.memref_slice %arg15[%dma_start3A_122, %dma_start3A_123] : memref<10240x128xf32, #tpu.memory_space<vmem_shared>> -> memref<10240x128xf32, #tpu.memory_space<vmem_shared>>
        tpu.enqueue_indirect_dma source(%arg12 : memref<128x128xf32, #tpu.memory_space<vmem>>) target(%dma_start3A_124 : memref<10240x128xf32, #tpu.memory_space<vmem_shared>>) offsets(%dma_start3A_121 : memref<128xi32, #tpu.memory_space<vmem>>) semaphore(%run_scoped3A_118 : memref<!tpu.dma_semaphore, #tpu.memory_space<semaphore_mem>>) {add = true}
        %dma_wait3A_125 = arith.constant 0 : i32
        %dma_wait3A_126 = tpu.memref_slice %arg9[%run_scoped3A, %dma_wait3A_125] : memref<8x128xi32, #tpu.memory_space<vmem>> -> memref<1x128xi32, #tpu.memory_space<vmem>>
        %dma_wait3A_127 = tpu.memref_squeeze %dma_wait3A_126 : memref<1x128xi32, #tpu.memory_space<vmem>> -> memref<128xi32, #tpu.memory_space<vmem>>
        %dma_wait3A_128 = arith.constant 0 : i32
        %dma_wait3A_129 = arith.constant 0 : i32
        %dma_wait3A_130 = tpu.memref_slice %arg15[%dma_wait3A_128, %dma_wait3A_129] : memref<10240x128xf32, #tpu.memory_space<vmem_shared>> -> memref<10240x128xf32, #tpu.memory_space<vmem_shared>>
        tpu.wait_indirect_dma semaphore(%run_scoped3A_118 : memref<!tpu.dma_semaphore, #tpu.memory_space<semaphore_mem>>) src(%arg12 : memref<128x128xf32, #tpu.memory_space<vmem>>) dst(%dma_wait3A_130 : memref<10240x128xf32, #tpu.memory_space<vmem_shared>>)
        tpu.yield
      }) : () -> ()
      %add3A_52 = arith.constant 1 : i32
      %add3A_53 = arith.addi %mul3A_22, %add3A_52 : i32
      %lt3A_54 = arith.constant 10 : i32
      %lt3A_55 = arith.cmpi slt, %add3A_53, %lt3A_54 : i32
      %convert_element_type3A_56 = arith.extui %lt3A_55 : i1 to i32
      %cond3A_57 = arith.constant 0 : i32
      %cond3A_58 = arith.cmpi ne, %convert_element_type3A_56, %cond3A_57 : i32
      scf.if %cond3A_58 {
        %dma_wait3A_118 = arith.constant 0 : i32
        %dma_wait3A_119 = tpu.memref_slice %arg3[%mul3A_4, %dma_wait3A_118] : memref<2560x128xi32, #tpu.memory_space<hbm>> -> memref<8x128xi32, #tpu.memory_space<hbm>>
        %dma_wait3A_120 = arith.constant 0 : i32
        %dma_wait3A_121 = tpu.memref_slice %arg3[%mul3A_4, %dma_wait3A_120] : memref<2560x128xi32, #tpu.memory_space<hbm>> -> memref<8x128xi32, #tpu.memory_space<hbm>>
        tpu.wait_dma2 semaphore(%arg18 : memref<!tpu.dma_semaphore, #tpu.memory_space<semaphore_mem>>) src(%dma_wait3A_121 : memref<8x128xi32, #tpu.memory_space<hbm>>) dst(%arg10 : memref<8x128xi32, #tpu.memory_space<vmem>>)
        %dma_wait3A_122 = arith.constant 0 : i32
        %dma_wait3A_123 = tpu.memref_slice %arg4[%mul3A_4, %dma_wait3A_122] : memref<2560x128xi32, #tpu.memory_space<hbm>> -> memref<8x128xi32, #tpu.memory_space<hbm>>
        %dma_wait3A_124 = arith.constant 0 : i32
        %dma_wait3A_125 = tpu.memref_slice %arg4[%mul3A_4, %dma_wait3A_124] : memref<2560x128xi32, #tpu.memory_space<hbm>> -> memref<8x128xi32, #tpu.memory_space<hbm>>
        tpu.wait_dma2 semaphore(%arg19 : memref<!tpu.dma_semaphore, #tpu.memory_space<semaphore_mem>>) src(%dma_wait3A_125 : memref<8x128xi32, #tpu.memory_space<hbm>>) dst(%arg11 : memref<8x128xi32, #tpu.memory_space<vmem>>)
        %dma_start3A_126 = arith.constant 0 : i32
        %dma_start3A_127 = arith.constant 0 : i32
        %dma_start3A_128 = tpu.memref_slice %arg10[%dma_start3A_126, %dma_start3A_127] : memref<8x128xi32, #tpu.memory_space<vmem>> -> memref<1x128xi32, #tpu.memory_space<vmem>>
        %dma_start3A_129 = tpu.memref_squeeze %dma_start3A_128 : memref<1x128xi32, #tpu.memory_space<vmem>> -> memref<128xi32, #tpu.memory_space<vmem>>
        %dma_start3A_130 = arith.constant 0 : i32
        %dma_start3A_131 = arith.constant 0 : i32
        %dma_start3A_132 = tpu.memref_slice %arg2[%dma_start3A_130, %dma_start3A_131] : memref<10000x128xf32, #tpu.memory_space<hbm>> -> memref<10000x128xf32, #tpu.memory_space<hbm>>
        tpu.enqueue_indirect_dma source(%dma_start3A_132 : memref<10000x128xf32, #tpu.memory_space<hbm>>) target(%arg12 : memref<128x128xf32, #tpu.memory_space<vmem>>) offsets(%dma_start3A_129 : memref<128xi32, #tpu.memory_space<vmem>>) semaphore(%arg16 : memref<!tpu.dma_semaphore, #tpu.memory_space<semaphore_mem>>)
      } else {
      }
      %dma_wait3A_59 = arith.constant 7 : i32
      %dma_wait3A_60 = arith.constant 0 : i32
      %dma_wait3A_61 = tpu.memref_slice %arg8[%dma_wait3A_59, %dma_wait3A_60] : memref<8x128xi32, #tpu.memory_space<vmem>> -> memref<1x128xi32, #tpu.memory_space<vmem>>
      %dma_wait3A_62 = tpu.memref_squeeze %dma_wait3A_61 : memref<1x128xi32, #tpu.memory_space<vmem>> -> memref<128xi32, #tpu.memory_space<vmem>>
      %dma_wait3A_63 = arith.constant 0 : i32
      %dma_wait3A_64 = arith.constant 0 : i32
      %dma_wait3A_65 = tpu.memref_slice %arg2[%dma_wait3A_63, %dma_wait3A_64] : memref<10000x128xf32, #tpu.memory_space<hbm>> -> memref<10000x128xf32, #tpu.memory_space<hbm>>
      tpu.wait_indirect_dma semaphore(%arg17 : memref<!tpu.dma_semaphore, #tpu.memory_space<semaphore_mem>>) src(%dma_wait3A_65 : memref<10000x128xf32, #tpu.memory_space<hbm>>) dst(%arg13 : memref<128x128xf32, #tpu.memory_space<vmem>>)
      %run_scoped3A_66 = arith.constant 7 : i32
      "tpu.region"() ({
        %run_scoped3A_118 = tpu.sem_alloc : memref<!tpu.dma_semaphore, #tpu.memory_space<semaphore_mem>>
        %dma_start3A_119 = arith.constant 0 : i32
        %dma_start3A_120 = tpu.memref_slice %arg9[%run_scoped3A_66, %dma_start3A_119] : memref<8x128xi32, #tpu.memory_space<vmem>> -> memref<1x128xi32, #tpu.memory_space<vmem>>
        %dma_start3A_121 = tpu.memref_squeeze %dma_start3A_120 : memref<1x128xi32, #tpu.memory_space<vmem>> -> memref<128xi32, #tpu.memory_space<vmem>>
        %dma_start3A_122 = arith.constant 0 : i32
        %dma_start3A_123 = arith.constant 0 : i32
        %dma_start3A_124 = tpu.memref_slice %arg15[%dma_start3A_122, %dma_start3A_123] : memref<10240x128xf32, #tpu.memory_space<vmem_shared>> -> memref<10240x128xf32, #tpu.memory_space<vmem_shared>>
        tpu.enqueue_indirect_dma source(%arg13 : memref<128x128xf32, #tpu.memory_space<vmem>>) target(%dma_start3A_124 : memref<10240x128xf32, #tpu.memory_space<vmem_shared>>) offsets(%dma_start3A_121 : memref<128xi32, #tpu.memory_space<vmem>>) semaphore(%run_scoped3A_118 : memref<!tpu.dma_semaphore, #tpu.memory_space<semaphore_mem>>) {add = true}
        %dma_wait3A_125 = arith.constant 0 : i32
        %dma_wait3A_126 = tpu.memref_slice %arg9[%run_scoped3A_66, %dma_wait3A_125] : memref<8x128xi32, #tpu.memory_space<vmem>> -> memref<1x128xi32, #tpu.memory_space<vmem>>
        %dma_wait3A_127 = tpu.memref_squeeze %dma_wait3A_126 : memref<1x128xi32, #tpu.memory_space<vmem>> -> memref<128xi32, #tpu.memory_space<vmem>>
        %dma_wait3A_128 = arith.constant 0 : i32
        %dma_wait3A_129 = arith.constant 0 : i32
        %dma_wait3A_130 = tpu.memref_slice %arg15[%dma_wait3A_128, %dma_wait3A_129] : memref<10240x128xf32, #tpu.memory_space<vmem_shared>> -> memref<10240x128xf32, #tpu.memory_space<vmem_shared>>
        tpu.wait_indirect_dma semaphore(%run_scoped3A_118 : memref<!tpu.dma_semaphore, #tpu.memory_space<semaphore_mem>>) src(%arg13 : memref<128x128xf32, #tpu.memory_space<vmem>>) dst(%dma_wait3A_130 : memref<10240x128xf32, #tpu.memory_space<vmem_shared>>)
        tpu.yield
      }) : () -> ()
      %add3A_67 = arith.constant 1 : i32
      %add3A_68 = arith.addi %mul3A_22, %add3A_67 : i32
      %add3A_69 = arith.constant 1 : i32
      %add3A_70 = arith.addi %add3A_68, %add3A_69 : i32
      %lt3A_71 = arith.constant 10 : i32
      %lt3A_72 = arith.cmpi slt, %add3A_70, %lt3A_71 : i32
      %convert_element_type3A_73 = arith.extui %lt3A_72 : i1 to i32
      %cond3A_74 = arith.constant 0 : i32
      %cond3A_75 = arith.cmpi ne, %convert_element_type3A_73, %cond3A_74 : i32
      scf.if %cond3A_75 {
        %add3A_118 = arith.constant 1 : i32
        %add3A_119 = arith.addi %add3A_68, %add3A_118 : i32
        %mul3A_120 = arith.constant 8 : i32
        %mul3A_121 = arith.muli %add3A_119, %mul3A_120 : i32
        %add3A_122 = arith.addi %mul3A_4, %mul3A_121 : i32
        %dma_start3A_123 = arith.constant 0 : i32
        %dma_start3A_124 = tpu.memref_slice %arg3[%add3A_122, %dma_start3A_123] : memref<2560x128xi32, #tpu.memory_space<hbm>> -> memref<8x128xi32, #tpu.memory_space<hbm>>
        %dma_start3A_125 = arith.constant 0 : i32
        %dma_start3A_126 = tpu.memref_slice %arg3[%add3A_122, %dma_start3A_125] : memref<2560x128xi32, #tpu.memory_space<hbm>> -> memref<8x128xi32, #tpu.memory_space<hbm>>
        tpu.enqueue_dma source(%dma_start3A_126 : memref<8x128xi32, #tpu.memory_space<hbm>>) target(%arg8 : memref<8x128xi32, #tpu.memory_space<vmem>>) target_semaphore(%arg18 : memref<!tpu.dma_semaphore, #tpu.memory_space<semaphore_mem>>)
        %dma_start3A_127 = arith.constant 0 : i32
        %dma_start3A_128 = tpu.memref_slice %arg4[%add3A_122, %dma_start3A_127] : memref<2560x128xi32, #tpu.memory_space<hbm>> -> memref<8x128xi32, #tpu.memory_space<hbm>>
        %dma_start3A_129 = arith.constant 0 : i32
        %dma_start3A_130 = tpu.memref_slice %arg4[%add3A_122, %dma_start3A_129] : memref<2560x128xi32, #tpu.memory_space<hbm>> -> memref<8x128xi32, #tpu.memory_space<hbm>>
        tpu.enqueue_dma source(%dma_start3A_130 : memref<8x128xi32, #tpu.memory_space<hbm>>) target(%arg9 : memref<8x128xi32, #tpu.memory_space<vmem>>) target_semaphore(%arg19 : memref<!tpu.dma_semaphore, #tpu.memory_space<semaphore_mem>>)
      } else {
      }
      %scan3A_76 = arith.constant 0 : i32
      %scan3A_77 = arith.constant 0 : i32
      %scan3A_78 = arith.constant 64 : i32
      %scan3A_79 = arith.addi %scan3A_77, %scan3A_78 : i32
      %scan3A_80 = arith.constant 1 : i32
      scf.for %scan3A_118 = %scan3A_77 to %scan3A_79 step %scan3A_80  : i32 {
        %jit3A = arith.constant 8 : i32
        %div3A = arith.divsi %scan3A_118, %jit3A : i32
        %sign3A = arith.constant 0 : i32
        %sign3A_119 = arith.cmpi sgt, %scan3A_118, %sign3A : i32
        %sign3A_120 = arith.extui %sign3A_119 : i1 to i32
        %sign3A_121 = arith.constant 0 : i32
        %sign3A_122 = arith.cmpi slt, %scan3A_118, %sign3A_121 : i32
        %sign3A_123 = arith.extui %sign3A_122 : i1 to i32
        %sign3A_124 = arith.subi %sign3A_120, %sign3A_123 : i32
        %sign3A_125 = arith.constant 0 : i32
        %sign3A_126 = arith.cmpi sgt, %jit3A, %sign3A_125 : i32
        %sign3A_127 = arith.extui %sign3A_126 : i1 to i32
        %sign3A_128 = arith.constant 0 : i32
        %sign3A_129 = arith.cmpi slt, %jit3A, %sign3A_128 : i32
        %sign3A_130 = arith.extui %sign3A_129 : i1 to i32
        %sign3A_131 = arith.subi %sign3A_127, %sign3A_130 : i32
        %ne3A = arith.cmpi ne, %sign3A_124, %sign3A_131 : i32
        %rem3A = arith.remsi %scan3A_118, %jit3A : i32
        %ne3A_132 = arith.constant 0 : i32
        %ne3A_133 = arith.cmpi ne, %rem3A, %ne3A_132 : i32
        %and3A = arith.andi %ne3A, %ne3A_133 : i1
        %sub3A = arith.constant 1 : i32
        %sub3A_134 = arith.subi %div3A, %sub3A : i32
        %select_n3A = arith.select %and3A, %sub3A_134, %div3A : i32
        %jit3A_135 = arith.constant 8 : i32
        %eq3A = arith.constant 0 : i32
        %eq3A_136 = arith.cmpi eq, %jit3A_135, %eq3A : i32
        %jit3A_137 = arith.constant 1 : i32
        %select_n3A_138 = arith.select %eq3A_136, %jit3A_137, %jit3A_135 : i32
        %rem3A_139 = arith.remsi %scan3A_118, %select_n3A_138 : i32
        %ne3A_140 = arith.constant 0 : i32
        %ne3A_141 = arith.cmpi ne, %rem3A_139, %ne3A_140 : i32
        %lt3A_142 = arith.constant 0 : i32
        %lt3A_143 = arith.cmpi slt, %rem3A_139, %lt3A_142 : i32
        %lt3A_144 = arith.constant 0 : i32
        %lt3A_145 = arith.cmpi slt, %select_n3A_138, %lt3A_144 : i32
        %ne3A_146 = arith.xori %lt3A_143, %lt3A_145 : i1
        %and3A_147 = arith.andi %ne3A_146, %ne3A_141 : i1
        %add3A_148 = arith.addi %rem3A_139, %select_n3A_138 : i32
        %select_n3A_149 = arith.select %and3A_147, %add3A_148, %rem3A_139 : i32
        %mul3A_150 = arith.constant 16 : i32
        %mul3A_151 = arith.muli %select_n3A_149, %mul3A_150 : i32
        %get3A = arith.index_cast %select_n3A : i32 to index
        %get3A_152 = arith.index_cast %mul3A_151 : i32 to index
        %get3A_153 = tpu.vector_load %arg11[%get3A, %get3A_152] {strides = array<i32>} : memref<8x128xi32, #tpu.memory_space<vmem>>, vector<16xi32>,
        %shift_right_arithmetic3A = arith.constant 7 : i32
        %shift_right_arithmetic3A_154 = vector.broadcast %shift_right_arithmetic3A : i32 to vector<16xi32>
        %shift_right_arithmetic3A_155 = arith.shrsi %get3A_153, %shift_right_arithmetic3A_154 : vector<16xi32>
        %and3A_156 = arith.constant 127 : i32
        %and3A_157 = vector.broadcast %and3A_156 : i32 to vector<16xi32>
        %and3A_158 = arith.andi %get3A_153, %and3A_157 : vector<16xi32>
        tpu.vector_store_idx %arg14[%shift_right_arithmetic3A_155, %and3A_158], %broadcast_in_dim3A_5 {add = true} : memref<80x128xf32, #tpu.memory_space<vmem>>[vector<16xi32>, vector<16xi32>], vector<16xf32>,
      }
      %scan3A_81 = arith.constant 64 : i32
      %scan3A_82 = arith.constant 0 : i32
      %scan3A_83 = arith.constant 0 : i32
      %scan3A_84 = arith.constant 3 : i32
      %scan3A_85 = arith.addi %scan3A_83, %scan3A_84 : i32
      %scan3A_86 = arith.constant 1 : i32
      scf.for %scan3A_118 = %scan3A_83 to %scan3A_85 step %scan3A_86  : i32 {
        %mul3A_119 = arith.constant 2 : i32
        %mul3A_120 = arith.muli %mul3A_119, %scan3A_118 : i32
        %add3A_121 = arith.constant 1 : i32
        %add3A_122 = arith.addi %mul3A_120, %add3A_121 : i32
        %dma_start3A_123 = arith.constant 0 : i32
        %dma_start3A_124 = tpu.memref_slice %arg10[%add3A_122, %dma_start3A_123] : memref<8x128xi32, #tpu.memory_space<vmem>> -> memref<1x128xi32, #tpu.memory_space<vmem>>
        %dma_start3A_125 = tpu.memref_squeeze %dma_start3A_124 : memref<1x128xi32, #tpu.memory_space<vmem>> -> memref<128xi32, #tpu.memory_space<vmem>>
        %dma_start3A_126 = arith.constant 0 : i32
        %dma_start3A_127 = arith.constant 0 : i32
        %dma_start3A_128 = tpu.memref_slice %arg2[%dma_start3A_126, %dma_start3A_127] : memref<10000x128xf32, #tpu.memory_space<hbm>> -> memref<10000x128xf32, #tpu.memory_space<hbm>>
        tpu.enqueue_indirect_dma source(%dma_start3A_128 : memref<10000x128xf32, #tpu.memory_space<hbm>>) target(%arg13 : memref<128x128xf32, #tpu.memory_space<vmem>>) offsets(%dma_start3A_125 : memref<128xi32, #tpu.memory_space<vmem>>) semaphore(%arg17 : memref<!tpu.dma_semaphore, #tpu.memory_space<semaphore_mem>>)
        %dma_wait3A_129 = arith.constant 0 : i32
        %dma_wait3A_130 = tpu.memref_slice %arg10[%mul3A_120, %dma_wait3A_129] : memref<8x128xi32, #tpu.memory_space<vmem>> -> memref<1x128xi32, #tpu.memory_space<vmem>>
        %dma_wait3A_131 = tpu.memref_squeeze %dma_wait3A_130 : memref<1x128xi32, #tpu.memory_space<vmem>> -> memref<128xi32, #tpu.memory_space<vmem>>
        %dma_wait3A_132 = arith.constant 0 : i32
        %dma_wait3A_133 = arith.constant 0 : i32
        %dma_wait3A_134 = tpu.memref_slice %arg2[%dma_wait3A_132, %dma_wait3A_133] : memref<10000x128xf32, #tpu.memory_space<hbm>> -> memref<10000x128xf32, #tpu.memory_space<hbm>>
        tpu.wait_indirect_dma semaphore(%arg16 : memref<!tpu.dma_semaphore, #tpu.memory_space<semaphore_mem>>) src(%dma_wait3A_134 : memref<10000x128xf32, #tpu.memory_space<hbm>>) dst(%arg12 : memref<128x128xf32, #tpu.memory_space<vmem>>)
        "tpu.region"() ({
          %run_scoped3A_152 = tpu.sem_alloc : memref<!tpu.dma_semaphore, #tpu.memory_space<semaphore_mem>>
          %dma_start3A_153 = arith.constant 0 : i32
          %dma_start3A_154 = tpu.memref_slice %arg11[%mul3A_120, %dma_start3A_153] : memref<8x128xi32, #tpu.memory_space<vmem>> -> memref<1x128xi32, #tpu.memory_space<vmem>>
          %dma_start3A_155 = tpu.memref_squeeze %dma_start3A_154 : memref<1x128xi32, #tpu.memory_space<vmem>> -> memref<128xi32, #tpu.memory_space<vmem>>
          %dma_start3A_156 = arith.constant 0 : i32
          %dma_start3A_157 = arith.constant 0 : i32
          %dma_start3A_158 = tpu.memref_slice %arg15[%dma_start3A_156, %dma_start3A_157] : memref<10240x128xf32, #tpu.memory_space<vmem_shared>> -> memref<10240x128xf32, #tpu.memory_space<vmem_shared>>
          tpu.enqueue_indirect_dma source(%arg12 : memref<128x128xf32, #tpu.memory_space<vmem>>) target(%dma_start3A_158 : memref<10240x128xf32, #tpu.memory_space<vmem_shared>>) offsets(%dma_start3A_155 : memref<128xi32, #tpu.memory_space<vmem>>) semaphore(%run_scoped3A_152 : memref<!tpu.dma_semaphore, #tpu.memory_space<semaphore_mem>>) {add = true}
          %dma_wait3A_159 = arith.constant 0 : i32
          %dma_wait3A_160 = tpu.memref_slice %arg11[%mul3A_120, %dma_wait3A_159] : memref<8x128xi32, #tpu.memory_space<vmem>> -> memref<1x128xi32, #tpu.memory_space<vmem>>
          %dma_wait3A_161 = tpu.memref_squeeze %dma_wait3A_160 : memref<1x128xi32, #tpu.memory_space<vmem>> -> memref<128xi32, #tpu.memory_space<vmem>>
          %dma_wait3A_162 = arith.constant 0 : i32
          %dma_wait3A_163 = arith.constant 0 : i32
          %dma_wait3A_164 = tpu.memref_slice %arg15[%dma_wait3A_162, %dma_wait3A_163] : memref<10240x128xf32, #tpu.memory_space<vmem_shared>> -> memref<10240x128xf32, #tpu.memory_space<vmem_shared>>
          tpu.wait_indirect_dma semaphore(%run_scoped3A_152 : memref<!tpu.dma_semaphore, #tpu.memory_space<semaphore_mem>>) src(%arg12 : memref<128x128xf32, #tpu.memory_space<vmem>>) dst(%dma_wait3A_164 : memref<10240x128xf32, #tpu.memory_space<vmem_shared>>)
          tpu.yield
        }) : () -> ()
        %add3A_135 = arith.constant 2 : i32
        %add3A_136 = arith.addi %mul3A_120, %add3A_135 : i32
        %lt3A_137 = arith.constant 8 : i32
        %lt3A_138 = arith.cmpi slt, %add3A_136, %lt3A_137 : i32
        %convert_element_type3A_139 = arith.extui %lt3A_138 : i1 to i32
        %cond3A_140 = arith.constant 0 : i32
        %cond3A_141 = arith.cmpi ne, %convert_element_type3A_139, %cond3A_140 : i32
        scf.if %cond3A_141 {
          %add3A_152 = arith.constant 2 : i32
          %add3A_153 = arith.addi %mul3A_120, %add3A_152 : i32
          %dma_start3A_154 = arith.constant 0 : i32
          %dma_start3A_155 = tpu.memref_slice %arg10[%add3A_153, %dma_start3A_154] : memref<8x128xi32, #tpu.memory_space<vmem>> -> memref<1x128xi32, #tpu.memory_space<vmem>>
          %dma_start3A_156 = tpu.memref_squeeze %dma_start3A_155 : memref<1x128xi32, #tpu.memory_space<vmem>> -> memref<128xi32, #tpu.memory_space<vmem>>
          %dma_start3A_157 = arith.constant 0 : i32
          %dma_start3A_158 = arith.constant 0 : i32
          %dma_start3A_159 = tpu.memref_slice %arg2[%dma_start3A_157, %dma_start3A_158] : memref<10000x128xf32, #tpu.memory_space<hbm>> -> memref<10000x128xf32, #tpu.memory_space<hbm>>
          tpu.enqueue_indirect_dma source(%dma_start3A_159 : memref<10000x128xf32, #tpu.memory_space<hbm>>) target(%arg12 : memref<128x128xf32, #tpu.memory_space<vmem>>) offsets(%dma_start3A_156 : memref<128xi32, #tpu.memory_space<vmem>>) semaphore(%arg16 : memref<!tpu.dma_semaphore, #tpu.memory_space<semaphore_mem>>)
        } else {
        }
        %add3A_142 = arith.constant 1 : i32
        %add3A_143 = arith.addi %mul3A_120, %add3A_142 : i32
        %dma_wait3A_144 = arith.constant 0 : i32
        %dma_wait3A_145 = tpu.memref_slice %arg10[%add3A_143, %dma_wait3A_144] : memref<8x128xi32, #tpu.memory_space<vmem>> -> memref<1x128xi32, #tpu.memory_space<vmem>>
        %dma_wait3A_146 = tpu.memref_squeeze %dma_wait3A_145 : memref<1x128xi32, #tpu.memory_space<vmem>> -> memref<128xi32, #tpu.memory_space<vmem>>
        %dma_wait3A_147 = arith.constant 0 : i32
        %dma_wait3A_148 = arith.constant 0 : i32
        %dma_wait3A_149 = tpu.memref_slice %arg2[%dma_wait3A_147, %dma_wait3A_148] : memref<10000x128xf32, #tpu.memory_space<hbm>> -> memref<10000x128xf32, #tpu.memory_space<hbm>>
        tpu.wait_indirect_dma semaphore(%arg17 : memref<!tpu.dma_semaphore, #tpu.memory_space<semaphore_mem>>) src(%dma_wait3A_149 : memref<10000x128xf32, #tpu.memory_space<hbm>>) dst(%arg13 : memref<128x128xf32, #tpu.memory_space<vmem>>)
        %add3A_150 = arith.constant 1 : i32
        %add3A_151 = arith.addi %mul3A_120, %add3A_150 : i32
        "tpu.region"() ({
          %run_scoped3A_152 = tpu.sem_alloc : memref<!tpu.dma_semaphore, #tpu.memory_space<semaphore_mem>>
          %dma_start3A_153 = arith.constant 0 : i32
          %dma_start3A_154 = tpu.memref_slice %arg11[%add3A_151, %dma_start3A_153] : memref<8x128xi32, #tpu.memory_space<vmem>> -> memref<1x128xi32, #tpu.memory_space<vmem>>
          %dma_start3A_155 = tpu.memref_squeeze %dma_start3A_154 : memref<1x128xi32, #tpu.memory_space<vmem>> -> memref<128xi32, #tpu.memory_space<vmem>>
          %dma_start3A_156 = arith.constant 0 : i32
          %dma_start3A_157 = arith.constant 0 : i32
          %dma_start3A_158 = tpu.memref_slice %arg15[%dma_start3A_156, %dma_start3A_157] : memref<10240x128xf32, #tpu.memory_space<vmem_shared>> -> memref<10240x128xf32, #tpu.memory_space<vmem_shared>>
          tpu.enqueue_indirect_dma source(%arg13 : memref<128x128xf32, #tpu.memory_space<vmem>>) target(%dma_start3A_158 : memref<10240x128xf32, #tpu.memory_space<vmem_shared>>) offsets(%dma_start3A_155 : memref<128xi32, #tpu.memory_space<vmem>>) semaphore(%run_scoped3A_152 : memref<!tpu.dma_semaphore, #tpu.memory_space<semaphore_mem>>) {add = true}
          %dma_wait3A_159 = arith.constant 0 : i32
          %dma_wait3A_160 = tpu.memref_slice %arg11[%add3A_151, %dma_wait3A_159] : memref<8x128xi32, #tpu.memory_space<vmem>> -> memref<1x128xi32, #tpu.memory_space<vmem>>
          %dma_wait3A_161 = tpu.memref_squeeze %dma_wait3A_160 : memref<1x128xi32, #tpu.memory_space<vmem>> -> memref<128xi32, #tpu.memory_space<vmem>>
          %dma_wait3A_162 = arith.constant 0 : i32
          %dma_wait3A_163 = arith.constant 0 : i32
          %dma_wait3A_164 = tpu.memref_slice %arg15[%dma_wait3A_162, %dma_wait3A_163] : memref<10240x128xf32, #tpu.memory_space<vmem_shared>> -> memref<10240x128xf32, #tpu.memory_space<vmem_shared>>
          tpu.wait_indirect_dma semaphore(%run_scoped3A_152 : memref<!tpu.dma_semaphore, #tpu.memory_space<semaphore_mem>>) src(%arg13 : memref<128x128xf32, #tpu.memory_space<vmem>>) dst(%dma_wait3A_164 : memref<10240x128xf32, #tpu.memory_space<vmem_shared>>)
          tpu.yield
        }) : () -> ()
      }
      %scan3A_87 = arith.constant 3 : i32
      %dma_start3A_88 = arith.constant 7 : i32
      %dma_start3A_89 = arith.constant 0 : i32
      %dma_start3A_90 = tpu.memref_slice %arg10[%dma_start3A_88, %dma_start3A_89] : memref<8x128xi32, #tpu.memory_space<vmem>> -> memref<1x128xi32, #tpu.memory_space<vmem>>
      %dma_start3A_91 = tpu.memref_squeeze %dma_start3A_90 : memref<1x128xi32, #tpu.memory_space<vmem>> -> memref<128xi32, #tpu.memory_space<vmem>>
      %dma_start3A_92 = arith.constant 0 : i32
      %dma_start3A_93 = arith.constant 0 : i32
      %dma_start3A_94 = tpu.memref_slice %arg2[%dma_start3A_92, %dma_start3A_93] : memref<10000x128xf32, #tpu.memory_space<hbm>> -> memref<10000x128xf32, #tpu.memory_space<hbm>>
      tpu.enqueue_indirect_dma source(%dma_start3A_94 : memref<10000x128xf32, #tpu.memory_space<hbm>>) target(%arg13 : memref<128x128xf32, #tpu.memory_space<vmem>>) offsets(%dma_start3A_91 : memref<128xi32, #tpu.memory_space<vmem>>) semaphore(%arg17 : memref<!tpu.dma_semaphore, #tpu.memory_space<semaphore_mem>>)
      %dma_wait3A_95 = arith.constant 6 : i32
      %dma_wait3A_96 = arith.constant 0 : i32
      %dma_wait3A_97 = tpu.memref_slice %arg10[%dma_wait3A_95, %dma_wait3A_96] : memref<8x128xi32, #tpu.memory_space<vmem>> -> memref<1x128xi32, #tpu.memory_space<vmem>>
      %dma_wait3A_98 = tpu.memref_squeeze %dma_wait3A_97 : memref<1x128xi32, #tpu.memory_space<vmem>> -> memref<128xi32, #tpu.memory_space<vmem>>
      %dma_wait3A_99 = arith.constant 0 : i32
      %dma_wait3A_100 = arith.constant 0 : i32
      %dma_wait3A_101 = tpu.memref_slice %arg2[%dma_wait3A_99, %dma_wait3A_100] : memref<10000x128xf32, #tpu.memory_space<hbm>> -> memref<10000x128xf32, #tpu.memory_space<hbm>>
      tpu.wait_indirect_dma semaphore(%arg16 : memref<!tpu.dma_semaphore, #tpu.memory_space<semaphore_mem>>) src(%dma_wait3A_101 : memref<10000x128xf32, #tpu.memory_space<hbm>>) dst(%arg12 : memref<128x128xf32, #tpu.memory_space<vmem>>)
      %run_scoped3A_102 = arith.constant 6 : i32
      "tpu.region"() ({
        %run_scoped3A_118 = tpu.sem_alloc : memref<!tpu.dma_semaphore, #tpu.memory_space<semaphore_mem>>
        %dma_start3A_119 = arith.constant 0 : i32
        %dma_start3A_120 = tpu.memref_slice %arg11[%run_scoped3A_102, %dma_start3A_119] : memref<8x128xi32, #tpu.memory_space<vmem>> -> memref<1x128xi32, #tpu.memory_space<vmem>>
        %dma_start3A_121 = tpu.memref_squeeze %dma_start3A_120 : memref<1x128xi32, #tpu.memory_space<vmem>> -> memref<128xi32, #tpu.memory_space<vmem>>
        %dma_start3A_122 = arith.constant 0 : i32
        %dma_start3A_123 = arith.constant 0 : i32
        %dma_start3A_124 = tpu.memref_slice %arg15[%dma_start3A_122, %dma_start3A_123] : memref<10240x128xf32, #tpu.memory_space<vmem_shared>> -> memref<10240x128xf32, #tpu.memory_space<vmem_shared>>
        tpu.enqueue_indirect_dma source(%arg12 : memref<128x128xf32, #tpu.memory_space<vmem>>) target(%dma_start3A_124 : memref<10240x128xf32, #tpu.memory_space<vmem_shared>>) offsets(%dma_start3A_121 : memref<128xi32, #tpu.memory_space<vmem>>) semaphore(%run_scoped3A_118 : memref<!tpu.dma_semaphore, #tpu.memory_space<semaphore_mem>>) {add = true}
        %dma_wait3A_125 = arith.constant 0 : i32
        %dma_wait3A_126 = tpu.memref_slice %arg11[%run_scoped3A_102, %dma_wait3A_125] : memref<8x128xi32, #tpu.memory_space<vmem>> -> memref<1x128xi32, #tpu.memory_space<vmem>>
        %dma_wait3A_127 = tpu.memref_squeeze %dma_wait3A_126 : memref<1x128xi32, #tpu.memory_space<vmem>> -> memref<128xi32, #tpu.memory_space<vmem>>
        %dma_wait3A_128 = arith.constant 0 : i32
        %dma_wait3A_129 = arith.constant 0 : i32
        %dma_wait3A_130 = tpu.memref_slice %arg15[%dma_wait3A_128, %dma_wait3A_129] : memref<10240x128xf32, #tpu.memory_space<vmem_shared>> -> memref<10240x128xf32, #tpu.memory_space<vmem_shared>>
        tpu.wait_indirect_dma semaphore(%run_scoped3A_118 : memref<!tpu.dma_semaphore, #tpu.memory_space<semaphore_mem>>) src(%arg12 : memref<128x128xf32, #tpu.memory_space<vmem>>) dst(%dma_wait3A_130 : memref<10240x128xf32, #tpu.memory_space<vmem_shared>>)
        tpu.yield
      }) : () -> ()
      %add3A_103 = arith.constant 1 : i32
      %add3A_104 = arith.addi %add3A_68, %add3A_103 : i32
      %lt3A_105 = arith.constant 10 : i32
      %lt3A_106 = arith.cmpi slt, %add3A_104, %lt3A_105 : i32
      %convert_element_type3A_107 = arith.extui %lt3A_106 : i1 to i32
      %cond3A_108 = arith.constant 0 : i32
      %cond3A_109 = arith.cmpi ne, %convert_element_type3A_107, %cond3A_108 : i32
      scf.if %cond3A_109 {
        %dma_wait3A_118 = arith.constant 0 : i32
        %dma_wait3A_119 = tpu.memref_slice %arg3[%mul3A_4, %dma_wait3A_118] : memref<2560x128xi32, #tpu.memory_space<hbm>> -> memref<8x128xi32, #tpu.memory_space<hbm>>
        %dma_wait3A_120 = arith.constant 0 : i32
        %dma_wait3A_121 = tpu.memref_slice %arg3[%mul3A_4, %dma_wait3A_120] : memref<2560x128xi32, #tpu.memory_space<hbm>> -> memref<8x128xi32, #tpu.memory_space<hbm>>
        tpu.wait_dma2 semaphore(%arg18 : memref<!tpu.dma_semaphore, #tpu.memory_space<semaphore_mem>>) src(%dma_wait3A_121 : memref<8x128xi32, #tpu.memory_space<hbm>>) dst(%arg8 : memref<8x128xi32, #tpu.memory_space<vmem>>)
        %dma_wait3A_122 = arith.constant 0 : i32
        %dma_wait3A_123 = tpu.memref_slice %arg4[%mul3A_4, %dma_wait3A_122] : memref<2560x128xi32, #tpu.memory_space<hbm>> -> memref<8x128xi32, #tpu.memory_space<hbm>>
        %dma_wait3A_124 = arith.constant 0 : i32
        %dma_wait3A_125 = tpu.memref_slice %arg4[%mul3A_4, %dma_wait3A_124] : memref<2560x128xi32, #tpu.memory_space<hbm>> -> memref<8x128xi32, #tpu.memory_space<hbm>>
        tpu.wait_dma2 semaphore(%arg19 : memref<!tpu.dma_semaphore, #tpu.memory_space<semaphore_mem>>) src(%dma_wait3A_125 : memref<8x128xi32, #tpu.memory_space<hbm>>) dst(%arg9 : memref<8x128xi32, #tpu.memory_space<vmem>>)
        %dma_start3A_126 = arith.constant 0 : i32
        %dma_start3A_127 = arith.constant 0 : i32
        %dma_start3A_128 = tpu.memref_slice %arg8[%dma_start3A_126, %dma_start3A_127] : memref<8x128xi32, #tpu.memory_space<vmem>> -> memref<1x128xi32, #tpu.memory_space<vmem>>
        %dma_start3A_129 = tpu.memref_squeeze %dma_start3A_128 : memref<1x128xi32, #tpu.memory_space<vmem>> -> memref<128xi32, #tpu.memory_space<vmem>>
        %dma_start3A_130 = arith.constant 0 : i32
        %dma_start3A_131 = arith.constant 0 : i32
        %dma_start3A_132 = tpu.memref_slice %arg2[%dma_start3A_130, %dma_start3A_131] : memref<10000x128xf32, #tpu.memory_space<hbm>> -> memref<10000x128xf32, #tpu.memory_space<hbm>>
        tpu.enqueue_indirect_dma source(%dma_start3A_132 : memref<10000x128xf32, #tpu.memory_space<hbm>>) target(%arg12 : memref<128x128xf32, #tpu.memory_space<vmem>>) offsets(%dma_start3A_129 : memref<128xi32, #tpu.memory_space<vmem>>) semaphore(%arg16 : memref<!tpu.dma_semaphore, #tpu.memory_space<semaphore_mem>>)
      } else {
      }
      %dma_wait3A_110 = arith.constant 7 : i32
      %dma_wait3A_111 = arith.constant 0 : i32
      %dma_wait3A_112 = tpu.memref_slice %arg10[%dma_wait3A_110, %dma_wait3A_111] : memref<8x128xi32, #tpu.memory_space<vmem>> -> memref<1x128xi32, #tpu.memory_space<vmem>>
      %dma_wait3A_113 = tpu.memref_squeeze %dma_wait3A_112 : memref<1x128xi32, #tpu.memory_space<vmem>> -> memref<128xi32, #tpu.memory_space<vmem>>
      %dma_wait3A_114 = arith.constant 0 : i32
      %dma_wait3A_115 = arith.constant 0 : i32
      %dma_wait3A_116 = tpu.memref_slice %arg2[%dma_wait3A_114, %dma_wait3A_115] : memref<10000x128xf32, #tpu.memory_space<hbm>> -> memref<10000x128xf32, #tpu.memory_space<hbm>>
      tpu.wait_indirect_dma semaphore(%arg17 : memref<!tpu.dma_semaphore, #tpu.memory_space<semaphore_mem>>) src(%dma_wait3A_116 : memref<10000x128xf32, #tpu.memory_space<hbm>>) dst(%arg13 : memref<128x128xf32, #tpu.memory_space<vmem>>)
      %run_scoped3A_117 = arith.constant 7 : i32
      "tpu.region"() ({
        %run_scoped3A_118 = tpu.sem_alloc : memref<!tpu.dma_semaphore, #tpu.memory_space<semaphore_mem>>
        %dma_start3A_119 = arith.constant 0 : i32
        %dma_start3A_120 = tpu.memref_slice %arg11[%run_scoped3A_117, %dma_start3A_119] : memref<8x128xi32, #tpu.memory_space<vmem>> -> memref<1x128xi32, #tpu.memory_space<vmem>>
        %dma_start3A_121 = tpu.memref_squeeze %dma_start3A_120 : memref<1x128xi32, #tpu.memory_space<vmem>> -> memref<128xi32, #tpu.memory_space<vmem>>
        %dma_start3A_122 = arith.constant 0 : i32
        %dma_start3A_123 = arith.constant 0 : i32
        %dma_start3A_124 = tpu.memref_slice %arg15[%dma_start3A_122, %dma_start3A_123] : memref<10240x128xf32, #tpu.memory_space<vmem_shared>> -> memref<10240x128xf32, #tpu.memory_space<vmem_shared>>
        tpu.enqueue_indirect_dma source(%arg13 : memref<128x128xf32, #tpu.memory_space<vmem>>) target(%dma_start3A_124 : memref<10240x128xf32, #tpu.memory_space<vmem_shared>>) offsets(%dma_start3A_121 : memref<128xi32, #tpu.memory_space<vmem>>) semaphore(%run_scoped3A_118 : memref<!tpu.dma_semaphore, #tpu.memory_space<semaphore_mem>>) {add = true}
        %dma_wait3A_125 = arith.constant 0 : i32
        %dma_wait3A_126 = tpu.memref_slice %arg11[%run_scoped3A_117, %dma_wait3A_125] : memref<8x128xi32, #tpu.memory_space<vmem>> -> memref<1x128xi32, #tpu.memory_space<vmem>>
        %dma_wait3A_127 = tpu.memref_squeeze %dma_wait3A_126 : memref<1x128xi32, #tpu.memory_space<vmem>> -> memref<128xi32, #tpu.memory_space<vmem>>
        %dma_wait3A_128 = arith.constant 0 : i32
        %dma_wait3A_129 = arith.constant 0 : i32
        %dma_wait3A_130 = tpu.memref_slice %arg15[%dma_wait3A_128, %dma_wait3A_129] : memref<10240x128xf32, #tpu.memory_space<vmem_shared>> -> memref<10240x128xf32, #tpu.memory_space<vmem_shared>>
        tpu.wait_indirect_dma semaphore(%run_scoped3A_118 : memref<!tpu.dma_semaphore, #tpu.memory_space<semaphore_mem>>) src(%arg13 : memref<128x128xf32, #tpu.memory_space<vmem>>) dst(%dma_wait3A_130 : memref<10240x128xf32, #tpu.memory_space<vmem_shared>>)
        tpu.yield
      }) : () -> ()
    }
    %scan3A_16 = arith.constant 5 : i32
    %barrier3A_17 = arith.constant 0 : index
    tpu.barrier barrier_id(%barrier3A_17)
    "tpu.region"() ({
      %run_scoped3A = tpu.sem_alloc : memref<!tpu.dma_semaphore, #tpu.memory_space<semaphore_mem>>
      %dma_start3A_20 = arith.constant 0 : i32
      %dma_start3A_21 = tpu.memref_slice %arg6[%arg0, %mul3A_2, %dma_start3A_20] : memref<2x10240x128xf32, #tpu.memory_space<hbm>> -> memref<1x640x128xf32, #tpu.memory_space<hbm>>
      %dma_start3A_22 = tpu.memref_squeeze %dma_start3A_21 : memref<1x640x128xf32, #tpu.memory_space<hbm>> -> memref<640x128xf32, #tpu.memory_space<hbm>>
      %dma_start3A_23 = arith.constant 0 : i32
      %dma_start3A_24 = tpu.memref_slice %arg15[%mul3A_2, %dma_start3A_23] : memref<10240x128xf32, #tpu.memory_space<vmem_shared>> -> memref<640x128xf32, #tpu.memory_space<vmem_shared>>
      tpu.enqueue_dma source(%dma_start3A_24 : memref<640x128xf32, #tpu.memory_space<vmem_shared>>) target(%dma_start3A_22 : memref<640x128xf32, #tpu.memory_space<hbm>>) target_semaphore(%run_scoped3A : memref<!tpu.dma_semaphore, #tpu.memory_space<semaphore_mem>>)
      %dma_wait3A = arith.constant 0 : i32
      %dma_wait3A_25 = tpu.memref_slice %arg6[%arg0, %mul3A_2, %dma_wait3A] : memref<2x10240x128xf32, #tpu.memory_space<hbm>> -> memref<1x640x128xf32, #tpu.memory_space<hbm>>
      %dma_wait3A_26 = tpu.memref_squeeze %dma_wait3A_25 : memref<1x640x128xf32, #tpu.memory_space<hbm>> -> memref<640x128xf32, #tpu.memory_space<hbm>>
      %dma_wait3A_27 = arith.constant 0 : i32
      %dma_wait3A_28 = tpu.memref_slice %arg15[%mul3A_2, %dma_wait3A_27] : memref<10240x128xf32, #tpu.memory_space<vmem_shared>> -> memref<640x128xf32, #tpu.memory_space<vmem_shared>>
      tpu.wait_dma2 semaphore(%run_scoped3A : memref<!tpu.dma_semaphore, #tpu.memory_space<semaphore_mem>>) src(%dma_wait3A_28 : memref<640x128xf32, #tpu.memory_space<vmem_shared>>) dst(%dma_wait3A_26 : memref<640x128xf32, #tpu.memory_space<hbm>>)
      tpu.yield
    }) : () -> ()
    %mul3A_18 = arith.constant 80 : i32
    %mul3A_19 = arith.muli %add3A, %mul3A_18 : i32
    "tpu.region"() ({
      %run_scoped3A = tpu.sem_alloc : memref<!tpu.dma_semaphore, #tpu.memory_space<semaphore_mem>>
      %dma_start3A_20 = arith.constant 0 : i32
      %dma_start3A_21 = tpu.memref_slice %arg7[%mul3A_19, %dma_start3A_20] : memref<2560x128xf32, #tpu.memory_space<hbm>> -> memref<80x128xf32, #tpu.memory_space<hbm>>
      %dma_start3A_22 = arith.constant 0 : i32
      %dma_start3A_23 = tpu.memref_slice %arg7[%mul3A_19, %dma_start3A_22] : memref<2560x128xf32, #tpu.memory_space<hbm>> -> memref<80x128xf32, #tpu.memory_space<hbm>>
      tpu.enqueue_dma source(%arg14 : memref<80x128xf32, #tpu.memory_space<vmem>>) target(%dma_start3A_23 : memref<80x128xf32, #tpu.memory_space<hbm>>) target_semaphore(%run_scoped3A : memref<!tpu.dma_semaphore, #tpu.memory_space<semaphore_mem>>)
      %dma_wait3A = arith.constant 0 : i32
      %dma_wait3A_24 = tpu.memref_slice %arg7[%mul3A_19, %dma_wait3A] : memref<2560x128xf32, #tpu.memory_space<hbm>> -> memref<80x128xf32, #tpu.memory_space<hbm>>
      %dma_wait3A_25 = arith.constant 0 : i32
      %dma_wait3A_26 = tpu.memref_slice %arg7[%mul3A_19, %dma_wait3A_25] : memref<2560x128xf32, #tpu.memory_space<hbm>> -> memref<80x128xf32, #tpu.memory_space<hbm>>
      tpu.wait_dma2 semaphore(%run_scoped3A : memref<!tpu.dma_semaphore, #tpu.memory_space<semaphore_mem>>) src(%arg14 : memref<80x128xf32, #tpu.memory_space<vmem>>) dst(%dma_wait3A_26 : memref<80x128xf32, #tpu.memory_space<hbm>>)
      tpu.yield
    }) : () -> ()
    return
  }
}

#map = affine_map<(d0, d1) -> (0, 0)>
#map1 = affine_map<(d0, d1) -> (0, 0, 0)>
module attributes {stable_mosaic.version = 14 : i64} {
  func.func @_sc_aggregate(%arg0: i32, %arg1: i32, %arg2: memref<10240x128xf32, #tpu.memory_space<hbm>>, %arg3: memref<2560x128xi32, #tpu.memory_space<hbm>>, %arg4: memref<2560x128xi32, #tpu.memory_space<hbm>>, %arg5: memref<10240x128xf32, #tpu.memory_space<hbm>>, %arg6: memref<2x10240x128xf32, #tpu.memory_space<hbm>>, %arg7: memref<2560x128xf32, #tpu.memory_space<hbm>>, %arg8: memref<8x128xi32, #tpu.memory_space<vmem>>, %arg9: memref<8x128xi32, #tpu.memory_space<vmem>>, %arg10: memref<8x128xi32, #tpu.memory_space<vmem>>, %arg11: memref<8x128xi32, #tpu.memory_space<vmem>>, %arg12: memref<128x128xf32, #tpu.memory_space<vmem>>, %arg13: memref<128x128xf32, #tpu.memory_space<vmem>>, %arg14: memref<80x128xf32, #tpu.memory_space<vmem>>, %arg15: memref<10240x128xf32, #tpu.memory_space<vmem_shared>>, %arg16: memref<!tpu.dma_semaphore, #tpu.memory_space<semaphore_mem>>, %arg17: memref<!tpu.dma_semaphore, #tpu.memory_space<semaphore_mem>>, %arg18: memref<!tpu.dma_semaphore, #tpu.memory_space<semaphore_mem>>, %arg19: memref<!tpu.dma_semaphore, #tpu.memory_space<semaphore_mem>>) attributes {dimension_semantics = [#tpu.dimension_semantics<core_parallel>, #tpu.dimension_semantics<subcore_parallel>], iteration_bounds = array<i64: 2, 16>, scalar_prefetch = 0 : i64, scratch_operands = 12 : i64, tpu.core_type = #tpu.core_type<sc_vector_subcore>, window_params = [{transform_indices = #map}, {transform_indices = #map}, {transform_indices = #map}, {transform_indices = #map}, {transform_indices = #map1}, {transform_indices = #map}]} {
    %mul3A = arith.constant 16 : i32
    %mul3A_0 = arith.muli %arg0, %mul3A : i32
    %add3A = arith.addi %mul3A_0, %arg1 : i32
    %mul3A_1 = arith.constant 640 : i32
    %mul3A_2 = arith.muli %arg1, %mul3A_1 : i32
    %mul3A_3 = arith.constant 80 : i32
    %mul3A_4 = arith.muli %add3A, %mul3A_3 : i32
    "tpu.region"() ({
      %run_scoped3A = tpu.sem_alloc : memref<!tpu.dma_semaphore, #tpu.memory_space<semaphore_mem>>
      %dma_start3A_20 = arith.constant 0 : i32
      %dma_start3A_21 = tpu.memref_slice %arg15[%mul3A_2, %dma_start3A_20] : memref<10240x128xf32, #tpu.memory_space<vmem_shared>> -> memref<640x128xf32, #tpu.memory_space<vmem_shared>>
      %dma_start3A_22 = arith.constant 0 : i32
      %dma_start3A_23 = tpu.memref_slice %arg5[%mul3A_2, %dma_start3A_22] : memref<10240x128xf32, #tpu.memory_space<hbm>> -> memref<640x128xf32, #tpu.memory_space<hbm>>
      tpu.enqueue_dma source(%dma_start3A_23 : memref<640x128xf32, #tpu.memory_space<hbm>>) target(%dma_start3A_21 : memref<640x128xf32, #tpu.memory_space<vmem_shared>>) target_semaphore(%run_scoped3A : memref<!tpu.dma_semaphore, #tpu.memory_space<semaphore_mem>>)
      %dma_wait3A = arith.constant 0 : i32
      %dma_wait3A_24 = tpu.memref_slice %arg15[%mul3A_2, %dma_wait3A] : memref<10240x128xf32, #tpu.memory_space<vmem_shared>> -> memref<640x128xf32, #tpu.memory_space<vmem_shared>>
      %dma_wait3A_25 = arith.constant 0 : i32
      %dma_wait3A_26 = tpu.memref_slice %arg5[%mul3A_2, %dma_wait3A_25] : memref<10240x128xf32, #tpu.memory_space<hbm>> -> memref<640x128xf32, #tpu.memory_space<hbm>>
      tpu.wait_dma2 semaphore(%run_scoped3A : memref<!tpu.dma_semaphore, #tpu.memory_space<semaphore_mem>>) src(%dma_wait3A_26 : memref<640x128xf32, #tpu.memory_space<hbm>>) dst(%dma_wait3A_24 : memref<640x128xf32, #tpu.memory_space<vmem_shared>>)
      tpu.yield
    }) : () -> ()
    "tpu.region"() ({
      %run_scoped3A = tpu.sem_alloc : memref<!tpu.dma_semaphore, #tpu.memory_space<semaphore_mem>>
      %dma_start3A_20 = arith.constant 0 : i32
      %dma_start3A_21 = tpu.memref_slice %arg5[%mul3A_2, %dma_start3A_20] : memref<10240x128xf32, #tpu.memory_space<hbm>> -> memref<80x128xf32, #tpu.memory_space<hbm>>
      %dma_start3A_22 = arith.constant 0 : i32
      %dma_start3A_23 = tpu.memref_slice %arg5[%mul3A_2, %dma_start3A_22] : memref<10240x128xf32, #tpu.memory_space<hbm>> -> memref<80x128xf32, #tpu.memory_space<hbm>>
      tpu.enqueue_dma source(%dma_start3A_23 : memref<80x128xf32, #tpu.memory_space<hbm>>) target(%arg14 : memref<80x128xf32, #tpu.memory_space<vmem>>) target_semaphore(%run_scoped3A : memref<!tpu.dma_semaphore, #tpu.memory_space<semaphore_mem>>)
      %dma_wait3A = arith.constant 0 : i32
      %dma_wait3A_24 = tpu.memref_slice %arg5[%mul3A_2, %dma_wait3A] : memref<10240x128xf32, #tpu.memory_space<hbm>> -> memref<80x128xf32, #tpu.memory_space<hbm>>
      %dma_wait3A_25 = arith.constant 0 : i32
      %dma_wait3A_26 = tpu.memref_slice %arg5[%mul3A_2, %dma_wait3A_25] : memref<10240x128xf32, #tpu.memory_space<hbm>> -> memref<80x128xf32, #tpu.memory_space<hbm>>
      tpu.wait_dma2 semaphore(%run_scoped3A : memref<!tpu.dma_semaphore, #tpu.memory_space<semaphore_mem>>) src(%dma_wait3A_26 : memref<80x128xf32, #tpu.memory_space<hbm>>) dst(%arg14 : memref<80x128xf32, #tpu.memory_space<vmem>>)
      tpu.yield
    }) : () -> ()
    "tpu.region"() ({
      %run_scoped3A = tpu.sem_alloc : memref<!tpu.dma_semaphore, #tpu.memory_space<semaphore_mem>>
      %dma_start3A_20 = arith.constant 0 : i32
      %dma_start3A_21 = tpu.memref_slice %arg3[%mul3A_4, %dma_start3A_20] : memref<2560x128xi32, #tpu.memory_space<hbm>> -> memref<8x128xi32, #tpu.memory_space<hbm>>
      %dma_start3A_22 = arith.constant 0 : i32
      %dma_start3A_23 = tpu.memref_slice %arg3[%mul3A_4, %dma_start3A_22] : memref<2560x128xi32, #tpu.memory_space<hbm>> -> memref<8x128xi32, #tpu.memory_space<hbm>>
      tpu.enqueue_dma source(%dma_start3A_23 : memref<8x128xi32, #tpu.memory_space<hbm>>) target(%arg8 : memref<8x128xi32, #tpu.memory_space<vmem>>) target_semaphore(%run_scoped3A : memref<!tpu.dma_semaphore, #tpu.memory_space<semaphore_mem>>)
      %dma_wait3A = arith.constant 0 : i32
      %dma_wait3A_24 = tpu.memref_slice %arg3[%mul3A_4, %dma_wait3A] : memref<2560x128xi32, #tpu.memory_space<hbm>> -> memref<8x128xi32, #tpu.memory_space<hbm>>
      %dma_wait3A_25 = arith.constant 0 : i32
      %dma_wait3A_26 = tpu.memref_slice %arg3[%mul3A_4, %dma_wait3A_25] : memref<2560x128xi32, #tpu.memory_space<hbm>> -> memref<8x128xi32, #tpu.memory_space<hbm>>
      tpu.wait_dma2 semaphore(%run_scoped3A : memref<!tpu.dma_semaphore, #tpu.memory_space<semaphore_mem>>) src(%dma_wait3A_26 : memref<8x128xi32, #tpu.memory_space<hbm>>) dst(%arg8 : memref<8x128xi32, #tpu.memory_space<vmem>>)
      tpu.yield
    }) : () -> ()
    "tpu.region"() ({
      %run_scoped3A = tpu.sem_alloc : memref<!tpu.dma_semaphore, #tpu.memory_space<semaphore_mem>>
      %dma_start3A_20 = arith.constant 0 : i32
      %dma_start3A_21 = tpu.memref_slice %arg4[%mul3A_4, %dma_start3A_20] : memref<2560x128xi32, #tpu.memory_space<hbm>> -> memref<8x128xi32, #tpu.memory_space<hbm>>
      %dma_start3A_22 = arith.constant 0 : i32
      %dma_start3A_23 = tpu.memref_slice %arg4[%mul3A_4, %dma_start3A_22] : memref<2560x128xi32, #tpu.memory_space<hbm>> -> memref<8x128xi32, #tpu.memory_space<hbm>>
      tpu.enqueue_dma source(%dma_start3A_23 : memref<8x128xi32, #tpu.memory_space<hbm>>) target(%arg9 : memref<8x128xi32, #tpu.memory_space<vmem>>) target_semaphore(%run_scoped3A : memref<!tpu.dma_semaphore, #tpu.memory_space<semaphore_mem>>)
      %dma_wait3A = arith.constant 0 : i32
      %dma_wait3A_24 = tpu.memref_slice %arg4[%mul3A_4, %dma_wait3A] : memref<2560x128xi32, #tpu.memory_space<hbm>> -> memref<8x128xi32, #tpu.memory_space<hbm>>
      %dma_wait3A_25 = arith.constant 0 : i32
      %dma_wait3A_26 = tpu.memref_slice %arg4[%mul3A_4, %dma_wait3A_25] : memref<2560x128xi32, #tpu.memory_space<hbm>> -> memref<8x128xi32, #tpu.memory_space<hbm>>
      tpu.wait_dma2 semaphore(%run_scoped3A : memref<!tpu.dma_semaphore, #tpu.memory_space<semaphore_mem>>) src(%dma_wait3A_26 : memref<8x128xi32, #tpu.memory_space<hbm>>) dst(%arg9 : memref<8x128xi32, #tpu.memory_space<vmem>>)
      tpu.yield
    }) : () -> ()
    %barrier3A = arith.constant 0 : index
    tpu.barrier barrier_id(%barrier3A)
    %broadcast_in_dim3A = arith.constant 1.000000e+00 : f32
    %broadcast_in_dim3A_5 = vector.broadcast %broadcast_in_dim3A : f32 to vector<16xf32>
    %dma_start3A = arith.constant 0 : i32
    %dma_start3A_6 = arith.constant 0 : i32
    %dma_start3A_7 = tpu.memref_slice %arg8[%dma_start3A, %dma_start3A_6] : memref<8x128xi32, #tpu.memory_space<vmem>> -> memref<1x128xi32, #tpu.memory_space<vmem>>
    %dma_start3A_8 = tpu.memref_squeeze %dma_start3A_7 : memref<1x128xi32, #tpu.memory_space<vmem>> -> memref<128xi32, #tpu.memory_space<vmem>>
    %dma_start3A_9 = arith.constant 0 : i32
    %dma_start3A_10 = arith.constant 0 : i32
    %dma_start3A_11 = tpu.memref_slice %arg2[%dma_start3A_9, %dma_start3A_10] : memref<10240x128xf32, #tpu.memory_space<hbm>> -> memref<10240x128xf32, #tpu.memory_space<hbm>>
    tpu.enqueue_indirect_dma source(%dma_start3A_11 : memref<10240x128xf32, #tpu.memory_space<hbm>>) target(%arg12 : memref<128x128xf32, #tpu.memory_space<vmem>>) offsets(%dma_start3A_8 : memref<128xi32, #tpu.memory_space<vmem>>) semaphore(%arg16 : memref<!tpu.dma_semaphore, #tpu.memory_space<semaphore_mem>>)
    %scan3A = arith.constant 0 : i32
    %scan3A_12 = arith.constant 0 : i32
    %scan3A_13 = arith.constant 5 : i32
    %scan3A_14 = arith.addi %scan3A_12, %scan3A_13 : i32
    %scan3A_15 = arith.constant 1 : i32
    scf.for %scan3A_20 = %scan3A_12 to %scan3A_14 step %scan3A_15  : i32 {
      %mul3A_21 = arith.constant 2 : i32
      %mul3A_22 = arith.muli %mul3A_21, %scan3A_20 : i32
      %add3A_23 = arith.constant 1 : i32
      %add3A_24 = arith.addi %mul3A_22, %add3A_23 : i32
      %lt3A = arith.constant 10 : i32
      %lt3A_25 = arith.cmpi slt, %add3A_24, %lt3A : i32
      %convert_element_type3A = arith.extui %lt3A_25 : i1 to i32
      %cond3A = arith.constant 0 : i32
      %cond3A_26 = arith.cmpi ne, %convert_element_type3A, %cond3A : i32
      scf.if %cond3A_26 {
        %add3A_118 = arith.constant 1 : i32
        %add3A_119 = arith.addi %mul3A_22, %add3A_118 : i32
        %mul3A_120 = arith.constant 8 : i32
        %mul3A_121 = arith.muli %add3A_119, %mul3A_120 : i32
        %add3A_122 = arith.addi %mul3A_4, %mul3A_121 : i32
        %dma_start3A_123 = arith.constant 0 : i32
        %dma_start3A_124 = tpu.memref_slice %arg3[%add3A_122, %dma_start3A_123] : memref<2560x128xi32, #tpu.memory_space<hbm>> -> memref<8x128xi32, #tpu.memory_space<hbm>>
        %dma_start3A_125 = arith.constant 0 : i32
        %dma_start3A_126 = tpu.memref_slice %arg3[%add3A_122, %dma_start3A_125] : memref<2560x128xi32, #tpu.memory_space<hbm>> -> memref<8x128xi32, #tpu.memory_space<hbm>>
        tpu.enqueue_dma source(%dma_start3A_126 : memref<8x128xi32, #tpu.memory_space<hbm>>) target(%arg10 : memref<8x128xi32, #tpu.memory_space<vmem>>) target_semaphore(%arg18 : memref<!tpu.dma_semaphore, #tpu.memory_space<semaphore_mem>>)
        %dma_start3A_127 = arith.constant 0 : i32
        %dma_start3A_128 = tpu.memref_slice %arg4[%add3A_122, %dma_start3A_127] : memref<2560x128xi32, #tpu.memory_space<hbm>> -> memref<8x128xi32, #tpu.memory_space<hbm>>
        %dma_start3A_129 = arith.constant 0 : i32
        %dma_start3A_130 = tpu.memref_slice %arg4[%add3A_122, %dma_start3A_129] : memref<2560x128xi32, #tpu.memory_space<hbm>> -> memref<8x128xi32, #tpu.memory_space<hbm>>
        tpu.enqueue_dma source(%dma_start3A_130 : memref<8x128xi32, #tpu.memory_space<hbm>>) target(%arg11 : memref<8x128xi32, #tpu.memory_space<vmem>>) target_semaphore(%arg19 : memref<!tpu.dma_semaphore, #tpu.memory_space<semaphore_mem>>)
      } else {
      }
      %scan3A_27 = arith.constant 0 : i32
      %scan3A_28 = arith.constant 0 : i32
      %scan3A_29 = arith.constant 64 : i32
      %scan3A_30 = arith.addi %scan3A_28, %scan3A_29 : i32
      %scan3A_31 = arith.constant 1 : i32
      scf.for %scan3A_118 = %scan3A_28 to %scan3A_30 step %scan3A_31  : i32 {
        %jit3A = arith.constant 8 : i32
        %div3A = arith.divsi %scan3A_118, %jit3A : i32
        %sign3A = arith.constant 0 : i32
        %sign3A_119 = arith.cmpi sgt, %scan3A_118, %sign3A : i32
        %sign3A_120 = arith.extui %sign3A_119 : i1 to i32
        %sign3A_121 = arith.constant 0 : i32
        %sign3A_122 = arith.cmpi slt, %scan3A_118, %sign3A_121 : i32
        %sign3A_123 = arith.extui %sign3A_122 : i1 to i32
        %sign3A_124 = arith.subi %sign3A_120, %sign3A_123 : i32
        %sign3A_125 = arith.constant 0 : i32
        %sign3A_126 = arith.cmpi sgt, %jit3A, %sign3A_125 : i32
        %sign3A_127 = arith.extui %sign3A_126 : i1 to i32
        %sign3A_128 = arith.constant 0 : i32
        %sign3A_129 = arith.cmpi slt, %jit3A, %sign3A_128 : i32
        %sign3A_130 = arith.extui %sign3A_129 : i1 to i32
        %sign3A_131 = arith.subi %sign3A_127, %sign3A_130 : i32
        %ne3A = arith.cmpi ne, %sign3A_124, %sign3A_131 : i32
        %rem3A = arith.remsi %scan3A_118, %jit3A : i32
        %ne3A_132 = arith.constant 0 : i32
        %ne3A_133 = arith.cmpi ne, %rem3A, %ne3A_132 : i32
        %and3A = arith.andi %ne3A, %ne3A_133 : i1
        %sub3A = arith.constant 1 : i32
        %sub3A_134 = arith.subi %div3A, %sub3A : i32
        %select_n3A = arith.select %and3A, %sub3A_134, %div3A : i32
        %jit3A_135 = arith.constant 8 : i32
        %eq3A = arith.constant 0 : i32
        %eq3A_136 = arith.cmpi eq, %jit3A_135, %eq3A : i32
        %jit3A_137 = arith.constant 1 : i32
        %select_n3A_138 = arith.select %eq3A_136, %jit3A_137, %jit3A_135 : i32
        %rem3A_139 = arith.remsi %scan3A_118, %select_n3A_138 : i32
        %ne3A_140 = arith.constant 0 : i32
        %ne3A_141 = arith.cmpi ne, %rem3A_139, %ne3A_140 : i32
        %lt3A_142 = arith.constant 0 : i32
        %lt3A_143 = arith.cmpi slt, %rem3A_139, %lt3A_142 : i32
        %lt3A_144 = arith.constant 0 : i32
        %lt3A_145 = arith.cmpi slt, %select_n3A_138, %lt3A_144 : i32
        %ne3A_146 = arith.xori %lt3A_143, %lt3A_145 : i1
        %and3A_147 = arith.andi %ne3A_146, %ne3A_141 : i1
        %add3A_148 = arith.addi %rem3A_139, %select_n3A_138 : i32
        %select_n3A_149 = arith.select %and3A_147, %add3A_148, %rem3A_139 : i32
        %mul3A_150 = arith.constant 16 : i32
        %mul3A_151 = arith.muli %select_n3A_149, %mul3A_150 : i32
        %get3A = arith.index_cast %select_n3A : i32 to index
        %get3A_152 = arith.index_cast %mul3A_151 : i32 to index
        %get3A_153 = tpu.vector_load %arg9[%get3A, %get3A_152] {strides = array<i32>} : memref<8x128xi32, #tpu.memory_space<vmem>>, vector<16xi32>,
        %shift_right_arithmetic3A = arith.constant 7 : i32
        %shift_right_arithmetic3A_154 = vector.broadcast %shift_right_arithmetic3A : i32 to vector<16xi32>
        %shift_right_arithmetic3A_155 = arith.shrsi %get3A_153, %shift_right_arithmetic3A_154 : vector<16xi32>
        %and3A_156 = arith.constant 127 : i32
        %and3A_157 = vector.broadcast %and3A_156 : i32 to vector<16xi32>
        %and3A_158 = arith.andi %get3A_153, %and3A_157 : vector<16xi32>
        tpu.vector_store_idx %arg14[%shift_right_arithmetic3A_155, %and3A_158], %broadcast_in_dim3A_5 {add = true} : memref<80x128xf32, #tpu.memory_space<vmem>>[vector<16xi32>, vector<16xi32>], vector<16xf32>,
      }
      %scan3A_32 = arith.constant 64 : i32
      %scan3A_33 = arith.constant 0 : i32
      %scan3A_34 = arith.constant 0 : i32
      %scan3A_35 = arith.constant 3 : i32
      %scan3A_36 = arith.addi %scan3A_34, %scan3A_35 : i32
      %scan3A_37 = arith.constant 1 : i32
      scf.for %scan3A_118 = %scan3A_34 to %scan3A_36 step %scan3A_37  : i32 {
        %mul3A_119 = arith.constant 2 : i32
        %mul3A_120 = arith.muli %mul3A_119, %scan3A_118 : i32
        %add3A_121 = arith.constant 1 : i32
        %add3A_122 = arith.addi %mul3A_120, %add3A_121 : i32
        %dma_start3A_123 = arith.constant 0 : i32
        %dma_start3A_124 = tpu.memref_slice %arg8[%add3A_122, %dma_start3A_123] : memref<8x128xi32, #tpu.memory_space<vmem>> -> memref<1x128xi32, #tpu.memory_space<vmem>>
        %dma_start3A_125 = tpu.memref_squeeze %dma_start3A_124 : memref<1x128xi32, #tpu.memory_space<vmem>> -> memref<128xi32, #tpu.memory_space<vmem>>
        %dma_start3A_126 = arith.constant 0 : i32
        %dma_start3A_127 = arith.constant 0 : i32
        %dma_start3A_128 = tpu.memref_slice %arg2[%dma_start3A_126, %dma_start3A_127] : memref<10240x128xf32, #tpu.memory_space<hbm>> -> memref<10240x128xf32, #tpu.memory_space<hbm>>
        tpu.enqueue_indirect_dma source(%dma_start3A_128 : memref<10240x128xf32, #tpu.memory_space<hbm>>) target(%arg13 : memref<128x128xf32, #tpu.memory_space<vmem>>) offsets(%dma_start3A_125 : memref<128xi32, #tpu.memory_space<vmem>>) semaphore(%arg17 : memref<!tpu.dma_semaphore, #tpu.memory_space<semaphore_mem>>)
        %dma_wait3A_129 = arith.constant 0 : i32
        %dma_wait3A_130 = tpu.memref_slice %arg8[%mul3A_120, %dma_wait3A_129] : memref<8x128xi32, #tpu.memory_space<vmem>> -> memref<1x128xi32, #tpu.memory_space<vmem>>
        %dma_wait3A_131 = tpu.memref_squeeze %dma_wait3A_130 : memref<1x128xi32, #tpu.memory_space<vmem>> -> memref<128xi32, #tpu.memory_space<vmem>>
        %dma_wait3A_132 = arith.constant 0 : i32
        %dma_wait3A_133 = arith.constant 0 : i32
        %dma_wait3A_134 = tpu.memref_slice %arg2[%dma_wait3A_132, %dma_wait3A_133] : memref<10240x128xf32, #tpu.memory_space<hbm>> -> memref<10240x128xf32, #tpu.memory_space<hbm>>
        tpu.wait_indirect_dma semaphore(%arg16 : memref<!tpu.dma_semaphore, #tpu.memory_space<semaphore_mem>>) src(%dma_wait3A_134 : memref<10240x128xf32, #tpu.memory_space<hbm>>) dst(%arg12 : memref<128x128xf32, #tpu.memory_space<vmem>>)
        "tpu.region"() ({
          %run_scoped3A_152 = tpu.sem_alloc : memref<!tpu.dma_semaphore, #tpu.memory_space<semaphore_mem>>
          %dma_start3A_153 = arith.constant 0 : i32
          %dma_start3A_154 = tpu.memref_slice %arg9[%mul3A_120, %dma_start3A_153] : memref<8x128xi32, #tpu.memory_space<vmem>> -> memref<1x128xi32, #tpu.memory_space<vmem>>
          %dma_start3A_155 = tpu.memref_squeeze %dma_start3A_154 : memref<1x128xi32, #tpu.memory_space<vmem>> -> memref<128xi32, #tpu.memory_space<vmem>>
          %dma_start3A_156 = arith.constant 0 : i32
          %dma_start3A_157 = arith.constant 0 : i32
          %dma_start3A_158 = tpu.memref_slice %arg15[%dma_start3A_156, %dma_start3A_157] : memref<10240x128xf32, #tpu.memory_space<vmem_shared>> -> memref<10240x128xf32, #tpu.memory_space<vmem_shared>>
          tpu.enqueue_indirect_dma source(%arg12 : memref<128x128xf32, #tpu.memory_space<vmem>>) target(%dma_start3A_158 : memref<10240x128xf32, #tpu.memory_space<vmem_shared>>) offsets(%dma_start3A_155 : memref<128xi32, #tpu.memory_space<vmem>>) semaphore(%run_scoped3A_152 : memref<!tpu.dma_semaphore, #tpu.memory_space<semaphore_mem>>) {add = true}
          %dma_wait3A_159 = arith.constant 0 : i32
          %dma_wait3A_160 = tpu.memref_slice %arg9[%mul3A_120, %dma_wait3A_159] : memref<8x128xi32, #tpu.memory_space<vmem>> -> memref<1x128xi32, #tpu.memory_space<vmem>>
          %dma_wait3A_161 = tpu.memref_squeeze %dma_wait3A_160 : memref<1x128xi32, #tpu.memory_space<vmem>> -> memref<128xi32, #tpu.memory_space<vmem>>
          %dma_wait3A_162 = arith.constant 0 : i32
          %dma_wait3A_163 = arith.constant 0 : i32
          %dma_wait3A_164 = tpu.memref_slice %arg15[%dma_wait3A_162, %dma_wait3A_163] : memref<10240x128xf32, #tpu.memory_space<vmem_shared>> -> memref<10240x128xf32, #tpu.memory_space<vmem_shared>>
          tpu.wait_indirect_dma semaphore(%run_scoped3A_152 : memref<!tpu.dma_semaphore, #tpu.memory_space<semaphore_mem>>) src(%arg12 : memref<128x128xf32, #tpu.memory_space<vmem>>) dst(%dma_wait3A_164 : memref<10240x128xf32, #tpu.memory_space<vmem_shared>>)
          tpu.yield
        }) : () -> ()
        %add3A_135 = arith.constant 2 : i32
        %add3A_136 = arith.addi %mul3A_120, %add3A_135 : i32
        %lt3A_137 = arith.constant 8 : i32
        %lt3A_138 = arith.cmpi slt, %add3A_136, %lt3A_137 : i32
        %convert_element_type3A_139 = arith.extui %lt3A_138 : i1 to i32
        %cond3A_140 = arith.constant 0 : i32
        %cond3A_141 = arith.cmpi ne, %convert_element_type3A_139, %cond3A_140 : i32
        scf.if %cond3A_141 {
          %add3A_152 = arith.constant 2 : i32
          %add3A_153 = arith.addi %mul3A_120, %add3A_152 : i32
          %dma_start3A_154 = arith.constant 0 : i32
          %dma_start3A_155 = tpu.memref_slice %arg8[%add3A_153, %dma_start3A_154] : memref<8x128xi32, #tpu.memory_space<vmem>> -> memref<1x128xi32, #tpu.memory_space<vmem>>
          %dma_start3A_156 = tpu.memref_squeeze %dma_start3A_155 : memref<1x128xi32, #tpu.memory_space<vmem>> -> memref<128xi32, #tpu.memory_space<vmem>>
          %dma_start3A_157 = arith.constant 0 : i32
          %dma_start3A_158 = arith.constant 0 : i32
          %dma_start3A_159 = tpu.memref_slice %arg2[%dma_start3A_157, %dma_start3A_158] : memref<10240x128xf32, #tpu.memory_space<hbm>> -> memref<10240x128xf32, #tpu.memory_space<hbm>>
          tpu.enqueue_indirect_dma source(%dma_start3A_159 : memref<10240x128xf32, #tpu.memory_space<hbm>>) target(%arg12 : memref<128x128xf32, #tpu.memory_space<vmem>>) offsets(%dma_start3A_156 : memref<128xi32, #tpu.memory_space<vmem>>) semaphore(%arg16 : memref<!tpu.dma_semaphore, #tpu.memory_space<semaphore_mem>>)
        } else {
        }
        %add3A_142 = arith.constant 1 : i32
        %add3A_143 = arith.addi %mul3A_120, %add3A_142 : i32
        %dma_wait3A_144 = arith.constant 0 : i32
        %dma_wait3A_145 = tpu.memref_slice %arg8[%add3A_143, %dma_wait3A_144] : memref<8x128xi32, #tpu.memory_space<vmem>> -> memref<1x128xi32, #tpu.memory_space<vmem>>
        %dma_wait3A_146 = tpu.memref_squeeze %dma_wait3A_145 : memref<1x128xi32, #tpu.memory_space<vmem>> -> memref<128xi32, #tpu.memory_space<vmem>>
        %dma_wait3A_147 = arith.constant 0 : i32
        %dma_wait3A_148 = arith.constant 0 : i32
        %dma_wait3A_149 = tpu.memref_slice %arg2[%dma_wait3A_147, %dma_wait3A_148] : memref<10240x128xf32, #tpu.memory_space<hbm>> -> memref<10240x128xf32, #tpu.memory_space<hbm>>
        tpu.wait_indirect_dma semaphore(%arg17 : memref<!tpu.dma_semaphore, #tpu.memory_space<semaphore_mem>>) src(%dma_wait3A_149 : memref<10240x128xf32, #tpu.memory_space<hbm>>) dst(%arg13 : memref<128x128xf32, #tpu.memory_space<vmem>>)
        %add3A_150 = arith.constant 1 : i32
        %add3A_151 = arith.addi %mul3A_120, %add3A_150 : i32
        "tpu.region"() ({
          %run_scoped3A_152 = tpu.sem_alloc : memref<!tpu.dma_semaphore, #tpu.memory_space<semaphore_mem>>
          %dma_start3A_153 = arith.constant 0 : i32
          %dma_start3A_154 = tpu.memref_slice %arg9[%add3A_151, %dma_start3A_153] : memref<8x128xi32, #tpu.memory_space<vmem>> -> memref<1x128xi32, #tpu.memory_space<vmem>>
          %dma_start3A_155 = tpu.memref_squeeze %dma_start3A_154 : memref<1x128xi32, #tpu.memory_space<vmem>> -> memref<128xi32, #tpu.memory_space<vmem>>
          %dma_start3A_156 = arith.constant 0 : i32
          %dma_start3A_157 = arith.constant 0 : i32
          %dma_start3A_158 = tpu.memref_slice %arg15[%dma_start3A_156, %dma_start3A_157] : memref<10240x128xf32, #tpu.memory_space<vmem_shared>> -> memref<10240x128xf32, #tpu.memory_space<vmem_shared>>
          tpu.enqueue_indirect_dma source(%arg13 : memref<128x128xf32, #tpu.memory_space<vmem>>) target(%dma_start3A_158 : memref<10240x128xf32, #tpu.memory_space<vmem_shared>>) offsets(%dma_start3A_155 : memref<128xi32, #tpu.memory_space<vmem>>) semaphore(%run_scoped3A_152 : memref<!tpu.dma_semaphore, #tpu.memory_space<semaphore_mem>>) {add = true}
          %dma_wait3A_159 = arith.constant 0 : i32
          %dma_wait3A_160 = tpu.memref_slice %arg9[%add3A_151, %dma_wait3A_159] : memref<8x128xi32, #tpu.memory_space<vmem>> -> memref<1x128xi32, #tpu.memory_space<vmem>>
          %dma_wait3A_161 = tpu.memref_squeeze %dma_wait3A_160 : memref<1x128xi32, #tpu.memory_space<vmem>> -> memref<128xi32, #tpu.memory_space<vmem>>
          %dma_wait3A_162 = arith.constant 0 : i32
          %dma_wait3A_163 = arith.constant 0 : i32
          %dma_wait3A_164 = tpu.memref_slice %arg15[%dma_wait3A_162, %dma_wait3A_163] : memref<10240x128xf32, #tpu.memory_space<vmem_shared>> -> memref<10240x128xf32, #tpu.memory_space<vmem_shared>>
          tpu.wait_indirect_dma semaphore(%run_scoped3A_152 : memref<!tpu.dma_semaphore, #tpu.memory_space<semaphore_mem>>) src(%arg13 : memref<128x128xf32, #tpu.memory_space<vmem>>) dst(%dma_wait3A_164 : memref<10240x128xf32, #tpu.memory_space<vmem_shared>>)
          tpu.yield
        }) : () -> ()
      }
      %scan3A_38 = arith.constant 3 : i32
      %dma_start3A_39 = arith.constant 7 : i32
      %dma_start3A_40 = arith.constant 0 : i32
      %dma_start3A_41 = tpu.memref_slice %arg8[%dma_start3A_39, %dma_start3A_40] : memref<8x128xi32, #tpu.memory_space<vmem>> -> memref<1x128xi32, #tpu.memory_space<vmem>>
      %dma_start3A_42 = tpu.memref_squeeze %dma_start3A_41 : memref<1x128xi32, #tpu.memory_space<vmem>> -> memref<128xi32, #tpu.memory_space<vmem>>
      %dma_start3A_43 = arith.constant 0 : i32
      %dma_start3A_44 = arith.constant 0 : i32
      %dma_start3A_45 = tpu.memref_slice %arg2[%dma_start3A_43, %dma_start3A_44] : memref<10240x128xf32, #tpu.memory_space<hbm>> -> memref<10240x128xf32, #tpu.memory_space<hbm>>
      tpu.enqueue_indirect_dma source(%dma_start3A_45 : memref<10240x128xf32, #tpu.memory_space<hbm>>) target(%arg13 : memref<128x128xf32, #tpu.memory_space<vmem>>) offsets(%dma_start3A_42 : memref<128xi32, #tpu.memory_space<vmem>>) semaphore(%arg17 : memref<!tpu.dma_semaphore, #tpu.memory_space<semaphore_mem>>)
      %dma_wait3A = arith.constant 6 : i32
      %dma_wait3A_46 = arith.constant 0 : i32
      %dma_wait3A_47 = tpu.memref_slice %arg8[%dma_wait3A, %dma_wait3A_46] : memref<8x128xi32, #tpu.memory_space<vmem>> -> memref<1x128xi32, #tpu.memory_space<vmem>>
      %dma_wait3A_48 = tpu.memref_squeeze %dma_wait3A_47 : memref<1x128xi32, #tpu.memory_space<vmem>> -> memref<128xi32, #tpu.memory_space<vmem>>
      %dma_wait3A_49 = arith.constant 0 : i32
      %dma_wait3A_50 = arith.constant 0 : i32
      %dma_wait3A_51 = tpu.memref_slice %arg2[%dma_wait3A_49, %dma_wait3A_50] : memref<10240x128xf32, #tpu.memory_space<hbm>> -> memref<10240x128xf32, #tpu.memory_space<hbm>>
      tpu.wait_indirect_dma semaphore(%arg16 : memref<!tpu.dma_semaphore, #tpu.memory_space<semaphore_mem>>) src(%dma_wait3A_51 : memref<10240x128xf32, #tpu.memory_space<hbm>>) dst(%arg12 : memref<128x128xf32, #tpu.memory_space<vmem>>)
      %run_scoped3A = arith.constant 6 : i32
      "tpu.region"() ({
        %run_scoped3A_118 = tpu.sem_alloc : memref<!tpu.dma_semaphore, #tpu.memory_space<semaphore_mem>>
        %dma_start3A_119 = arith.constant 0 : i32
        %dma_start3A_120 = tpu.memref_slice %arg9[%run_scoped3A, %dma_start3A_119] : memref<8x128xi32, #tpu.memory_space<vmem>> -> memref<1x128xi32, #tpu.memory_space<vmem>>
        %dma_start3A_121 = tpu.memref_squeeze %dma_start3A_120 : memref<1x128xi32, #tpu.memory_space<vmem>> -> memref<128xi32, #tpu.memory_space<vmem>>
        %dma_start3A_122 = arith.constant 0 : i32
        %dma_start3A_123 = arith.constant 0 : i32
        %dma_start3A_124 = tpu.memref_slice %arg15[%dma_start3A_122, %dma_start3A_123] : memref<10240x128xf32, #tpu.memory_space<vmem_shared>> -> memref<10240x128xf32, #tpu.memory_space<vmem_shared>>
        tpu.enqueue_indirect_dma source(%arg12 : memref<128x128xf32, #tpu.memory_space<vmem>>) target(%dma_start3A_124 : memref<10240x128xf32, #tpu.memory_space<vmem_shared>>) offsets(%dma_start3A_121 : memref<128xi32, #tpu.memory_space<vmem>>) semaphore(%run_scoped3A_118 : memref<!tpu.dma_semaphore, #tpu.memory_space<semaphore_mem>>) {add = true}
        %dma_wait3A_125 = arith.constant 0 : i32
        %dma_wait3A_126 = tpu.memref_slice %arg9[%run_scoped3A, %dma_wait3A_125] : memref<8x128xi32, #tpu.memory_space<vmem>> -> memref<1x128xi32, #tpu.memory_space<vmem>>
        %dma_wait3A_127 = tpu.memref_squeeze %dma_wait3A_126 : memref<1x128xi32, #tpu.memory_space<vmem>> -> memref<128xi32, #tpu.memory_space<vmem>>
        %dma_wait3A_128 = arith.constant 0 : i32
        %dma_wait3A_129 = arith.constant 0 : i32
        %dma_wait3A_130 = tpu.memref_slice %arg15[%dma_wait3A_128, %dma_wait3A_129] : memref<10240x128xf32, #tpu.memory_space<vmem_shared>> -> memref<10240x128xf32, #tpu.memory_space<vmem_shared>>
        tpu.wait_indirect_dma semaphore(%run_scoped3A_118 : memref<!tpu.dma_semaphore, #tpu.memory_space<semaphore_mem>>) src(%arg12 : memref<128x128xf32, #tpu.memory_space<vmem>>) dst(%dma_wait3A_130 : memref<10240x128xf32, #tpu.memory_space<vmem_shared>>)
        tpu.yield
      }) : () -> ()
      %add3A_52 = arith.constant 1 : i32
      %add3A_53 = arith.addi %mul3A_22, %add3A_52 : i32
      %lt3A_54 = arith.constant 10 : i32
      %lt3A_55 = arith.cmpi slt, %add3A_53, %lt3A_54 : i32
      %convert_element_type3A_56 = arith.extui %lt3A_55 : i1 to i32
      %cond3A_57 = arith.constant 0 : i32
      %cond3A_58 = arith.cmpi ne, %convert_element_type3A_56, %cond3A_57 : i32
      scf.if %cond3A_58 {
        %dma_wait3A_118 = arith.constant 0 : i32
        %dma_wait3A_119 = tpu.memref_slice %arg3[%mul3A_4, %dma_wait3A_118] : memref<2560x128xi32, #tpu.memory_space<hbm>> -> memref<8x128xi32, #tpu.memory_space<hbm>>
        %dma_wait3A_120 = arith.constant 0 : i32
        %dma_wait3A_121 = tpu.memref_slice %arg3[%mul3A_4, %dma_wait3A_120] : memref<2560x128xi32, #tpu.memory_space<hbm>> -> memref<8x128xi32, #tpu.memory_space<hbm>>
        tpu.wait_dma2 semaphore(%arg18 : memref<!tpu.dma_semaphore, #tpu.memory_space<semaphore_mem>>) src(%dma_wait3A_121 : memref<8x128xi32, #tpu.memory_space<hbm>>) dst(%arg10 : memref<8x128xi32, #tpu.memory_space<vmem>>)
        %dma_wait3A_122 = arith.constant 0 : i32
        %dma_wait3A_123 = tpu.memref_slice %arg4[%mul3A_4, %dma_wait3A_122] : memref<2560x128xi32, #tpu.memory_space<hbm>> -> memref<8x128xi32, #tpu.memory_space<hbm>>
        %dma_wait3A_124 = arith.constant 0 : i32
        %dma_wait3A_125 = tpu.memref_slice %arg4[%mul3A_4, %dma_wait3A_124] : memref<2560x128xi32, #tpu.memory_space<hbm>> -> memref<8x128xi32, #tpu.memory_space<hbm>>
        tpu.wait_dma2 semaphore(%arg19 : memref<!tpu.dma_semaphore, #tpu.memory_space<semaphore_mem>>) src(%dma_wait3A_125 : memref<8x128xi32, #tpu.memory_space<hbm>>) dst(%arg11 : memref<8x128xi32, #tpu.memory_space<vmem>>)
        %dma_start3A_126 = arith.constant 0 : i32
        %dma_start3A_127 = arith.constant 0 : i32
        %dma_start3A_128 = tpu.memref_slice %arg10[%dma_start3A_126, %dma_start3A_127] : memref<8x128xi32, #tpu.memory_space<vmem>> -> memref<1x128xi32, #tpu.memory_space<vmem>>
        %dma_start3A_129 = tpu.memref_squeeze %dma_start3A_128 : memref<1x128xi32, #tpu.memory_space<vmem>> -> memref<128xi32, #tpu.memory_space<vmem>>
        %dma_start3A_130 = arith.constant 0 : i32
        %dma_start3A_131 = arith.constant 0 : i32
        %dma_start3A_132 = tpu.memref_slice %arg2[%dma_start3A_130, %dma_start3A_131] : memref<10240x128xf32, #tpu.memory_space<hbm>> -> memref<10240x128xf32, #tpu.memory_space<hbm>>
        tpu.enqueue_indirect_dma source(%dma_start3A_132 : memref<10240x128xf32, #tpu.memory_space<hbm>>) target(%arg12 : memref<128x128xf32, #tpu.memory_space<vmem>>) offsets(%dma_start3A_129 : memref<128xi32, #tpu.memory_space<vmem>>) semaphore(%arg16 : memref<!tpu.dma_semaphore, #tpu.memory_space<semaphore_mem>>)
      } else {
      }
      %dma_wait3A_59 = arith.constant 7 : i32
      %dma_wait3A_60 = arith.constant 0 : i32
      %dma_wait3A_61 = tpu.memref_slice %arg8[%dma_wait3A_59, %dma_wait3A_60] : memref<8x128xi32, #tpu.memory_space<vmem>> -> memref<1x128xi32, #tpu.memory_space<vmem>>
      %dma_wait3A_62 = tpu.memref_squeeze %dma_wait3A_61 : memref<1x128xi32, #tpu.memory_space<vmem>> -> memref<128xi32, #tpu.memory_space<vmem>>
      %dma_wait3A_63 = arith.constant 0 : i32
      %dma_wait3A_64 = arith.constant 0 : i32
      %dma_wait3A_65 = tpu.memref_slice %arg2[%dma_wait3A_63, %dma_wait3A_64] : memref<10240x128xf32, #tpu.memory_space<hbm>> -> memref<10240x128xf32, #tpu.memory_space<hbm>>
      tpu.wait_indirect_dma semaphore(%arg17 : memref<!tpu.dma_semaphore, #tpu.memory_space<semaphore_mem>>) src(%dma_wait3A_65 : memref<10240x128xf32, #tpu.memory_space<hbm>>) dst(%arg13 : memref<128x128xf32, #tpu.memory_space<vmem>>)
      %run_scoped3A_66 = arith.constant 7 : i32
      "tpu.region"() ({
        %run_scoped3A_118 = tpu.sem_alloc : memref<!tpu.dma_semaphore, #tpu.memory_space<semaphore_mem>>
        %dma_start3A_119 = arith.constant 0 : i32
        %dma_start3A_120 = tpu.memref_slice %arg9[%run_scoped3A_66, %dma_start3A_119] : memref<8x128xi32, #tpu.memory_space<vmem>> -> memref<1x128xi32, #tpu.memory_space<vmem>>
        %dma_start3A_121 = tpu.memref_squeeze %dma_start3A_120 : memref<1x128xi32, #tpu.memory_space<vmem>> -> memref<128xi32, #tpu.memory_space<vmem>>
        %dma_start3A_122 = arith.constant 0 : i32
        %dma_start3A_123 = arith.constant 0 : i32
        %dma_start3A_124 = tpu.memref_slice %arg15[%dma_start3A_122, %dma_start3A_123] : memref<10240x128xf32, #tpu.memory_space<vmem_shared>> -> memref<10240x128xf32, #tpu.memory_space<vmem_shared>>
        tpu.enqueue_indirect_dma source(%arg13 : memref<128x128xf32, #tpu.memory_space<vmem>>) target(%dma_start3A_124 : memref<10240x128xf32, #tpu.memory_space<vmem_shared>>) offsets(%dma_start3A_121 : memref<128xi32, #tpu.memory_space<vmem>>) semaphore(%run_scoped3A_118 : memref<!tpu.dma_semaphore, #tpu.memory_space<semaphore_mem>>) {add = true}
        %dma_wait3A_125 = arith.constant 0 : i32
        %dma_wait3A_126 = tpu.memref_slice %arg9[%run_scoped3A_66, %dma_wait3A_125] : memref<8x128xi32, #tpu.memory_space<vmem>> -> memref<1x128xi32, #tpu.memory_space<vmem>>
        %dma_wait3A_127 = tpu.memref_squeeze %dma_wait3A_126 : memref<1x128xi32, #tpu.memory_space<vmem>> -> memref<128xi32, #tpu.memory_space<vmem>>
        %dma_wait3A_128 = arith.constant 0 : i32
        %dma_wait3A_129 = arith.constant 0 : i32
        %dma_wait3A_130 = tpu.memref_slice %arg15[%dma_wait3A_128, %dma_wait3A_129] : memref<10240x128xf32, #tpu.memory_space<vmem_shared>> -> memref<10240x128xf32, #tpu.memory_space<vmem_shared>>
        tpu.wait_indirect_dma semaphore(%run_scoped3A_118 : memref<!tpu.dma_semaphore, #tpu.memory_space<semaphore_mem>>) src(%arg13 : memref<128x128xf32, #tpu.memory_space<vmem>>) dst(%dma_wait3A_130 : memref<10240x128xf32, #tpu.memory_space<vmem_shared>>)
        tpu.yield
      }) : () -> ()
      %add3A_67 = arith.constant 1 : i32
      %add3A_68 = arith.addi %mul3A_22, %add3A_67 : i32
      %add3A_69 = arith.constant 1 : i32
      %add3A_70 = arith.addi %add3A_68, %add3A_69 : i32
      %lt3A_71 = arith.constant 10 : i32
      %lt3A_72 = arith.cmpi slt, %add3A_70, %lt3A_71 : i32
      %convert_element_type3A_73 = arith.extui %lt3A_72 : i1 to i32
      %cond3A_74 = arith.constant 0 : i32
      %cond3A_75 = arith.cmpi ne, %convert_element_type3A_73, %cond3A_74 : i32
      scf.if %cond3A_75 {
        %add3A_118 = arith.constant 1 : i32
        %add3A_119 = arith.addi %add3A_68, %add3A_118 : i32
        %mul3A_120 = arith.constant 8 : i32
        %mul3A_121 = arith.muli %add3A_119, %mul3A_120 : i32
        %add3A_122 = arith.addi %mul3A_4, %mul3A_121 : i32
        %dma_start3A_123 = arith.constant 0 : i32
        %dma_start3A_124 = tpu.memref_slice %arg3[%add3A_122, %dma_start3A_123] : memref<2560x128xi32, #tpu.memory_space<hbm>> -> memref<8x128xi32, #tpu.memory_space<hbm>>
        %dma_start3A_125 = arith.constant 0 : i32
        %dma_start3A_126 = tpu.memref_slice %arg3[%add3A_122, %dma_start3A_125] : memref<2560x128xi32, #tpu.memory_space<hbm>> -> memref<8x128xi32, #tpu.memory_space<hbm>>
        tpu.enqueue_dma source(%dma_start3A_126 : memref<8x128xi32, #tpu.memory_space<hbm>>) target(%arg8 : memref<8x128xi32, #tpu.memory_space<vmem>>) target_semaphore(%arg18 : memref<!tpu.dma_semaphore, #tpu.memory_space<semaphore_mem>>)
        %dma_start3A_127 = arith.constant 0 : i32
        %dma_start3A_128 = tpu.memref_slice %arg4[%add3A_122, %dma_start3A_127] : memref<2560x128xi32, #tpu.memory_space<hbm>> -> memref<8x128xi32, #tpu.memory_space<hbm>>
        %dma_start3A_129 = arith.constant 0 : i32
        %dma_start3A_130 = tpu.memref_slice %arg4[%add3A_122, %dma_start3A_129] : memref<2560x128xi32, #tpu.memory_space<hbm>> -> memref<8x128xi32, #tpu.memory_space<hbm>>
        tpu.enqueue_dma source(%dma_start3A_130 : memref<8x128xi32, #tpu.memory_space<hbm>>) target(%arg9 : memref<8x128xi32, #tpu.memory_space<vmem>>) target_semaphore(%arg19 : memref<!tpu.dma_semaphore, #tpu.memory_space<semaphore_mem>>)
      } else {
      }
      %scan3A_76 = arith.constant 0 : i32
      %scan3A_77 = arith.constant 0 : i32
      %scan3A_78 = arith.constant 64 : i32
      %scan3A_79 = arith.addi %scan3A_77, %scan3A_78 : i32
      %scan3A_80 = arith.constant 1 : i32
      scf.for %scan3A_118 = %scan3A_77 to %scan3A_79 step %scan3A_80  : i32 {
        %jit3A = arith.constant 8 : i32
        %div3A = arith.divsi %scan3A_118, %jit3A : i32
        %sign3A = arith.constant 0 : i32
        %sign3A_119 = arith.cmpi sgt, %scan3A_118, %sign3A : i32
        %sign3A_120 = arith.extui %sign3A_119 : i1 to i32
        %sign3A_121 = arith.constant 0 : i32
        %sign3A_122 = arith.cmpi slt, %scan3A_118, %sign3A_121 : i32
        %sign3A_123 = arith.extui %sign3A_122 : i1 to i32
        %sign3A_124 = arith.subi %sign3A_120, %sign3A_123 : i32
        %sign3A_125 = arith.constant 0 : i32
        %sign3A_126 = arith.cmpi sgt, %jit3A, %sign3A_125 : i32
        %sign3A_127 = arith.extui %sign3A_126 : i1 to i32
        %sign3A_128 = arith.constant 0 : i32
        %sign3A_129 = arith.cmpi slt, %jit3A, %sign3A_128 : i32
        %sign3A_130 = arith.extui %sign3A_129 : i1 to i32
        %sign3A_131 = arith.subi %sign3A_127, %sign3A_130 : i32
        %ne3A = arith.cmpi ne, %sign3A_124, %sign3A_131 : i32
        %rem3A = arith.remsi %scan3A_118, %jit3A : i32
        %ne3A_132 = arith.constant 0 : i32
        %ne3A_133 = arith.cmpi ne, %rem3A, %ne3A_132 : i32
        %and3A = arith.andi %ne3A, %ne3A_133 : i1
        %sub3A = arith.constant 1 : i32
        %sub3A_134 = arith.subi %div3A, %sub3A : i32
        %select_n3A = arith.select %and3A, %sub3A_134, %div3A : i32
        %jit3A_135 = arith.constant 8 : i32
        %eq3A = arith.constant 0 : i32
        %eq3A_136 = arith.cmpi eq, %jit3A_135, %eq3A : i32
        %jit3A_137 = arith.constant 1 : i32
        %select_n3A_138 = arith.select %eq3A_136, %jit3A_137, %jit3A_135 : i32
        %rem3A_139 = arith.remsi %scan3A_118, %select_n3A_138 : i32
        %ne3A_140 = arith.constant 0 : i32
        %ne3A_141 = arith.cmpi ne, %rem3A_139, %ne3A_140 : i32
        %lt3A_142 = arith.constant 0 : i32
        %lt3A_143 = arith.cmpi slt, %rem3A_139, %lt3A_142 : i32
        %lt3A_144 = arith.constant 0 : i32
        %lt3A_145 = arith.cmpi slt, %select_n3A_138, %lt3A_144 : i32
        %ne3A_146 = arith.xori %lt3A_143, %lt3A_145 : i1
        %and3A_147 = arith.andi %ne3A_146, %ne3A_141 : i1
        %add3A_148 = arith.addi %rem3A_139, %select_n3A_138 : i32
        %select_n3A_149 = arith.select %and3A_147, %add3A_148, %rem3A_139 : i32
        %mul3A_150 = arith.constant 16 : i32
        %mul3A_151 = arith.muli %select_n3A_149, %mul3A_150 : i32
        %get3A = arith.index_cast %select_n3A : i32 to index
        %get3A_152 = arith.index_cast %mul3A_151 : i32 to index
        %get3A_153 = tpu.vector_load %arg11[%get3A, %get3A_152] {strides = array<i32>} : memref<8x128xi32, #tpu.memory_space<vmem>>, vector<16xi32>,
        %shift_right_arithmetic3A = arith.constant 7 : i32
        %shift_right_arithmetic3A_154 = vector.broadcast %shift_right_arithmetic3A : i32 to vector<16xi32>
        %shift_right_arithmetic3A_155 = arith.shrsi %get3A_153, %shift_right_arithmetic3A_154 : vector<16xi32>
        %and3A_156 = arith.constant 127 : i32
        %and3A_157 = vector.broadcast %and3A_156 : i32 to vector<16xi32>
        %and3A_158 = arith.andi %get3A_153, %and3A_157 : vector<16xi32>
        tpu.vector_store_idx %arg14[%shift_right_arithmetic3A_155, %and3A_158], %broadcast_in_dim3A_5 {add = true} : memref<80x128xf32, #tpu.memory_space<vmem>>[vector<16xi32>, vector<16xi32>], vector<16xf32>,
      }
      %scan3A_81 = arith.constant 64 : i32
      %scan3A_82 = arith.constant 0 : i32
      %scan3A_83 = arith.constant 0 : i32
      %scan3A_84 = arith.constant 3 : i32
      %scan3A_85 = arith.addi %scan3A_83, %scan3A_84 : i32
      %scan3A_86 = arith.constant 1 : i32
      scf.for %scan3A_118 = %scan3A_83 to %scan3A_85 step %scan3A_86  : i32 {
        %mul3A_119 = arith.constant 2 : i32
        %mul3A_120 = arith.muli %mul3A_119, %scan3A_118 : i32
        %add3A_121 = arith.constant 1 : i32
        %add3A_122 = arith.addi %mul3A_120, %add3A_121 : i32
        %dma_start3A_123 = arith.constant 0 : i32
        %dma_start3A_124 = tpu.memref_slice %arg10[%add3A_122, %dma_start3A_123] : memref<8x128xi32, #tpu.memory_space<vmem>> -> memref<1x128xi32, #tpu.memory_space<vmem>>
        %dma_start3A_125 = tpu.memref_squeeze %dma_start3A_124 : memref<1x128xi32, #tpu.memory_space<vmem>> -> memref<128xi32, #tpu.memory_space<vmem>>
        %dma_start3A_126 = arith.constant 0 : i32
        %dma_start3A_127 = arith.constant 0 : i32
        %dma_start3A_128 = tpu.memref_slice %arg2[%dma_start3A_126, %dma_start3A_127] : memref<10240x128xf32, #tpu.memory_space<hbm>> -> memref<10240x128xf32, #tpu.memory_space<hbm>>
        tpu.enqueue_indirect_dma source(%dma_start3A_128 : memref<10240x128xf32, #tpu.memory_space<hbm>>) target(%arg13 : memref<128x128xf32, #tpu.memory_space<vmem>>) offsets(%dma_start3A_125 : memref<128xi32, #tpu.memory_space<vmem>>) semaphore(%arg17 : memref<!tpu.dma_semaphore, #tpu.memory_space<semaphore_mem>>)
        %dma_wait3A_129 = arith.constant 0 : i32
        %dma_wait3A_130 = tpu.memref_slice %arg10[%mul3A_120, %dma_wait3A_129] : memref<8x128xi32, #tpu.memory_space<vmem>> -> memref<1x128xi32, #tpu.memory_space<vmem>>
        %dma_wait3A_131 = tpu.memref_squeeze %dma_wait3A_130 : memref<1x128xi32, #tpu.memory_space<vmem>> -> memref<128xi32, #tpu.memory_space<vmem>>
        %dma_wait3A_132 = arith.constant 0 : i32
        %dma_wait3A_133 = arith.constant 0 : i32
        %dma_wait3A_134 = tpu.memref_slice %arg2[%dma_wait3A_132, %dma_wait3A_133] : memref<10240x128xf32, #tpu.memory_space<hbm>> -> memref<10240x128xf32, #tpu.memory_space<hbm>>
        tpu.wait_indirect_dma semaphore(%arg16 : memref<!tpu.dma_semaphore, #tpu.memory_space<semaphore_mem>>) src(%dma_wait3A_134 : memref<10240x128xf32, #tpu.memory_space<hbm>>) dst(%arg12 : memref<128x128xf32, #tpu.memory_space<vmem>>)
        "tpu.region"() ({
          %run_scoped3A_152 = tpu.sem_alloc : memref<!tpu.dma_semaphore, #tpu.memory_space<semaphore_mem>>
          %dma_start3A_153 = arith.constant 0 : i32
          %dma_start3A_154 = tpu.memref_slice %arg11[%mul3A_120, %dma_start3A_153] : memref<8x128xi32, #tpu.memory_space<vmem>> -> memref<1x128xi32, #tpu.memory_space<vmem>>
          %dma_start3A_155 = tpu.memref_squeeze %dma_start3A_154 : memref<1x128xi32, #tpu.memory_space<vmem>> -> memref<128xi32, #tpu.memory_space<vmem>>
          %dma_start3A_156 = arith.constant 0 : i32
          %dma_start3A_157 = arith.constant 0 : i32
          %dma_start3A_158 = tpu.memref_slice %arg15[%dma_start3A_156, %dma_start3A_157] : memref<10240x128xf32, #tpu.memory_space<vmem_shared>> -> memref<10240x128xf32, #tpu.memory_space<vmem_shared>>
          tpu.enqueue_indirect_dma source(%arg12 : memref<128x128xf32, #tpu.memory_space<vmem>>) target(%dma_start3A_158 : memref<10240x128xf32, #tpu.memory_space<vmem_shared>>) offsets(%dma_start3A_155 : memref<128xi32, #tpu.memory_space<vmem>>) semaphore(%run_scoped3A_152 : memref<!tpu.dma_semaphore, #tpu.memory_space<semaphore_mem>>) {add = true}
          %dma_wait3A_159 = arith.constant 0 : i32
          %dma_wait3A_160 = tpu.memref_slice %arg11[%mul3A_120, %dma_wait3A_159] : memref<8x128xi32, #tpu.memory_space<vmem>> -> memref<1x128xi32, #tpu.memory_space<vmem>>
          %dma_wait3A_161 = tpu.memref_squeeze %dma_wait3A_160 : memref<1x128xi32, #tpu.memory_space<vmem>> -> memref<128xi32, #tpu.memory_space<vmem>>
          %dma_wait3A_162 = arith.constant 0 : i32
          %dma_wait3A_163 = arith.constant 0 : i32
          %dma_wait3A_164 = tpu.memref_slice %arg15[%dma_wait3A_162, %dma_wait3A_163] : memref<10240x128xf32, #tpu.memory_space<vmem_shared>> -> memref<10240x128xf32, #tpu.memory_space<vmem_shared>>
          tpu.wait_indirect_dma semaphore(%run_scoped3A_152 : memref<!tpu.dma_semaphore, #tpu.memory_space<semaphore_mem>>) src(%arg12 : memref<128x128xf32, #tpu.memory_space<vmem>>) dst(%dma_wait3A_164 : memref<10240x128xf32, #tpu.memory_space<vmem_shared>>)
          tpu.yield
        }) : () -> ()
        %add3A_135 = arith.constant 2 : i32
        %add3A_136 = arith.addi %mul3A_120, %add3A_135 : i32
        %lt3A_137 = arith.constant 8 : i32
        %lt3A_138 = arith.cmpi slt, %add3A_136, %lt3A_137 : i32
        %convert_element_type3A_139 = arith.extui %lt3A_138 : i1 to i32
        %cond3A_140 = arith.constant 0 : i32
        %cond3A_141 = arith.cmpi ne, %convert_element_type3A_139, %cond3A_140 : i32
        scf.if %cond3A_141 {
          %add3A_152 = arith.constant 2 : i32
          %add3A_153 = arith.addi %mul3A_120, %add3A_152 : i32
          %dma_start3A_154 = arith.constant 0 : i32
          %dma_start3A_155 = tpu.memref_slice %arg10[%add3A_153, %dma_start3A_154] : memref<8x128xi32, #tpu.memory_space<vmem>> -> memref<1x128xi32, #tpu.memory_space<vmem>>
          %dma_start3A_156 = tpu.memref_squeeze %dma_start3A_155 : memref<1x128xi32, #tpu.memory_space<vmem>> -> memref<128xi32, #tpu.memory_space<vmem>>
          %dma_start3A_157 = arith.constant 0 : i32
          %dma_start3A_158 = arith.constant 0 : i32
          %dma_start3A_159 = tpu.memref_slice %arg2[%dma_start3A_157, %dma_start3A_158] : memref<10240x128xf32, #tpu.memory_space<hbm>> -> memref<10240x128xf32, #tpu.memory_space<hbm>>
          tpu.enqueue_indirect_dma source(%dma_start3A_159 : memref<10240x128xf32, #tpu.memory_space<hbm>>) target(%arg12 : memref<128x128xf32, #tpu.memory_space<vmem>>) offsets(%dma_start3A_156 : memref<128xi32, #tpu.memory_space<vmem>>) semaphore(%arg16 : memref<!tpu.dma_semaphore, #tpu.memory_space<semaphore_mem>>)
        } else {
        }
        %add3A_142 = arith.constant 1 : i32
        %add3A_143 = arith.addi %mul3A_120, %add3A_142 : i32
        %dma_wait3A_144 = arith.constant 0 : i32
        %dma_wait3A_145 = tpu.memref_slice %arg10[%add3A_143, %dma_wait3A_144] : memref<8x128xi32, #tpu.memory_space<vmem>> -> memref<1x128xi32, #tpu.memory_space<vmem>>
        %dma_wait3A_146 = tpu.memref_squeeze %dma_wait3A_145 : memref<1x128xi32, #tpu.memory_space<vmem>> -> memref<128xi32, #tpu.memory_space<vmem>>
        %dma_wait3A_147 = arith.constant 0 : i32
        %dma_wait3A_148 = arith.constant 0 : i32
        %dma_wait3A_149 = tpu.memref_slice %arg2[%dma_wait3A_147, %dma_wait3A_148] : memref<10240x128xf32, #tpu.memory_space<hbm>> -> memref<10240x128xf32, #tpu.memory_space<hbm>>
        tpu.wait_indirect_dma semaphore(%arg17 : memref<!tpu.dma_semaphore, #tpu.memory_space<semaphore_mem>>) src(%dma_wait3A_149 : memref<10240x128xf32, #tpu.memory_space<hbm>>) dst(%arg13 : memref<128x128xf32, #tpu.memory_space<vmem>>)
        %add3A_150 = arith.constant 1 : i32
        %add3A_151 = arith.addi %mul3A_120, %add3A_150 : i32
        "tpu.region"() ({
          %run_scoped3A_152 = tpu.sem_alloc : memref<!tpu.dma_semaphore, #tpu.memory_space<semaphore_mem>>
          %dma_start3A_153 = arith.constant 0 : i32
          %dma_start3A_154 = tpu.memref_slice %arg11[%add3A_151, %dma_start3A_153] : memref<8x128xi32, #tpu.memory_space<vmem>> -> memref<1x128xi32, #tpu.memory_space<vmem>>
          %dma_start3A_155 = tpu.memref_squeeze %dma_start3A_154 : memref<1x128xi32, #tpu.memory_space<vmem>> -> memref<128xi32, #tpu.memory_space<vmem>>
          %dma_start3A_156 = arith.constant 0 : i32
          %dma_start3A_157 = arith.constant 0 : i32
          %dma_start3A_158 = tpu.memref_slice %arg15[%dma_start3A_156, %dma_start3A_157] : memref<10240x128xf32, #tpu.memory_space<vmem_shared>> -> memref<10240x128xf32, #tpu.memory_space<vmem_shared>>
          tpu.enqueue_indirect_dma source(%arg13 : memref<128x128xf32, #tpu.memory_space<vmem>>) target(%dma_start3A_158 : memref<10240x128xf32, #tpu.memory_space<vmem_shared>>) offsets(%dma_start3A_155 : memref<128xi32, #tpu.memory_space<vmem>>) semaphore(%run_scoped3A_152 : memref<!tpu.dma_semaphore, #tpu.memory_space<semaphore_mem>>) {add = true}
          %dma_wait3A_159 = arith.constant 0 : i32
          %dma_wait3A_160 = tpu.memref_slice %arg11[%add3A_151, %dma_wait3A_159] : memref<8x128xi32, #tpu.memory_space<vmem>> -> memref<1x128xi32, #tpu.memory_space<vmem>>
          %dma_wait3A_161 = tpu.memref_squeeze %dma_wait3A_160 : memref<1x128xi32, #tpu.memory_space<vmem>> -> memref<128xi32, #tpu.memory_space<vmem>>
          %dma_wait3A_162 = arith.constant 0 : i32
          %dma_wait3A_163 = arith.constant 0 : i32
          %dma_wait3A_164 = tpu.memref_slice %arg15[%dma_wait3A_162, %dma_wait3A_163] : memref<10240x128xf32, #tpu.memory_space<vmem_shared>> -> memref<10240x128xf32, #tpu.memory_space<vmem_shared>>
          tpu.wait_indirect_dma semaphore(%run_scoped3A_152 : memref<!tpu.dma_semaphore, #tpu.memory_space<semaphore_mem>>) src(%arg13 : memref<128x128xf32, #tpu.memory_space<vmem>>) dst(%dma_wait3A_164 : memref<10240x128xf32, #tpu.memory_space<vmem_shared>>)
          tpu.yield
        }) : () -> ()
      }
      %scan3A_87 = arith.constant 3 : i32
      %dma_start3A_88 = arith.constant 7 : i32
      %dma_start3A_89 = arith.constant 0 : i32
      %dma_start3A_90 = tpu.memref_slice %arg10[%dma_start3A_88, %dma_start3A_89] : memref<8x128xi32, #tpu.memory_space<vmem>> -> memref<1x128xi32, #tpu.memory_space<vmem>>
      %dma_start3A_91 = tpu.memref_squeeze %dma_start3A_90 : memref<1x128xi32, #tpu.memory_space<vmem>> -> memref<128xi32, #tpu.memory_space<vmem>>
      %dma_start3A_92 = arith.constant 0 : i32
      %dma_start3A_93 = arith.constant 0 : i32
      %dma_start3A_94 = tpu.memref_slice %arg2[%dma_start3A_92, %dma_start3A_93] : memref<10240x128xf32, #tpu.memory_space<hbm>> -> memref<10240x128xf32, #tpu.memory_space<hbm>>
      tpu.enqueue_indirect_dma source(%dma_start3A_94 : memref<10240x128xf32, #tpu.memory_space<hbm>>) target(%arg13 : memref<128x128xf32, #tpu.memory_space<vmem>>) offsets(%dma_start3A_91 : memref<128xi32, #tpu.memory_space<vmem>>) semaphore(%arg17 : memref<!tpu.dma_semaphore, #tpu.memory_space<semaphore_mem>>)
      %dma_wait3A_95 = arith.constant 6 : i32
      %dma_wait3A_96 = arith.constant 0 : i32
      %dma_wait3A_97 = tpu.memref_slice %arg10[%dma_wait3A_95, %dma_wait3A_96] : memref<8x128xi32, #tpu.memory_space<vmem>> -> memref<1x128xi32, #tpu.memory_space<vmem>>
      %dma_wait3A_98 = tpu.memref_squeeze %dma_wait3A_97 : memref<1x128xi32, #tpu.memory_space<vmem>> -> memref<128xi32, #tpu.memory_space<vmem>>
      %dma_wait3A_99 = arith.constant 0 : i32
      %dma_wait3A_100 = arith.constant 0 : i32
      %dma_wait3A_101 = tpu.memref_slice %arg2[%dma_wait3A_99, %dma_wait3A_100] : memref<10240x128xf32, #tpu.memory_space<hbm>> -> memref<10240x128xf32, #tpu.memory_space<hbm>>
      tpu.wait_indirect_dma semaphore(%arg16 : memref<!tpu.dma_semaphore, #tpu.memory_space<semaphore_mem>>) src(%dma_wait3A_101 : memref<10240x128xf32, #tpu.memory_space<hbm>>) dst(%arg12 : memref<128x128xf32, #tpu.memory_space<vmem>>)
      %run_scoped3A_102 = arith.constant 6 : i32
      "tpu.region"() ({
        %run_scoped3A_118 = tpu.sem_alloc : memref<!tpu.dma_semaphore, #tpu.memory_space<semaphore_mem>>
        %dma_start3A_119 = arith.constant 0 : i32
        %dma_start3A_120 = tpu.memref_slice %arg11[%run_scoped3A_102, %dma_start3A_119] : memref<8x128xi32, #tpu.memory_space<vmem>> -> memref<1x128xi32, #tpu.memory_space<vmem>>
        %dma_start3A_121 = tpu.memref_squeeze %dma_start3A_120 : memref<1x128xi32, #tpu.memory_space<vmem>> -> memref<128xi32, #tpu.memory_space<vmem>>
        %dma_start3A_122 = arith.constant 0 : i32
        %dma_start3A_123 = arith.constant 0 : i32
        %dma_start3A_124 = tpu.memref_slice %arg15[%dma_start3A_122, %dma_start3A_123] : memref<10240x128xf32, #tpu.memory_space<vmem_shared>> -> memref<10240x128xf32, #tpu.memory_space<vmem_shared>>
        tpu.enqueue_indirect_dma source(%arg12 : memref<128x128xf32, #tpu.memory_space<vmem>>) target(%dma_start3A_124 : memref<10240x128xf32, #tpu.memory_space<vmem_shared>>) offsets(%dma_start3A_121 : memref<128xi32, #tpu.memory_space<vmem>>) semaphore(%run_scoped3A_118 : memref<!tpu.dma_semaphore, #tpu.memory_space<semaphore_mem>>) {add = true}
        %dma_wait3A_125 = arith.constant 0 : i32
        %dma_wait3A_126 = tpu.memref_slice %arg11[%run_scoped3A_102, %dma_wait3A_125] : memref<8x128xi32, #tpu.memory_space<vmem>> -> memref<1x128xi32, #tpu.memory_space<vmem>>
        %dma_wait3A_127 = tpu.memref_squeeze %dma_wait3A_126 : memref<1x128xi32, #tpu.memory_space<vmem>> -> memref<128xi32, #tpu.memory_space<vmem>>
        %dma_wait3A_128 = arith.constant 0 : i32
        %dma_wait3A_129 = arith.constant 0 : i32
        %dma_wait3A_130 = tpu.memref_slice %arg15[%dma_wait3A_128, %dma_wait3A_129] : memref<10240x128xf32, #tpu.memory_space<vmem_shared>> -> memref<10240x128xf32, #tpu.memory_space<vmem_shared>>
        tpu.wait_indirect_dma semaphore(%run_scoped3A_118 : memref<!tpu.dma_semaphore, #tpu.memory_space<semaphore_mem>>) src(%arg12 : memref<128x128xf32, #tpu.memory_space<vmem>>) dst(%dma_wait3A_130 : memref<10240x128xf32, #tpu.memory_space<vmem_shared>>)
        tpu.yield
      }) : () -> ()
      %add3A_103 = arith.constant 1 : i32
      %add3A_104 = arith.addi %add3A_68, %add3A_103 : i32
      %lt3A_105 = arith.constant 10 : i32
      %lt3A_106 = arith.cmpi slt, %add3A_104, %lt3A_105 : i32
      %convert_element_type3A_107 = arith.extui %lt3A_106 : i1 to i32
      %cond3A_108 = arith.constant 0 : i32
      %cond3A_109 = arith.cmpi ne, %convert_element_type3A_107, %cond3A_108 : i32
      scf.if %cond3A_109 {
        %dma_wait3A_118 = arith.constant 0 : i32
        %dma_wait3A_119 = tpu.memref_slice %arg3[%mul3A_4, %dma_wait3A_118] : memref<2560x128xi32, #tpu.memory_space<hbm>> -> memref<8x128xi32, #tpu.memory_space<hbm>>
        %dma_wait3A_120 = arith.constant 0 : i32
        %dma_wait3A_121 = tpu.memref_slice %arg3[%mul3A_4, %dma_wait3A_120] : memref<2560x128xi32, #tpu.memory_space<hbm>> -> memref<8x128xi32, #tpu.memory_space<hbm>>
        tpu.wait_dma2 semaphore(%arg18 : memref<!tpu.dma_semaphore, #tpu.memory_space<semaphore_mem>>) src(%dma_wait3A_121 : memref<8x128xi32, #tpu.memory_space<hbm>>) dst(%arg8 : memref<8x128xi32, #tpu.memory_space<vmem>>)
        %dma_wait3A_122 = arith.constant 0 : i32
        %dma_wait3A_123 = tpu.memref_slice %arg4[%mul3A_4, %dma_wait3A_122] : memref<2560x128xi32, #tpu.memory_space<hbm>> -> memref<8x128xi32, #tpu.memory_space<hbm>>
        %dma_wait3A_124 = arith.constant 0 : i32
        %dma_wait3A_125 = tpu.memref_slice %arg4[%mul3A_4, %dma_wait3A_124] : memref<2560x128xi32, #tpu.memory_space<hbm>> -> memref<8x128xi32, #tpu.memory_space<hbm>>
        tpu.wait_dma2 semaphore(%arg19 : memref<!tpu.dma_semaphore, #tpu.memory_space<semaphore_mem>>) src(%dma_wait3A_125 : memref<8x128xi32, #tpu.memory_space<hbm>>) dst(%arg9 : memref<8x128xi32, #tpu.memory_space<vmem>>)
        %dma_start3A_126 = arith.constant 0 : i32
        %dma_start3A_127 = arith.constant 0 : i32
        %dma_start3A_128 = tpu.memref_slice %arg8[%dma_start3A_126, %dma_start3A_127] : memref<8x128xi32, #tpu.memory_space<vmem>> -> memref<1x128xi32, #tpu.memory_space<vmem>>
        %dma_start3A_129 = tpu.memref_squeeze %dma_start3A_128 : memref<1x128xi32, #tpu.memory_space<vmem>> -> memref<128xi32, #tpu.memory_space<vmem>>
        %dma_start3A_130 = arith.constant 0 : i32
        %dma_start3A_131 = arith.constant 0 : i32
        %dma_start3A_132 = tpu.memref_slice %arg2[%dma_start3A_130, %dma_start3A_131] : memref<10240x128xf32, #tpu.memory_space<hbm>> -> memref<10240x128xf32, #tpu.memory_space<hbm>>
        tpu.enqueue_indirect_dma source(%dma_start3A_132 : memref<10240x128xf32, #tpu.memory_space<hbm>>) target(%arg12 : memref<128x128xf32, #tpu.memory_space<vmem>>) offsets(%dma_start3A_129 : memref<128xi32, #tpu.memory_space<vmem>>) semaphore(%arg16 : memref<!tpu.dma_semaphore, #tpu.memory_space<semaphore_mem>>)
      } else {
      }
      %dma_wait3A_110 = arith.constant 7 : i32
      %dma_wait3A_111 = arith.constant 0 : i32
      %dma_wait3A_112 = tpu.memref_slice %arg10[%dma_wait3A_110, %dma_wait3A_111] : memref<8x128xi32, #tpu.memory_space<vmem>> -> memref<1x128xi32, #tpu.memory_space<vmem>>
      %dma_wait3A_113 = tpu.memref_squeeze %dma_wait3A_112 : memref<1x128xi32, #tpu.memory_space<vmem>> -> memref<128xi32, #tpu.memory_space<vmem>>
      %dma_wait3A_114 = arith.constant 0 : i32
      %dma_wait3A_115 = arith.constant 0 : i32
      %dma_wait3A_116 = tpu.memref_slice %arg2[%dma_wait3A_114, %dma_wait3A_115] : memref<10240x128xf32, #tpu.memory_space<hbm>> -> memref<10240x128xf32, #tpu.memory_space<hbm>>
      tpu.wait_indirect_dma semaphore(%arg17 : memref<!tpu.dma_semaphore, #tpu.memory_space<semaphore_mem>>) src(%dma_wait3A_116 : memref<10240x128xf32, #tpu.memory_space<hbm>>) dst(%arg13 : memref<128x128xf32, #tpu.memory_space<vmem>>)
      %run_scoped3A_117 = arith.constant 7 : i32
      "tpu.region"() ({
        %run_scoped3A_118 = tpu.sem_alloc : memref<!tpu.dma_semaphore, #tpu.memory_space<semaphore_mem>>
        %dma_start3A_119 = arith.constant 0 : i32
        %dma_start3A_120 = tpu.memref_slice %arg11[%run_scoped3A_117, %dma_start3A_119] : memref<8x128xi32, #tpu.memory_space<vmem>> -> memref<1x128xi32, #tpu.memory_space<vmem>>
        %dma_start3A_121 = tpu.memref_squeeze %dma_start3A_120 : memref<1x128xi32, #tpu.memory_space<vmem>> -> memref<128xi32, #tpu.memory_space<vmem>>
        %dma_start3A_122 = arith.constant 0 : i32
        %dma_start3A_123 = arith.constant 0 : i32
        %dma_start3A_124 = tpu.memref_slice %arg15[%dma_start3A_122, %dma_start3A_123] : memref<10240x128xf32, #tpu.memory_space<vmem_shared>> -> memref<10240x128xf32, #tpu.memory_space<vmem_shared>>
        tpu.enqueue_indirect_dma source(%arg13 : memref<128x128xf32, #tpu.memory_space<vmem>>) target(%dma_start3A_124 : memref<10240x128xf32, #tpu.memory_space<vmem_shared>>) offsets(%dma_start3A_121 : memref<128xi32, #tpu.memory_space<vmem>>) semaphore(%run_scoped3A_118 : memref<!tpu.dma_semaphore, #tpu.memory_space<semaphore_mem>>) {add = true}
        %dma_wait3A_125 = arith.constant 0 : i32
        %dma_wait3A_126 = tpu.memref_slice %arg11[%run_scoped3A_117, %dma_wait3A_125] : memref<8x128xi32, #tpu.memory_space<vmem>> -> memref<1x128xi32, #tpu.memory_space<vmem>>
        %dma_wait3A_127 = tpu.memref_squeeze %dma_wait3A_126 : memref<1x128xi32, #tpu.memory_space<vmem>> -> memref<128xi32, #tpu.memory_space<vmem>>
        %dma_wait3A_128 = arith.constant 0 : i32
        %dma_wait3A_129 = arith.constant 0 : i32
        %dma_wait3A_130 = tpu.memref_slice %arg15[%dma_wait3A_128, %dma_wait3A_129] : memref<10240x128xf32, #tpu.memory_space<vmem_shared>> -> memref<10240x128xf32, #tpu.memory_space<vmem_shared>>
        tpu.wait_indirect_dma semaphore(%run_scoped3A_118 : memref<!tpu.dma_semaphore, #tpu.memory_space<semaphore_mem>>) src(%arg13 : memref<128x128xf32, #tpu.memory_space<vmem>>) dst(%dma_wait3A_130 : memref<10240x128xf32, #tpu.memory_space<vmem_shared>>)
        tpu.yield
      }) : () -> ()
    }
    %scan3A_16 = arith.constant 5 : i32
    %barrier3A_17 = arith.constant 0 : index
    tpu.barrier barrier_id(%barrier3A_17)
    "tpu.region"() ({
      %run_scoped3A = tpu.sem_alloc : memref<!tpu.dma_semaphore, #tpu.memory_space<semaphore_mem>>
      %dma_start3A_20 = arith.constant 0 : i32
      %dma_start3A_21 = tpu.memref_slice %arg6[%arg0, %mul3A_2, %dma_start3A_20] : memref<2x10240x128xf32, #tpu.memory_space<hbm>> -> memref<1x640x128xf32, #tpu.memory_space<hbm>>
      %dma_start3A_22 = tpu.memref_squeeze %dma_start3A_21 : memref<1x640x128xf32, #tpu.memory_space<hbm>> -> memref<640x128xf32, #tpu.memory_space<hbm>>
      %dma_start3A_23 = arith.constant 0 : i32
      %dma_start3A_24 = tpu.memref_slice %arg15[%mul3A_2, %dma_start3A_23] : memref<10240x128xf32, #tpu.memory_space<vmem_shared>> -> memref<640x128xf32, #tpu.memory_space<vmem_shared>>
      tpu.enqueue_dma source(%dma_start3A_24 : memref<640x128xf32, #tpu.memory_space<vmem_shared>>) target(%dma_start3A_22 : memref<640x128xf32, #tpu.memory_space<hbm>>) target_semaphore(%run_scoped3A : memref<!tpu.dma_semaphore, #tpu.memory_space<semaphore_mem>>)
      %dma_wait3A = arith.constant 0 : i32
      %dma_wait3A_25 = tpu.memref_slice %arg6[%arg0, %mul3A_2, %dma_wait3A] : memref<2x10240x128xf32, #tpu.memory_space<hbm>> -> memref<1x640x128xf32, #tpu.memory_space<hbm>>
      %dma_wait3A_26 = tpu.memref_squeeze %dma_wait3A_25 : memref<1x640x128xf32, #tpu.memory_space<hbm>> -> memref<640x128xf32, #tpu.memory_space<hbm>>
      %dma_wait3A_27 = arith.constant 0 : i32
      %dma_wait3A_28 = tpu.memref_slice %arg15[%mul3A_2, %dma_wait3A_27] : memref<10240x128xf32, #tpu.memory_space<vmem_shared>> -> memref<640x128xf32, #tpu.memory_space<vmem_shared>>
      tpu.wait_dma2 semaphore(%run_scoped3A : memref<!tpu.dma_semaphore, #tpu.memory_space<semaphore_mem>>) src(%dma_wait3A_28 : memref<640x128xf32, #tpu.memory_space<vmem_shared>>) dst(%dma_wait3A_26 : memref<640x128xf32, #tpu.memory_space<hbm>>)
      tpu.yield
    }) : () -> ()
    %mul3A_18 = arith.constant 80 : i32
    %mul3A_19 = arith.muli %add3A, %mul3A_18 : i32
    "tpu.region"() ({
      %run_scoped3A = tpu.sem_alloc : memref<!tpu.dma_semaphore, #tpu.memory_space<semaphore_mem>>
      %dma_start3A_20 = arith.constant 0 : i32
      %dma_start3A_21 = tpu.memref_slice %arg7[%mul3A_19, %dma_start3A_20] : memref<2560x128xf32, #tpu.memory_space<hbm>> -> memref<80x128xf32, #tpu.memory_space<hbm>>
      %dma_start3A_22 = arith.constant 0 : i32
      %dma_start3A_23 = tpu.memref_slice %arg7[%mul3A_19, %dma_start3A_22] : memref<2560x128xf32, #tpu.memory_space<hbm>> -> memref<80x128xf32, #tpu.memory_space<hbm>>
      tpu.enqueue_dma source(%arg14 : memref<80x128xf32, #tpu.memory_space<vmem>>) target(%dma_start3A_23 : memref<80x128xf32, #tpu.memory_space<hbm>>) target_semaphore(%run_scoped3A : memref<!tpu.dma_semaphore, #tpu.memory_space<semaphore_mem>>)
      %dma_wait3A = arith.constant 0 : i32
      %dma_wait3A_24 = tpu.memref_slice %arg7[%mul3A_19, %dma_wait3A] : memref<2560x128xf32, #tpu.memory_space<hbm>> -> memref<80x128xf32, #tpu.memory_space<hbm>>
      %dma_wait3A_25 = arith.constant 0 : i32
      %dma_wait3A_26 = tpu.memref_slice %arg7[%mul3A_19, %dma_wait3A_25] : memref<2560x128xf32, #tpu.memory_space<hbm>> -> memref<80x128xf32, #tpu.memory_space<hbm>>
      tpu.wait_dma2 semaphore(%run_scoped3A : memref<!tpu.dma_semaphore, #tpu.memory_space<semaphore_mem>>) src(%arg14 : memref<80x128xf32, #tpu.memory_space<vmem>>) dst(%dma_wait3A_26 : memref<80x128xf32, #tpu.memory_space<hbm>>)
      tpu.yield
    }) : () -> ()
    return
  }
}

module attributes {stable_mosaic.version = 14 : i64} {
  func.func @_self_body(%arg0: i32, %arg1: memref<1024x128xf32, #tpu.memory_space<vmem>>, %arg2: memref<128x128xf32, #tpu.memory_space<vmem>>, %arg3: memref<1x128xf32, #tpu.memory_space<vmem>>, %arg4: memref<1024x128xf32, #tpu.memory_space<vmem>>) attributes {dimension_semantics = [#tpu.dimension_semantics<arbitrary>], iteration_bounds = array<i64: 10>, scalar_prefetch = 0 : i64, scratch_operands = 0 : i64, tpu.core_type = #tpu.core_type<tc>, window_params = [{transform_indices = @transform_0, window_bounds = array<i64: 1024, 128>}, {pipeline_mode = #tpu.pipeline_mode<synchronous>, transform_indices = @transform_1, window_bounds = array<i64: 128, 128>}, {pipeline_mode = #tpu.pipeline_mode<synchronous>, transform_indices = @transform_2, window_bounds = array<i64: 1, 128>}, {transform_indices = @transform_3, window_bounds = array<i64: 1024, 128>}]} {
    %get3A = arith.constant 0 : index
    %get3A_0 = arith.constant 0 : index
    %get3A_1 = vector.load %arg1[%get3A, %get3A_0] : memref<1024x128xf32, #tpu.memory_space<vmem>>, vector<1024x128xf32>
    %get3A_2 = arith.constant 0 : index
    %get3A_3 = arith.constant 0 : index
    %get3A_4 = vector.load %arg2[%get3A_2, %get3A_3] : memref<128x128xf32, #tpu.memory_space<vmem>>, vector<128x128xf32>
    %dot_general3A = arith.constant dense<0.000000e+00> : vector<1024x128xf32>
    %dot_general3A_5 = tpu.matmul %get3A_1, %get3A_4, %dot_general3A {dimension_numbers = #tpu.dot_dimension_numbers<[1], [0], [0], [1], [0, 0, 1, 1], [], []>, transpose_lhs_hint = false} : vector<1024x128xf32>, vector<128x128xf32>, vector<1024x128xf32> -> vector<1024x128xf32>
    %get3A_6 = arith.constant 0 : index
    %get3A_7 = arith.constant 0 : index
    %get3A_8 = vector.load %arg3[%get3A_6, %get3A_7] : memref<1x128xf32, #tpu.memory_space<vmem>>, vector<1x128xf32>
    %add3A = vector.broadcast %get3A_8 : vector<1x128xf32> to vector<1024x128xf32>
    %add3A_9 = arith.addf %dot_general3A_5, %add3A : vector<1024x128xf32>
    %swap3A = arith.constant 0 : index
    %swap3A_10 = arith.constant 0 : index
    %swap3A_11 = vector.load %arg4[%swap3A, %swap3A_10] : memref<1024x128xf32, #tpu.memory_space<vmem>>, vector<1024x128xf32>
    tpu.vector_store %arg4[%swap3A, %swap3A_10], %add3A_9 {strides = array<i32>} : memref<1024x128xf32, #tpu.memory_space<vmem>>, vector<1024x128xf32>,
    return
  }
  func.func @transform_0(%arg0: i32) -> (i32, i32) {
    %c0_i32 = arith.constant 0 : i32
    %c0_i32_0 = arith.constant 0 : i32
    return %arg0, %c0_i32 : i32, i32
  }
  func.func @transform_1(%arg0: i32) -> (i32, i32) {
    %c0_i32 = arith.constant 0 : i32
    %c0_i32_0 = arith.constant 0 : i32
    %c0_i32_1 = arith.constant 0 : i32
    return %c0_i32, %c0_i32_0 : i32, i32
  }
  func.func @transform_2(%arg0: i32) -> (i32, i32) {
    %c0_i32 = arith.constant 0 : i32
    %c0_i32_0 = arith.constant 0 : i32
    %c0_i32_1 = arith.constant 0 : i32
    return %c0_i32, %c0_i32_0 : i32, i32
  }
  func.func @transform_3(%arg0: i32) -> (i32, i32) {
    %c0_i32 = arith.constant 0 : i32
    %c0_i32_0 = arith.constant 0 : i32
    return %arg0, %c0_i32 : i32, i32
  }
}

module attributes {stable_mosaic.version = 14 : i64} {
  func.func @_combine_body(%arg0: i32, %arg1: memref<1024x128xf32, #tpu.memory_space<vmem>>, %arg2: memref<2x1024x128xf32, #tpu.memory_space<vmem>>, %arg3: memref<32x1024xf32, #tpu.memory_space<vmem>>, %arg4: memref<128x128xf32, #tpu.memory_space<vmem>>, %arg5: memref<1024x128xf32, #tpu.memory_space<vmem>>) attributes {dimension_semantics = [#tpu.dimension_semantics<arbitrary>], iteration_bounds = array<i64: 10>, scalar_prefetch = 0 : i64, scratch_operands = 0 : i64, tpu.core_type = #tpu.core_type<tc>, window_params = [{transform_indices = @transform_0, window_bounds = array<i64: 1024, 128>}, {transform_indices = @transform_1, window_bounds = array<i64: 2, 1024, 128>}, {transform_indices = @transform_2, window_bounds = array<i64: 32, 1024>}, {pipeline_mode = #tpu.pipeline_mode<synchronous>, transform_indices = @transform_3, window_bounds = array<i64: 128, 128>}, {transform_indices = @transform_4, window_bounds = array<i64: 1024, 128>}]} {
    %get3A = arith.constant 0 : index
    %get3A_0 = arith.constant 0 : index
    %get3A_1 = arith.constant 0 : index
    %get3A_2 = vector.load %arg2[%get3A, %get3A_0, %get3A_1] : memref<2x1024x128xf32, #tpu.memory_space<vmem>>, vector<1x1024x128xf32>
    %get3A_3 = vector.shape_cast %get3A_2 : vector<1x1024x128xf32> to vector<1024x128xf32>
    %get3A_4 = arith.constant 1 : index
    %get3A_5 = arith.constant 0 : index
    %get3A_6 = arith.constant 0 : index
    %get3A_7 = vector.load %arg2[%get3A_4, %get3A_5, %get3A_6] : memref<2x1024x128xf32, #tpu.memory_space<vmem>>, vector<1x1024x128xf32>
    %get3A_8 = vector.shape_cast %get3A_7 : vector<1x1024x128xf32> to vector<1024x128xf32>
    %add3A = arith.addf %get3A_3, %get3A_8 : vector<1024x128xf32>
    %get3A_9 = arith.constant 0 : index
    %get3A_10 = arith.constant 0 : index
    %get3A_11 = vector.load %arg3[%get3A_9, %get3A_10] : memref<32x1024xf32, #tpu.memory_space<vmem>>, vector<32x1024xf32>
    %broadcast_in_dim3A = arith.constant 1.000000e+00 : f32
    %broadcast_in_dim3A_12 = vector.broadcast %broadcast_in_dim3A : f32 to vector<32x1xf32>
    %dot_general3A = arith.constant dense<0.000000e+00> : vector<1024x1xf32>
    %dot_general3A_13 = tpu.matmul %get3A_11, %broadcast_in_dim3A_12, %dot_general3A {dimension_numbers = #tpu.dot_dimension_numbers<[0], [0], [1], [1], [0, 1, 1, 1], [], []>, transpose_lhs_hint = false} : vector<32x1024xf32>, vector<32x1xf32>, vector<1024x1xf32> -> vector<1024x1xf32>
    %max3A = arith.constant 1.000000e+00 : f32
    %max3A_14 = vector.broadcast %max3A : f32 to vector<1024x1xf32>
    %max3A_15 = arith.maximumf %dot_general3A_13, %max3A_14 : vector<1024x1xf32>
    %div3A = vector.broadcast %max3A_15 : vector<1024x1xf32> to vector<1024x128xf32>
    %div3A_16 = arith.divf %add3A, %div3A : vector<1024x128xf32>
    %get3A_17 = arith.constant 0 : index
    %get3A_18 = arith.constant 0 : index
    %get3A_19 = vector.load %arg1[%get3A_17, %get3A_18] : memref<1024x128xf32, #tpu.memory_space<vmem>>, vector<1024x128xf32>
    %get3A_20 = arith.constant 0 : index
    %get3A_21 = arith.constant 0 : index
    %get3A_22 = vector.load %arg4[%get3A_20, %get3A_21] : memref<128x128xf32, #tpu.memory_space<vmem>>, vector<128x128xf32>
    %dot_general3A_23 = arith.constant dense<0.000000e+00> : vector<1024x128xf32>
    %dot_general3A_24 = tpu.matmul %div3A_16, %get3A_22, %dot_general3A_23 {dimension_numbers = #tpu.dot_dimension_numbers<[1], [0], [0], [1], [0, 0, 1, 1], [], []>, transpose_lhs_hint = false} : vector<1024x128xf32>, vector<128x128xf32>, vector<1024x128xf32> -> vector<1024x128xf32>
    %add3A_25 = arith.addf %get3A_19, %dot_general3A_24 : vector<1024x128xf32>
    %max3A_26 = arith.constant 0.000000e+00 : f32
    %max3A_27 = vector.broadcast %max3A_26 : f32 to vector<1024x128xf32>
    %max3A_28 = arith.maximumf %add3A_25, %max3A_27 : vector<1024x128xf32>
    %swap3A = arith.constant 0 : index
    %swap3A_29 = arith.constant 0 : index
    %swap3A_30 = vector.load %arg5[%swap3A, %swap3A_29] : memref<1024x128xf32, #tpu.memory_space<vmem>>, vector<1024x128xf32>
    tpu.vector_store %arg5[%swap3A, %swap3A_29], %max3A_28 {strides = array<i32>} : memref<1024x128xf32, #tpu.memory_space<vmem>>, vector<1024x128xf32>,
    return
  }
  func.func @transform_0(%arg0: i32) -> (i32, i32) {
    %c0_i32 = arith.constant 0 : i32
    %c0_i32_0 = arith.constant 0 : i32
    return %arg0, %c0_i32 : i32, i32
  }
  func.func @transform_1(%arg0: i32) -> (i32, i32, i32) {
    %c0_i32 = arith.constant 0 : i32
    %c0_i32_0 = arith.constant 0 : i32
    %c0_i32_1 = arith.constant 0 : i32
    return %c0_i32, %arg0, %c0_i32_0 : i32, i32, i32
  }
  func.func @transform_2(%arg0: i32) -> (i32, i32) {
    %c0_i32 = arith.constant 0 : i32
    %c0_i32_0 = arith.constant 0 : i32
    return %c0_i32, %arg0 : i32, i32
  }
  func.func @transform_3(%arg0: i32) -> (i32, i32) {
    %c0_i32 = arith.constant 0 : i32
    %c0_i32_0 = arith.constant 0 : i32
    %c0_i32_1 = arith.constant 0 : i32
    return %c0_i32, %c0_i32_0 : i32, i32
  }
  func.func @transform_4(%arg0: i32) -> (i32, i32) {
    %c0_i32 = arith.constant 0 : i32
    %c0_i32_0 = arith.constant 0 : i32
    return %arg0, %c0_i32 : i32, i32
  }
}

module attributes {stable_mosaic.version = 14 : i64} {
  func.func @_combine_body(%arg0: i32, %arg1: memref<1024x128xf32, #tpu.memory_space<vmem>>, %arg2: memref<2x1024x128xf32, #tpu.memory_space<vmem>>, %arg3: memref<32x1024xf32, #tpu.memory_space<vmem>>, %arg4: memref<128x128xf32, #tpu.memory_space<vmem>>, %arg5: memref<1024x128xf32, #tpu.memory_space<vmem>>) attributes {dimension_semantics = [#tpu.dimension_semantics<arbitrary>], iteration_bounds = array<i64: 10>, scalar_prefetch = 0 : i64, scratch_operands = 0 : i64, tpu.core_type = #tpu.core_type<tc>, window_params = [{transform_indices = @transform_0, window_bounds = array<i64: 1024, 128>}, {transform_indices = @transform_1, window_bounds = array<i64: 2, 1024, 128>}, {transform_indices = @transform_2, window_bounds = array<i64: 32, 1024>}, {pipeline_mode = #tpu.pipeline_mode<synchronous>, transform_indices = @transform_3, window_bounds = array<i64: 128, 128>}, {transform_indices = @transform_4, window_bounds = array<i64: 1024, 128>}]} {
    %get3A = arith.constant 0 : index
    %get3A_0 = arith.constant 0 : index
    %get3A_1 = arith.constant 0 : index
    %get3A_2 = vector.load %arg2[%get3A, %get3A_0, %get3A_1] : memref<2x1024x128xf32, #tpu.memory_space<vmem>>, vector<1x1024x128xf32>
    %get3A_3 = vector.shape_cast %get3A_2 : vector<1x1024x128xf32> to vector<1024x128xf32>
    %get3A_4 = arith.constant 1 : index
    %get3A_5 = arith.constant 0 : index
    %get3A_6 = arith.constant 0 : index
    %get3A_7 = vector.load %arg2[%get3A_4, %get3A_5, %get3A_6] : memref<2x1024x128xf32, #tpu.memory_space<vmem>>, vector<1x1024x128xf32>
    %get3A_8 = vector.shape_cast %get3A_7 : vector<1x1024x128xf32> to vector<1024x128xf32>
    %add3A = arith.addf %get3A_3, %get3A_8 : vector<1024x128xf32>
    %get3A_9 = arith.constant 0 : index
    %get3A_10 = arith.constant 0 : index
    %get3A_11 = vector.load %arg3[%get3A_9, %get3A_10] : memref<32x1024xf32, #tpu.memory_space<vmem>>, vector<32x1024xf32>
    %broadcast_in_dim3A = arith.constant 1.000000e+00 : f32
    %broadcast_in_dim3A_12 = vector.broadcast %broadcast_in_dim3A : f32 to vector<32x1xf32>
    %dot_general3A = arith.constant dense<0.000000e+00> : vector<1024x1xf32>
    %dot_general3A_13 = tpu.matmul %get3A_11, %broadcast_in_dim3A_12, %dot_general3A {dimension_numbers = #tpu.dot_dimension_numbers<[0], [0], [1], [1], [0, 1, 1, 1], [], []>, transpose_lhs_hint = false} : vector<32x1024xf32>, vector<32x1xf32>, vector<1024x1xf32> -> vector<1024x1xf32>
    %max3A = arith.constant 1.000000e+00 : f32
    %max3A_14 = vector.broadcast %max3A : f32 to vector<1024x1xf32>
    %max3A_15 = arith.maximumf %dot_general3A_13, %max3A_14 : vector<1024x1xf32>
    %div3A = vector.broadcast %max3A_15 : vector<1024x1xf32> to vector<1024x128xf32>
    %div3A_16 = arith.divf %add3A, %div3A : vector<1024x128xf32>
    %get3A_17 = arith.constant 0 : index
    %get3A_18 = arith.constant 0 : index
    %get3A_19 = vector.load %arg1[%get3A_17, %get3A_18] : memref<1024x128xf32, #tpu.memory_space<vmem>>, vector<1024x128xf32>
    %get3A_20 = arith.constant 0 : index
    %get3A_21 = arith.constant 0 : index
    %get3A_22 = vector.load %arg4[%get3A_20, %get3A_21] : memref<128x128xf32, #tpu.memory_space<vmem>>, vector<128x128xf32>
    %dot_general3A_23 = arith.constant dense<0.000000e+00> : vector<1024x128xf32>
    %dot_general3A_24 = tpu.matmul %div3A_16, %get3A_22, %dot_general3A_23 {dimension_numbers = #tpu.dot_dimension_numbers<[1], [0], [0], [1], [0, 0, 1, 1], [], []>, transpose_lhs_hint = false} : vector<1024x128xf32>, vector<128x128xf32>, vector<1024x128xf32> -> vector<1024x128xf32>
    %add3A_25 = arith.addf %get3A_19, %dot_general3A_24 : vector<1024x128xf32>
    %swap3A = arith.constant 0 : index
    %swap3A_26 = arith.constant 0 : index
    %swap3A_27 = vector.load %arg5[%swap3A, %swap3A_26] : memref<1024x128xf32, #tpu.memory_space<vmem>>, vector<1024x128xf32>
    tpu.vector_store %arg5[%swap3A, %swap3A_26], %add3A_25 {strides = array<i32>} : memref<1024x128xf32, #tpu.memory_space<vmem>>, vector<1024x128xf32>,
    return
  }
  func.func @transform_0(%arg0: i32) -> (i32, i32) {
    %c0_i32 = arith.constant 0 : i32
    %c0_i32_0 = arith.constant 0 : i32
    return %arg0, %c0_i32 : i32, i32
  }
  func.func @transform_1(%arg0: i32) -> (i32, i32, i32) {
    %c0_i32 = arith.constant 0 : i32
    %c0_i32_0 = arith.constant 0 : i32
    %c0_i32_1 = arith.constant 0 : i32
    return %c0_i32, %arg0, %c0_i32_0 : i32, i32, i32
  }
  func.func @transform_2(%arg0: i32) -> (i32, i32) {
    %c0_i32 = arith.constant 0 : i32
    %c0_i32_0 = arith.constant 0 : i32
    return %c0_i32, %arg0 : i32, i32
  }
  func.func @transform_3(%arg0: i32) -> (i32, i32) {
    %c0_i32 = arith.constant 0 : i32
    %c0_i32_0 = arith.constant 0 : i32
    %c0_i32_1 = arith.constant 0 : i32
    return %c0_i32, %c0_i32_0 : i32, i32
  }
  func.func @transform_4(%arg0: i32) -> (i32, i32) {
    %c0_i32 = arith.constant 0 : i32
    %c0_i32_0 = arith.constant 0 : i32
    return %arg0, %c0_i32 : i32, i32
  }
}

</mosaic_0001>

<sc_bundles>
// kernel: kernel.11.cloned.1.call-start
scs
__scs_entry_jumppad:
0x0: {  	(pc) =	sbr.rel $0x88, $3  }
0x1: {  	(tag) =	ssettag $0x0;
	lr =	simm.s32 $0x1  }
0x2: {  	[smem:$0x3F98] =	sst lr;
	_ =	strace $0xD0000000  }
0x3: {  	_ = 	snop  }
0x4: {  	_ = 	snop  }
0x5: {  	_ = 	snop  }
0x6: {  	_ = 	snop  }
0x7: {  	_ = 	snop  }
__scs_overlays_trampoline_lowered:
0x8: {  	[smem:$0x3FA7] =	sst s0  }
0x9: {  	[smem:$0x3FA8] =	sst s1  }
0xa: {  	[smem:$0x3FA9] =	sst s2  }
0xb: {  	[smem:$0x3FAA] =	sst s3  }
0xc: {  	[smem:$0x3FAB] =	sst s4  }
0xd: {  	[smem:$0x3FAC] =	sst s5  }
0xe: {  	[smem:$0x3FAD] =	sst s6  }
0xf: {  	[smem:$0x3FAE] =	sst s7  }
0x10: {  	[smem:$0x3FAF] =	sst s8  }
0x11: {  	[smem:$0x3FB0] =	sst s9;
	s0 =	simm.s32 @!p0 $0x0  }
0x12: {  	s1 =	sld [smem:$0x3F96];
	s0 =	simm.s32 @p0 $0x1  }
0x13: {  	[smem:$0x3FB1] =	sst s0;
	s0 =	simm.s32 @!p1 $0x0  }
0x14: {  	s2 =	sld [smem:$0x3F95];
	s0 =	simm.s32 @p1 $0x1  }
0x15: {  	[smem:$0x3FB2] =	sst s0;
	s0 =	simm.s32 @!p2 $0x0  }
0x16: {  	s3 =	sld [smem:$0x3FDB];
	s0 =	simm.s32 @p2 $0x1  }
0x17: {  	s4 =	simm.s32 $0x1BF5;
	[smem:$0x3FB4] =	sst s0  }
0x18: {  	s0 =	sld [smem:$0x3F97];
	_ =	swait.ge [sflag:s4], $0x0  }
0x19: {  	s7 =	sld [smem:$0x3F98]  }
0x1a: {  	s8 =	sadd.s32 $0xFFFFE003, lr  }
0x1b: {  	s9 =	sadd.s32 $0xFFFFFEF7, lr;
	s5 =	simm.s32 $0xFFFFFFFF;
	p2 =	slt.u32 s8, $0xFFFFF086  }
0x1c: {  	p1 =	slt.u32 s9, $0xF7A;
	s5 =	simm.s32 @!p2 $0x0  }
0x1d: {  	s5 =	simm.s32 @p1 $0x1;
	p0 =	seq.s32 s7, s2  }
0x1e: {  	s7 =	smul.u32 @!p0 $0xF7A, s2;
	p2 =	seq.s32 @!p0 s5, $0x0  }
0x1f: {  	s9 =	smul.u32 $0xF7A, s1;
	s8 =	simm.s32 @!p0 $0x1BF5;
	p2 =	por !p2, p0  }
0x20: {  	[sflag:s8] =	ssyncset.s32 @!p0 $0xFFFFF086;
	s6 =	sadd.s32 @!p0 s3, s7;
	s7 =	simm.s32 @!p0 $0x108  }
0x21: {  	s3 =	sadd.s32 s3, s9;
	s6 =	sadd.s32 @!p0 $0x88, s6;
	s7 =	simm.s32 @p2 $0x1082  }
0x22: {  	[simem:s7], [sflag:s8] =	dma.local @!p0 [hbm:s6], $0xF7A  }
0x23: {  	s9 =	sor.u32 $0xD0000000, s2;
	s6 =	simm.s32 $0x108;
	_ =	swait.ge @!p0 [sflag:s8], $0x0  }
0x24: {  	s3 =	sadd.s32 $0x88, s3;
	s6 =	simm.s32 @!p1 $0x1082;
	[sflag:s4] =	ssyncset.s32 $0xFFFFF086  }
0x25: {  	[simem:s6], [sflag:s4] =	dma.local [hbm:s3], $0xF7A  }
0x26: {  	[smem:$0x3F98] =	sst s1;
	(tag) =	ssettag s2;
	_ =	strace s9  }
0x27: {  	s1 =	sld [smem:$0x3FA8]  }
0x28: {  	s2 =	sld [smem:$0x3FA9]  }
0x29: {  	s4 =	sld [smem:$0x3FAB]  }
0x2a: {  	p0 =	seq.s32 s5, $0x0;
	s5 =	sld [smem:$0x3FAC]  }
0x2b: {  	s6 =	sld [smem:$0x3FAD]  }
0x2c: {  	s7 =	sld [smem:$0x3FAE]  }
0x2d: {  	s3 =	simm.s32 $0x108;
	s8 =	sld [smem:$0x3FAF]  }
0x2e: {  	s3 =	simm.s32 @!p0 $0x1082;
	s9 =	sld [smem:$0x3FB0]  }
0x2f: {  	lr =	sadd.s32 s0, s3;
	s0 =	sld [smem:$0x3FA7]  }
0x30: {  	s3 =	sld [smem:$0x3FAA]  }
0x31: {  	[smem:$0x3FB3] =	sst s10  }
0x32: {  	s10 =	sld [smem:$0x3FB1];
	_ =	sdelay $0x3  }
0x33: {  	p0 =	seq.s32 s10, $0x1;
	s10 =	sld [smem:$0x3FB3];
	_ =	sdelay $0x3  }
0x34: {  	[smem:$0x3FB3] =	sst s10  }
0x35: {  	s10 =	sld [smem:$0x3FB2];
	_ =	sdelay $0x3  }
0x36: {  	p1 =	seq.s32 s10, $0x1;
	s10 =	sld [smem:$0x3FB3];
	_ =	sdelay $0x3  }
0x37: {  	[smem:$0x3FB3] =	sst s10  }
0x38: {  	s10 =	sld [smem:$0x3FB4]  }
0x39: {  	_ = 	snop;
	(pc) =	sbr.ind lr, $3  }
0x3a: {  	_ = 	snop  }
0x3b: {  	_ = 	snop  }
0x3c: {  	p2 =	seq.s32 s10, $0x1;
	s10 =	sld [smem:$0x3FB3]  }
0x3d: {  	_ =	shalt  }
0x3e: {  	_ =	shalt  }
0x3f: {  	_ =	shalt  }
0x40: {  	_ =	shalt  }
0x41: {  	_ =	shalt  }
0x42: {  	_ =	shalt  }
0x43: {  	_ =	shalt  }
0x44: {  	_ =	shalt  }
0x45: {  	_ =	shalt  }
0x46: {  	_ =	shalt  }
0x47: {  	_ =	shalt  }
0x48: {  	_ =	shalt  }
0x49: {  	_ =	shalt  }
0x4a: {  	_ =	shalt  }
0x4b: {  	_ =	shalt  }
0x4c: {  	_ =	shalt  }
0x4d: {  	_ =	shalt  }
0x4e: {  	_ =	shalt  }
0x4f: {  	_ =	shalt  }
0x50: {  	_ =	shalt  }
0x51: {  	_ =	shalt  }
0x52: {  	_ =	shalt  }
0x53: {  	_ =	shalt  }
0x54: {  	_ =	shalt  }
0x55: {  	_ =	shalt  }
0x56: {  	_ =	shalt  }
0x57: {  	_ =	shalt  }
0x58: {  	_ =	shalt  }
0x59: {  	_ =	shalt  }
0x5a: {  	_ =	shalt  }
0x5b: {  	_ =	shalt  }
0x5c: {  	_ =	shalt  }
0x5d: {  	_ =	shalt  }
0x5e: {  	_ =	shalt  }
0x5f: {  	_ =	shalt  }
0x60: {  	_ =	shalt  }
0x61: {  	_ =	shalt  }
0x62: {  	_ =	shalt  }
0x63: {  	_ =	shalt  }
0x64: {  	_ =	shalt  }
0x65: {  	_ =	shalt  }
0x66: {  	_ =	shalt  }
0x67: {  	_ =	shalt  }
0x68: {  	_ =	shalt  }
0x69: {  	_ =	shalt  }
0x6a: {  	_ =	shalt  }
0x6b: {  	_ =	shalt  }
0x6c: {  	_ =	shalt  }
0x6d: {  	_ =	shalt  }
0x6e: {  	_ =	shalt  }
0x6f: {  	_ =	shalt  }
0x70: {  	_ =	shalt  }
0x71: {  	_ =	shalt  }
0x72: {  	_ =	shalt  }
0x73: {  	_ =	shalt  }
0x74: {  	_ =	shalt  }
0x75: {  	_ =	shalt  }
0x76: {  	_ =	shalt  }
0x77: {  	_ =	shalt  }
0x78: {  	_ =	shalt  }
0x79: {  	_ =	shalt  }
0x7a: {  	_ =	shalt  }
0x7b: {  	_ =	shalt  }
0x7c: {  	_ =	shalt  }
0x7d: {  	_ =	shalt  }
0x7e: {  	_ =	shalt  }
0x7f: {  	_ =	shalt  }
0x80: {  	_ =	shalt  }
0x81: {  	_ =	shalt  }
0x82: {  	_ =	shalt  }
0x83: {  	_ =	shalt  }
0x84: {  	_ =	shalt  }
0x85: {  	_ =	shalt  }
0x86: {  	_ =	shalt  }
0x87: {  	_ =	shalt  }
.Lfunc_end0:
.L_simem_size_0:
called_computation.1_lowered:
.L_overlay_start_0:
0x88: {  	s2 =	sld [smem:$0x3FD9]  }
0x89: {  	s3 =	sld [smem:$0x3FFE];
	_ =	sdelay $0x1  }
0x8a: {  	s1 =	srdreg.scid  }
0x8b: {  	s0 =	sand.u32 $0x1, s1  }
0x8c: {  	s17 =	sshll.u32 s0, $0xA;
	s2 =	sadd.s32 s3, s2  }
0x8d: {  	s2 =	sadd.s32 s2, s17  }
0x8e: {  	[smem:$0x3FBF] =	sst s2  }
0x8f: {  	_ = 	snop  }
0x90: {  	s2 =	sld [smem:$0x3FD0];
	(tm) =	ssettm $0x1  }
0x91: {  	s18 =	sld [smem:$0x3FFB];
	_ =	sdelay $0x3  }
0x92: {  	_ =	strace s18  }
0x93: {  	s3 =	sld [smem:$0x3FFC];
	_ =	sdelay $0x3  }
0x94: {  	_ =	strace s3  }
0x95: {  	s3 =	sld [smem:$0x3FFD];
	_ =	sdelay $0x3  }
0x96: {  	_ =	strace s3  }
0x97: {  	_ =	strace $0x8FFFFFFF  }
0x98: {  	s19 =	sld [smem:$0x3FDB];
	_ =	sdelay $0x1  }
0x99: {  	s4 =	simm.s32 $_scs_section_size  }
0x9a: {  	s5 =	simm.s32 $_size__tile_overlayer_lowered;
	s6 =	simm.s32 $_tile_overlayer_lowered  }
0x9b: {  	s22 =	simm.s32 $0x1BFF;
	s21 =	sshll.u32 s6, $0x1;
	s3 =	sadd.s32 s4, s19  }
0x9c: {  	s7 =	simm.s32 $0x0;
	s20 =	sshll.u32 s5, $0x1;
	s5 =	sadd.s32 s21, s3  }
0x9d: {  	[timem:s7], [sflag:s22] =	dma.local [hbm:s5], s20  }
0x9e: {  	_ =	swait.ge [sflag:s22], s20  }
0x9f: {  	s4 =	ssub.s32 $0x0, s20;
	[sflag:s22] =	ssyncset.done $0x0  }
0xa0: {  	[sflag:s22] =	ssyncadd.s32 s4;
	_ =	sdelay $0x1  }
0xa1: {  	s23 =	simm.s32 $0x1B8B  }
0xa2: {  	_ =	swait.ge [sflag:s23], $0x1  }
0xa3: {  	[sflag:s23] =	ssyncset.done $0x0  }
0xa4: {  	s25 =	simm.s32 $0x1B8E;
	s24 =	sld [smem:$0x3FFE];
	[sflag:s23] =	ssyncadd.s32 $0xFFFFFFFF  }
0xa5: {  	s26 =	simm.s32 $execute0_lowered;
	[smem:$0x3FD2] =	sst s25  }
0xa6: {  	s5 =	sshll.u32 s26, $0x1;
	_ =	strace $0x80000049;
	[dreg:$0x1] =	wrdreg $0xFFFFFFFF  }
0xa7: {  	s28 =	simm.s32 $_size_execute0_lowered;
	s3 =	sadd.s32 s3, s5;
	[dreg:$0x0] =	wrdreg $0x0  }
0xa8: {  	s5 =	sshll.u32 s28, $0x1;
	[dreg:$0x2] =	wrdreg s3  }
0xa9: {  	[dreg:$0x3] =	wrdreg s5  }
0xaa: {  	[dreg:$0x4] =	wrdreg $0xC0  }
0xab: {  	_ =	task [dreg:s7], $0x5FFFF  }
0xac: {  	[dreg:$0x1] =	wrdreg $0xFFFFFFFF  }
0xad: {  	[dreg:$0x0] =	wrdreg $0x60  }
0xae: {  	[dreg:$0x2] =	wrdreg s24  }
0xaf: {  	[dreg:$0x3] =	wrdreg s2  }
0xb0: {  	[dreg:$0x4] =	wrdreg $0xB8000  }
0xb1: {  	[dreg:$0x5] =	wrdreg $0x9  }
0xb2: {  	_ =	task.clear_ibuf [dreg:s7], $0x6FFFF;
	_ =	strace $0x90000049  }
0xb3: {  	s29 =	simm.s32 $0x9;
	_ =	strace $0x8000004B  }
0xb4: {  	_ =	swait.ge [sflag:s29], $0x1  }
0xb5: {  	[sflag:s29] =	ssyncadd.s32 $0xFFFFFFFF  }
0xb6: {  	_ =	strace $0x9000004B  }
0xb7: {  	_ =	sfence  }
0xb8: {  	s30 =	sld [smem:$0x0];
	_ =	sdelay $0x2  }
0xb9: {  	s31 =	sshll.u32 s1, $0xD;
	s1 =	sshrl.u32 s1, $0x2  }
0xba: {  	s3 =	sand.u32 $0x4000, s31;
	s1 =	sadd.s32 s1, s30  }
0xbb: {  	s0 =	sor.u32 s3, s0;
	s1 =	sshll.u32 s1, $0x11  }
0xbc: {  	s0 =	sor.u32 s1, s0  }
0xbd: {  	s0 =	sadd.s32 $0x8F2B, s0  }
0xbe: {  	[sflag:s0] =	ssyncadd.remote.s32 $0x1  }
0xbf: {  	_ =	sfence.sel $0xFFFF  }
0xc0: {  	[dreg:$0x0] =	wrdreg $0xFFFFFFFF;
	(pc) =	sbr.abs _section_cstart, $3  }
0xc1: {  	[dreg:$0x1] =	wrdreg $0xFFFFFFFF  }
0xc2: {  	_ =	task.clear_ibuf [dreg:s7], $0x2FFFF;
	_ =	strace $0x9FFFFFFF  }
0xc3: {  	(tm) =	ssettm $0x7FFFFFFF  }
tec
execute0_lowered:
.L_overlay_start_1:
0x0: {  	(tag) =	ssettag $0x1  }
0x1: {  	s0 =	rddreg [dreg:$0x0]  }
0x2: {  	s1 =	rddreg [dreg:$0x1]  }
0x3: {  	s3 =	rddreg [dreg:$0x2];
	s19 =	simm.s32 $0x0;
	s12 =	stileid.u32  }
0x4: {  	s4 =	srdreg.scid;
	s17 =	simm.s32 $0x5;
	s18 =	simm.s32 $0x9000  }
0x5: {  	s20 =	simm.s32 $0x80;
	s28 =	simm.s32 $0x2;
	s16 =	simm.s32 $0x4  }
0x6: {  	s13 =	simm.s32 $0xB00;
	s14 =	simm.s32 $0xE80;
	s15 =	simm.s32 $0xB80  }
0x7: {  	s30 =	simm.s32 $0x0;
	[smem:$0x7FF] =	sst s19;
	s2 =	smul.u32 $0x14000, s12  }
0x8: {  	s5 =	sadd.s32 $0x48000, s0;
	s4 =	sand.u32 $0x1, s4;
	s6 =	sadd.s32 $0x16000, s0  }
0x9: {  	s11 =	smul.u32 $0x50000, s12;
	s23 =	sshll.u32 s12, $0x6;
	_ =	strace $0x8000004A  }
0xa: {  	s8 =	smul.u32 $0x140000, s4;
	s9 =	sshll.u32 s4, $0x4;
	s4 =	ssub.s32 $0x2, s4  }
0xb: {  	s26 =	sor.u32 $0x1C05, s23;
	s23 =	simm.s32 $0xC00;
	s7 =	sshrl.u32 s2, $0x3  }
0xc: {  	s9 =	sor.u32 s12, s9;
	s10 =	sshrl.u32 s4, $0x1;
	s22 =	sshrl.u32 s11, $0x2  }
0xd: {  	[dreg:$0x5] =	wrdreg s26;
	s7 =	sadd.s32 s7, s0;
	s21 =	smul.u32 $0x500, s9  }
0xe: {  	s2 =	sadd.s32 s2, s8;
	s4 =	ssub.s32 s4, s10;
	s9 =	smul.u32 $0xA, s9  }
0xf: {  	s10 =	sadd.s32 s22, s3;
	s22 =	simm.s32 $0x800;
	s8 =	simm.s32 $0x3  }
0x10: {  	s2 =	sshrl.u32 s2, $0x3;
	s7 =	sadd.s32 $0x20000, s7;
	s31 =	smax.u32 s4, $0x1  }
0x11: {  	s29 =	sshrl.u32 s10, $0x3;
	s10 =	simm.s32 $0xE00;
	s4 =	simm.s32 $0xF80  }
0x12: {  	s2 =	sadd.s32 s2, s0;
	s0 =	sadd.s32 s21, s0;
	[dreg:$0x4] =	wrdreg s7  }
0x13: {  	s24 =	sadd.s32 s1, s21;
	s25 =	sadd.s32 s6, s21;
	[dreg:$0xa] =	wrdreg s31  }
0x14: {  	s11 =	sor.u32 $0x1, s9;
	s12 =	sadd.s32 $0x2, s9;
	[dreg:$0xb] =	wrdreg s29  }
0x15: {  	s21 =	simm.s32 $0x1000;
	s9 =	simm.s32 $0xA80;
	[dreg:$0x6] =	wrdreg s24  }
0x16: {  	s7 =	simm.s32 $0xF00;
	[dreg:$0x7] =	wrdreg s25;
	s2 =	sadd.s32 $0x70000, s2  }
0x17: {  	s0 =	sadd.s32 $0x2000, s0;
	s24 =	simm.s32 $0x5000;
	[dreg:$0x8] =	wrdreg s2  }
0x18: {  	v0 =	vimm.f32 $1.000000000e+00;
	s25 =	simm.s32 $0x1;
	[dreg:$0x9] =	wrdreg s0;
	s2 =	simm.s32 $0xD80  }
.LBB2_1:
0x19: {  	[dreg:$0xc] =	wrdreg s30  }
0x1a: {  	s0 =	rddreg [dreg:$0x4]  }
0x1b: {  	[spmem:s29], [sflag:s26] =	dma.local [hbm:s0], $0x2800  }
0x1c: {  	_ =	swait.ge [sflag:s17], $0x2800  }
0x1d: {  	[sflag:s17] =	ssyncset.done $0x0  }
0x1e: {  	[sflag:s17] =	ssyncadd.s32 $0xFFFFD800  }
0x1f: {  	[tilespmem:s18], [sflag:$0x5] =	stream.linear.gather [hbm4b:s0+s19], $0x2800, $0x38;
	[tilespmem:$0x1F800] =	vst v63  }
0x20: {  	_ =	swait.ge [sflag:s17], $0x2800  }
0x21: {  	[sflag:s17] =	ssyncset.done $0x0  }
0x22: {  	s29 =	rddreg [dreg:$0x6];
	[sflag:s17] =	ssyncadd.s32 $0xFFFFD800  }
0x23: {  	[tilespmem:s19], [sflag:$0x5] =	stream.linear.gather [hbm4b:s29+s19], $0x400, $0x38;
	[tilespmem:$0x1F800] =	vst v63  }
0x24: {  	_ =	swait.ge [sflag:s17], $0x400  }
0x25: {  	[sflag:s17] =	ssyncset.done $0x0  }
0x26: {  	s31 =	simm.s32 $0x400;
	s30 =	rddreg [dreg:$0x7];
	[sflag:s17] =	ssyncadd.s32 $0xFFFFFC00  }
0x27: {  	[tilespmem:s31], [sflag:$0x5] =	stream.linear.gather [hbm4b:s30+s19], $0x400, $0x38;
	[tilespmem:$0x1F800] =	vst v63  }
0x28: {  	_ =	swait.ge [sflag:s17], $0x400  }
0x29: {  	[sflag:s17] =	ssyncset.done $0x0  }
0x2a: {  	[sflag:s17] =	ssyncadd.s32 $0xFFFFFC00  }
0x2b: {  	s26 =	simm.s32 $0x0;
	[bflag:$0x0] =	sbarrier.arrive $0xFFFF  }
0x2c: {  	[tilespmem:s21], [sflag:$0x1] =	stream.indirect.gather [hbm4b:s5+s20], $0x80, s19, s20, $0xb8;
	[tilespmem:$0x1F800] =	vst v63  }
.LBB2_2:
0x2d: {  	s29 =	sshll.u32 s26, $0x1  }
0x2e: {  	s19 =	sadd.s32 s29, s11  }
0x2f: {  	s19 =	sshll.u32 s19, $0x7  }
0x30: {  	s19 =	sand.u32 $0x1FFFFF80, s19  }
0x31: {  	s31 =	simm.s32 $0x0;
	s30 =	sadd.s32 s1, s19  }
0x32: {  	[tilespmem:s22], [sflag:$0x3] =	stream.linear.gather [hbm4b:s30+s31], $0x400, $0x38;
	[tilespmem:$0x1F800] =	vst v63  }
0x33: {  	s0 =	sand.u32 $0xE00, s31;
	s19 =	sadd.s32 s6, s19  }
0x34: {  	[tilespmem:s23], [sflag:$0x4] =	stream.linear.gather [hbm4b:s19+s31], $0x400, $0x38;
	[tilespmem:$0x1F800] =	vst v63  }
0x35: {  	s30 =	sand.u32 $0x70, s31;
	s19 =	sshrl.u32 s0, $0x2  }
0x36: {  	s19 =	sor.u32 s30, s19  }
0x37: {  	v1 =	vld [tilespmem:s19+$0x400];
	_ =	sdelay $0x4  }
0x38: {  	s31 =	simm.s32 $0x40  }
0x39: {  	s31 =	sand.u32 $0xE00, s31;
	s30 =	simm.s32 $0x10;
	s19 =	simm.s32 $0x80  }
.LBB2_3:
0x3a: {  	p0 =	sne.s32 s19, $0xFC0;
	s0 =	sand.u32 $0x70, s30;
	s31 =	sshrl.u32 s31, $0x2  }
0x3b: {  	s0 =	sor.u32 s0, s31;
	[tilespmem:v1+s18+$0x0] =	vst.idx.add.f32.msk $0xffff, v0  }
0x3c: {  	v1 =	vld [tilespmem:s0+$0x400];
	_ =	sdelay $0x1  }
.Ltmp0:
0x3d: {  	(pc) =	sbr.rel @p0 .LBB2_3-.Ltmp0, $2  }
0x3e: {  	_ =	sdelay $0x2  }
0x3f: {  	s30 =	sadd.s32 $0x10, s30;
	s31 =	sand.u32 $0xE00, s19;
	s19 =	sadd.s32 $0x40, s19  }
0x40: {  	_ =	sdelay $0x2  }
0x41: {  	s0 =	sand.u32 $0x70, s30;
	s19 =	sshrl.u32 s31, $0x2  }
0x42: {  	[tilespmem:v1+s18+$0x0] =	vst.idx.add.f32.msk $0xffff, v0;
	s0 =	sor.u32 s0, s19  }
0x43: {  	v1 =	vld [tilespmem:s0+$0x400];
	_ =	sdelay $0x7  }
0x44: {  	[tilespmem:v1+s18+$0x0] =	vst.idx.add.f32.msk $0xffff, v0  }
0x45: {  	[tilespmem:s24], [sflag:$0x2] =	stream.indirect.gather [hbm4b:s5+s20], $0x80, s20, s20, $0xb8;
	[tilespmem:$0x1F800] =	vst v63  }
0x46: {  	_ =	swait.ge [sflag:s25], $0x4000  }
0x47: {  	[sflag:s25] =	ssyncset.done $0x0  }
0x48: {  	s19 =	simm.s32 $0x400;
	[sflag:s25] =	ssyncadd.s32 $0xFFFFC000  }
0x49: {  	[spmem:s3] =	stream.indirect.scatter.add.f32 [tilespmem:s21], [sflag:$0x5], $0x80, s19, s20, $0xb8;
	[tilespmem:$0x1F800] =	vst v63  }
0x4a: {  	_ =	swait.ge [sflag:s17], $0x4000  }
0x4b: {  	[sflag:s17] =	ssyncset.done $0x0  }
0x4c: {  	s31 =	simm.s32 $0x100;
	[sflag:s17] =	ssyncadd.s32 $0xFFFFC000  }
0x4d: {  	[tilespmem:s21], [sflag:$0x1] =	stream.indirect.gather [hbm4b:s5+s20], $0x80, s31, s20, $0xb8;
	[tilespmem:$0x1F800] =	vst v63  }
0x4e: {  	_ =	swait.ge [sflag:s28], $0x4000  }
0x4f: {  	[sflag:s28] =	ssyncset.done $0x0  }
0x50: {  	s19 =	simm.s32 $0x480;
	[sflag:s28] =	ssyncadd.s32 $0xFFFFC000  }
0x51: {  	[spmem:s3] =	stream.indirect.scatter.add.f32 [tilespmem:s24], [sflag:$0x5], $0x80, s19, s20, $0xb8;
	[tilespmem:$0x1F800] =	vst v63  }
0x52: {  	_ =	swait.ge [sflag:s17], $0x4000  }
0x53: {  	[sflag:s17] =	ssyncset.done $0x0  }
0x54: {  	s31 =	simm.s32 $0x180;
	[sflag:s17] =	ssyncadd.s32 $0xFFFFC000  }
0x55: {  	[tilespmem:s24], [sflag:$0x2] =	stream.indirect.gather [hbm4b:s5+s20], $0x80, s31, s20, $0xb8;
	[tilespmem:$0x1F800] =	vst v63  }
0x56: {  	_ =	swait.ge [sflag:s25], $0x4000  }
0x57: {  	[sflag:s25] =	ssyncset.done $0x0  }
0x58: {  	s19 =	simm.s32 $0x500;
	[sflag:s25] =	ssyncadd.s32 $0xFFFFC000  }
0x59: {  	[spmem:s3] =	stream.indirect.scatter.add.f32 [tilespmem:s21], [sflag:$0x5], $0x80, s19, s20, $0xb8;
	[tilespmem:$0x1F800] =	vst v63  }
0x5a: {  	_ =	swait.ge [sflag:s17], $0x4000  }
0x5b: {  	[sflag:s17] =	ssyncset.done $0x0  }
0x5c: {  	s31 =	simm.s32 $0x200;
	[sflag:s17] =	ssyncadd.s32 $0xFFFFC000  }
0x5d: {  	[tilespmem:s21], [sflag:$0x1] =	stream.indirect.gather [hbm4b:s5+s20], $0x80, s31, s20, $0xb8;
	[tilespmem:$0x1F800] =	vst v63  }
0x5e: {  	_ =	swait.ge [sflag:s28], $0x4000  }
0x5f: {  	[sflag:s28] =	ssyncset.done $0x0  }
0x60: {  	s19 =	simm.s32 $0x580;
	[sflag:s28] =	ssyncadd.s32 $0xFFFFC000  }
0x61: {  	[spmem:s3] =	stream.indirect.scatter.add.f32 [tilespmem:s24], [sflag:$0x5], $0x80, s19, s20, $0xb8;
	[tilespmem:$0x1F800] =	vst v63  }
0x62: {  	_ =	swait.ge [sflag:s17], $0x4000  }
0x63: {  	[sflag:s17] =	ssyncset.done $0x0  }
0x64: {  	s31 =	simm.s32 $0x280;
	[sflag:s17] =	ssyncadd.s32 $0xFFFFC000  }
0x65: {  	[tilespmem:s24], [sflag:$0x2] =	stream.indirect.gather [hbm4b:s5+s20], $0x80, s31, s20, $0xb8;
	[tilespmem:$0x1F800] =	vst v63  }
0x66: {  	_ =	swait.ge [sflag:s25], $0x4000  }
0x67: {  	[sflag:s25] =	ssyncset.done $0x0  }
0x68: {  	s19 =	simm.s32 $0x600;
	[sflag:s25] =	ssyncadd.s32 $0xFFFFC000  }
0x69: {  	[spmem:s3] =	stream.indirect.scatter.add.f32 [tilespmem:s21], [sflag:$0x5], $0x80, s19, s20, $0xb8;
	[tilespmem:$0x1F800] =	vst v63  }
0x6a: {  	_ =	swait.ge [sflag:s17], $0x4000  }
0x6b: {  	[sflag:s17] =	ssyncset.done $0x0  }
0x6c: {  	s31 =	simm.s32 $0x300;
	[sflag:s17] =	ssyncadd.s32 $0xFFFFC000  }
0x6d: {  	[tilespmem:s21], [sflag:$0x1] =	stream.indirect.gather [hbm4b:s5+s20], $0x80, s31, s20, $0xb8;
	[tilespmem:$0x1F800] =	vst v63  }
0x6e: {  	_ =	swait.ge [sflag:s28], $0x4000  }
0x6f: {  	[sflag:s28] =	ssyncset.done $0x0  }
0x70: {  	s19 =	simm.s32 $0x680;
	[sflag:s28] =	ssyncadd.s32 $0xFFFFC000  }
0x71: {  	[spmem:s3] =	stream.indirect.scatter.add.f32 [tilespmem:s24], [sflag:$0x5], $0x80, s19, s20, $0xb8;
	[tilespmem:$0x1F800] =	vst v63  }
0x72: {  	_ =	swait.ge [sflag:s17], $0x4000  }
0x73: {  	[sflag:s17] =	ssyncset.done $0x0  }
0x74: {  	s31 =	simm.s32 $0x380;
	[sflag:s17] =	ssyncadd.s32 $0xFFFFC000  }
0x75: {  	[tilespmem:s24], [sflag:$0x2] =	stream.indirect.gather [hbm4b:s5+s20], $0x80, s31, s20, $0xb8;
	[tilespmem:$0x1F800] =	vst v63  }
0x76: {  	_ =	swait.ge [sflag:s25], $0x4000  }
0x77: {  	[sflag:s25] =	ssyncset.done $0x0  }
0x78: {  	s19 =	simm.s32 $0x700;
	[sflag:s25] =	ssyncadd.s32 $0xFFFFC000  }
0x79: {  	[spmem:s3] =	stream.indirect.scatter.add.f32 [tilespmem:s21], [sflag:$0x5], $0x80, s19, s20, $0xb8;
	[tilespmem:$0x1F800] =	vst v63  }
0x7a: {  	_ =	swait.ge [sflag:s17], $0x4000  }
0x7b: {  	[sflag:s17] =	ssyncset.done $0x0  }
0x7c: {  	[sflag:s17] =	ssyncadd.s32 $0xFFFFC000  }
0x7d: {  	_ =	swait.ge [sflag:s8], $0x400  }
0x7e: {  	[sflag:s8] =	ssyncset.done $0x0  }
0x7f: {  	[sflag:s8] =	ssyncadd.s32 $0xFFFFFC00  }
0x80: {  	_ =	swait.ge [sflag:s16], $0x400  }
0x81: {  	[sflag:s16] =	ssyncset.done $0x0  }
0x82: {  	[sflag:s16] =	ssyncadd.s32 $0xFFFFFC00  }
0x83: {  	[tilespmem:s21], [sflag:$0x1] =	stream.indirect.gather [hbm4b:s5+s20], $0x80, s22, s20, $0xb8;
	[tilespmem:$0x1F800] =	vst v63  }
0x84: {  	_ =	swait.ge [sflag:s28], $0x4000  }
0x85: {  	p0 =	seq.s32 s26, $0x4;
	[sflag:s28] =	ssyncset.done $0x0  }
0x86: {  	s0 =	sadd.s32 @!p0 s29, s12;
	s31 =	simm.s32 $0x780;
	[sflag:s28] =	ssyncadd.s32 $0xFFFFC000  }
0x87: {  	[spmem:s3] =	stream.indirect.scatter.add.f32 [tilespmem:s24], [sflag:$0x5], $0x80, s31, s20, $0xb8;
	[tilespmem:$0x1F800] =	vst v63  }
0x88: {  	s0 =	sshll.u32 @!p0 s0, $0x7;
	_ =	swait.ge [sflag:s17], $0x4000  }
0x89: {  	s0 =	sand.u32 @!p0 $0x1FFFFF00, s0;
	[sflag:s17] =	ssyncset.done $0x0  }
0x8a: {  	s29 =	simm.s32 @!p0 $0x0;
	s19 =	sadd.s32 @!p0 s1, s0;
	[sflag:s17] =	ssyncadd.s32 $0xFFFFC000  }
0x8b: {  	[tilespmem:s29], [sflag:$0x3] =	stream.linear.gather @!p0 [hbm4b:s19+s29], $0x400, $0x38;
	[tilespmem:$0x1F800] =	vst v63  }
0x8c: {  	s0 =	sadd.s32 @!p0 s6, s0;
	s19 =	simm.s32 @!p0 $0x400  }
0x8d: {  	[tilespmem:s19], [sflag:$0x4] =	stream.linear.gather @!p0 [hbm4b:s0+s29], $0x400, $0x38;
	[tilespmem:$0x1F800] =	vst v63  }
0x8e: {  	s19 =	simm.s32 $0x0  }
0x8f: {  	s31 =	sand.u32 $0xE00, s19  }
0x90: {  	s0 =	sand.u32 $0x70, s19;
	s19 =	sshrl.u32 s31, $0x2  }
0x91: {  	s0 =	sor.u32 s0, s19  }
0x92: {  	v1 =	vld [tilespmem:s0+$0xC00];
	_ =	sdelay $0x4  }
0x93: {  	s29 =	simm.s32 $0x40  }
0x94: {  	s30 =	sand.u32 $0xE00, s29;
	s29 =	simm.s32 $0x10;
	s19 =	simm.s32 $0x80  }
.LBB2_5:
0x95: {  	p1 =	sne.s32 s19, $0xFC0;
	s0 =	sand.u32 $0x70, s29;
	s30 =	sshrl.u32 s30, $0x2  }
0x96: {  	s0 =	sor.u32 s0, s30;
	[tilespmem:v1+s18+$0x0] =	vst.idx.add.f32.msk $0xffff, v0  }
0x97: {  	v1 =	vld [tilespmem:s0+$0xC00];
	_ =	sdelay $0x1  }
.Ltmp1:
0x98: {  	(pc) =	sbr.rel @p1 .LBB2_5-.Ltmp1, $2  }
0x99: {  	_ =	sdelay $0x2  }
0x9a: {  	s29 =	sadd.s32 $0x10, s29;
	s30 =	sand.u32 $0xE00, s19;
	s19 =	sadd.s32 $0x40, s19  }
0x9b: {  	_ =	sdelay $0x2  }
0x9c: {  	s0 =	sand.u32 $0x70, s29;
	s19 =	sshrl.u32 s30, $0x2  }
0x9d: {  	[tilespmem:v1+s18+$0x0] =	vst.idx.add.f32.msk $0xffff, v0;
	s0 =	sor.u32 s0, s19  }
0x9e: {  	v1 =	vld [tilespmem:s0+$0xC00];
	_ =	sdelay $0x7  }
0x9f: {  	s30 =	simm.s32 $0x880;
	[tilespmem:v1+s18+$0x0] =	vst.idx.add.f32.msk $0xffff, v0  }
0xa0: {  	[tilespmem:s24], [sflag:$0x2] =	stream.indirect.gather [hbm4b:s5+s20], $0x80, s30, s20, $0xb8;
	[tilespmem:$0x1F800] =	vst v63  }
0xa1: {  	_ =	swait.ge [sflag:s25], $0x4000  }
0xa2: {  	[sflag:s25] =	ssyncset.done $0x0  }
0xa3: {  	[sflag:s25] =	ssyncadd.s32 $0xFFFFC000  }
0xa4: {  	[spmem:s3] =	stream.indirect.scatter.add.f32 [tilespmem:s21], [sflag:$0x5], $0x80, s23, s20, $0xb8;
	[tilespmem:$0x1F800] =	vst v63  }
0xa5: {  	_ =	swait.ge [sflag:s17], $0x4000  }
0xa6: {  	[sflag:s17] =	ssyncset.done $0x0  }
0xa7: {  	s31 =	simm.s32 $0x900;
	[sflag:s17] =	ssyncadd.s32 $0xFFFFC000  }
0xa8: {  	[tilespmem:s21], [sflag:$0x1] =	stream.indirect.gather [hbm4b:s5+s20], $0x80, s31, s20, $0xb8;
	[tilespmem:$0x1F800] =	vst v63  }
0xa9: {  	_ =	swait.ge [sflag:s28], $0x4000  }
0xaa: {  	[sflag:s28] =	ssyncset.done $0x0  }
0xab: {  	s19 =	simm.s32 $0xC80;
	[sflag:s28] =	ssyncadd.s32 $0xFFFFC000  }
0xac: {  	[spmem:s3] =	stream.indirect.scatter.add.f32 [tilespmem:s24], [sflag:$0x5], $0x80, s19, s20, $0xb8;
	[tilespmem:$0x1F800] =	vst v63  }
0xad: {  	_ =	swait.ge [sflag:s17], $0x4000  }
0xae: {  	[sflag:s17] =	ssyncset.done $0x0  }
0xaf: {  	s29 =	simm.s32 $0x980;
	[sflag:s17] =	ssyncadd.s32 $0xFFFFC000  }
0xb0: {  	[tilespmem:s24], [sflag:$0x2] =	stream.indirect.gather [hbm4b:s5+s20], $0x80, s29, s20, $0xb8;
	[tilespmem:$0x1F800] =	vst v63  }
0xb1: {  	_ =	swait.ge [sflag:s25], $0x4000  }
0xb2: {  	[sflag:s25] =	ssyncset.done $0x0  }
0xb3: {  	s30 =	simm.s32 $0xD00;
	[sflag:s25] =	ssyncadd.s32 $0xFFFFC000  }
0xb4: {  	[spmem:s3] =	stream.indirect.scatter.add.f32 [tilespmem:s21], [sflag:$0x5], $0x80, s30, s20, $0xb8;
	[tilespmem:$0x1F800] =	vst v63  }
0xb5: {  	_ =	swait.ge [sflag:s17], $0x4000  }
0xb6: {  	[sflag:s17] =	ssyncset.done $0x0  }
0xb7: {  	s31 =	simm.s32 $0xA00;
	[sflag:s17] =	ssyncadd.s32 $0xFFFFC000  }
0xb8: {  	[tilespmem:s21], [sflag:$0x1] =	stream.indirect.gather [hbm4b:s5+s20], $0x80, s31, s20, $0xb8;
	[tilespmem:$0x1F800] =	vst v63  }
0xb9: {  	_ =	swait.ge [sflag:s28], $0x4000  }
0xba: {  	[sflag:s28] =	ssyncset.done $0x0  }
0xbb: {  	[sflag:s28] =	ssyncadd.s32 $0xFFFFC000  }
0xbc: {  	[spmem:s3] =	stream.indirect.scatter.add.f32 [tilespmem:s24], [sflag:$0x5], $0x80, s2, s20, $0xb8;
	[tilespmem:$0x1F800] =	vst v63  }
0xbd: {  	_ =	swait.ge [sflag:s17], $0x4000  }
0xbe: {  	[sflag:s17] =	ssyncset.done $0x0  }
0xbf: {  	[sflag:s17] =	ssyncadd.s32 $0xFFFFC000  }
0xc0: {  	[tilespmem:s24], [sflag:$0x2] =	stream.indirect.gather [hbm4b:s5+s20], $0x80, s9, s20, $0xb8;
	[tilespmem:$0x1F800] =	vst v63  }
0xc1: {  	_ =	swait.ge [sflag:s25], $0x4000  }
0xc2: {  	[sflag:s25] =	ssyncset.done $0x0  }
0xc3: {  	[sflag:s25] =	ssyncadd.s32 $0xFFFFC000  }
0xc4: {  	[spmem:s3] =	stream.indirect.scatter.add.f32 [tilespmem:s21], [sflag:$0x5], $0x80, s10, s20, $0xb8;
	[tilespmem:$0x1F800] =	vst v63  }
0xc5: {  	_ =	swait.ge [sflag:s17], $0x4000  }
0xc6: {  	[sflag:s17] =	ssyncset.done $0x0  }
0xc7: {  	[sflag:s17] =	ssyncadd.s32 $0xFFFFC000  }
0xc8: {  	[tilespmem:s21], [sflag:$0x1] =	stream.indirect.gather [hbm4b:s5+s20], $0x80, s13, s20, $0xb8;
	[tilespmem:$0x1F800] =	vst v63  }
0xc9: {  	_ =	swait.ge [sflag:s28], $0x4000  }
0xca: {  	[sflag:s28] =	ssyncset.done $0x0  }
0xcb: {  	[sflag:s28] =	ssyncadd.s32 $0xFFFFC000  }
0xcc: {  	[spmem:s3] =	stream.indirect.scatter.add.f32 [tilespmem:s24], [sflag:$0x5], $0x80, s14, s20, $0xb8;
	[tilespmem:$0x1F800] =	vst v63  }
0xcd: {  	_ =	swait.ge [sflag:s17], $0x4000  }
0xce: {  	[sflag:s17] =	ssyncset.done $0x0  }
0xcf: {  	[sflag:s17] =	ssyncadd.s32 $0xFFFFC000  }
0xd0: {  	[tilespmem:s24], [sflag:$0x2] =	stream.indirect.gather [hbm4b:s5+s20], $0x80, s15, s20, $0xb8;
	[tilespmem:$0x1F800] =	vst v63  }
0xd1: {  	_ =	swait.ge [sflag:s25], $0x4000  }
0xd2: {  	[sflag:s25] =	ssyncset.done $0x0  }
0xd3: {  	[sflag:s25] =	ssyncadd.s32 $0xFFFFC000  }
0xd4: {  	[spmem:s3] =	stream.indirect.scatter.add.f32 [tilespmem:s21], [sflag:$0x5], $0x80, s7, s20, $0xb8;
	[tilespmem:$0x1F800] =	vst v63  }
0xd5: {  	_ =	swait.ge [sflag:s17], $0x4000  }
0xd6: {  	[sflag:s17] =	ssyncset.done $0x0  }
0xd7: {  	s0 =	simm.s32 @!p0 $0x3;
	[sflag:s17] =	ssyncadd.s32 $0xFFFFC000  }
0xd8: {  	_ =	swait.ge @!p0 [sflag:s0], $0x400  }
0xd9: {  	[sflag:s0] =	ssyncset.done @!p0 $0x0  }
0xda: {  	[sflag:s0] =	ssyncadd.s32 @!p0 $0xFFFFFC00;
	s0 =	simm.s32 @!p0 $0x4  }
0xdb: {  	_ =	swait.ge @!p0 [sflag:s0], $0x400  }
0xdc: {  	s19 =	simm.s32 @!p0 $0x0;
	[sflag:s0] =	ssyncset.done @!p0 $0x0  }
0xdd: {  	s29 =	simm.s32 @!p0 $0x1000;
	[sflag:s0] =	ssyncadd.s32 @!p0 $0xFFFFFC00;
	s0 =	simm.s32 @!p0 $0x80  }
0xde: {  	[tilespmem:s29], [sflag:$0x1] =	stream.indirect.gather @!p0 [hbm4b:s5+s0], $0x80, s19, s0, $0xb8;
	[tilespmem:$0x1F800] =	vst v63  }
0xdf: {  	s26 =	sadd.s32 $0x1, s26;
	_ =	swait.ge [sflag:s28], $0x4000  }
0xe0: {  	p0 =	sne.s32 s26, $0x5;
	[sflag:s28] =	ssyncset.done $0x0  }
.Ltmp2:
0xe1: {  	[sflag:s28] =	ssyncadd.s32 $0xFFFFC000;
	(pc) =	sbr.rel @p0 .LBB2_2-.Ltmp2, $4  }
0xe2: {  	[spmem:s3] =	stream.indirect.scatter.add.f32 [tilespmem:s24], [sflag:$0x5], $0x80, s4, s20, $0xb8;
	[tilespmem:$0x1F800] =	vst v63  }
0xe3: {  	_ =	swait.ge [sflag:s17], $0x4000  }
0xe4: {  	[sflag:s17] =	ssyncset.done $0x0  }
0xe5: {  	[sflag:s17] =	ssyncadd.s32 $0xFFFFC000  }
0xe6: {  	[bflag:$0x0] =	sbarrier.arrive $0xFFFF  }
0xe7: {  	s26 =	rddreg [dreg:$0x5]  }
0xe8: {  	s0 =	rddreg [dreg:$0x8]  }
0xe9: {  	s29 =	rddreg [dreg:$0xb]  }
0xea: {  	[hbm:s0], [sflag:s26] =	dma.local [spmem:s29], $0x2800  }
0xeb: {  	_ =	swait.ge [sflag:s17], $0x2800  }
0xec: {  	[sflag:s17] =	ssyncset.done $0x0  }
0xed: {  	s19 =	simm.s32 $0x0;
	s31 =	rddreg [dreg:$0x9];
	[sflag:s17] =	ssyncadd.s32 $0xFFFFD800  }
0xee: {  	[hbm4b:s31+s19] =	stream.linear.scatter [tilespmem:s18], [sflag:$0x5], $0x2800, $0x38;
	[tilespmem:$0x1F800] =	vst v63  }
0xef: {  	_ =	swait.ge [sflag:s17], $0x2800  }
0xf0: {  	s30 =	rddreg [dreg:$0xc]  }
0xf1: {  	s31 =	rddreg [dreg:$0xa];
	s30 =	sadd.s32 $0x1, s30  }
0xf2: {  	p0 =	sne.s32 s30, s31  }
.Ltmp3:
0xf3: {  	_ = 	snop;
	(pc) =	sbr.rel @p0 .LBB2_1-.Ltmp3, $3  }
0xf4: {  	_ =	sdelay $0x1  }
0xf5: {  	[sflag:s17] =	ssyncset.done $0x0  }
0xf6: {  	[sflag:s17] =	ssyncadd.s32 $0xFFFFD800  }
0xf7: {  	_ =	sfence.sel $0x180000  }
0xf8: {  	[bflag:$0x0] =	sbarrier.arrive $0xFFFF  }
0xf9: {  	_ =	strace $0x9000004A  }
0xfa: {  	s0 =	stileid.u32;
	[bflag:$0x2] =	sbarrier.arrive $0xFFFF  }
0xfb: {  	p0 =	sne.s32 s0, $0x0;
	s0 =	rddreg [dreg:$0x3]  }
0xfc: {  	s0 =	sadd.s32 @!p0 $0x100000, s0  }
0xfd: {  	[sflag:s0] =	ssyncadd.tile.s32 @!p0 $0x1;
	_ =	shalt  }
.Lfunc_end2:
_tile_overlayer_lowered:
.L_overlay_start_2:
0xfe: {  	(tag) =	ssettag $0x2  }
0xff: {  	s0 =	rddreg [dreg:$0x0];
	s2 =	stileid.u32  }
0x100: {  	s1 =	rddreg [dreg:$0x1];
	p0 =	sne.s32 s2, $0x0  }
0x101: {  	s3 =	rddreg [dreg:$0x2];
	[bflag:$0x3] =	sbarrier.arrive $0xFFFF;
	s2 =	simm.s32 @!p0 $0x1C05  }
0x102: {  	[timem:s3], [sflag:s2] =	dma.local @!p0 [hbm:s0], s1  }
0x103: {  	s0 =	simm.s32 @!p0 $0x5  }
0x104: {  	_ =	swait.ge @!p0 [sflag:s0], s1  }
0x105: {  	s1 =	ssub.s32 @!p0 $0x0, s1;
	[sflag:s0] =	ssyncset.done @!p0 $0x0  }
0x106: {  	[sflag:s0] =	ssyncadd.s32 @!p0 s1  }
0x107: {  	[bflag:$0x3] =	sbarrier.arrive $0xFFFF  }
0x108: {  	_ =	shalt  }

// kernel: kernel.8.cloned.1.call-start
scs
__scs_entry_jumppad:
0x0: {  	(pc) =	sbr.rel $0x88, $3  }
0x1: {  	(tag) =	ssettag $0x0;
	lr =	simm.s32 $0x1  }
0x2: {  	[smem:$0x3F98] =	sst lr;
	_ =	strace $0xD0000000  }
0x3: {  	_ = 	snop  }
0x4: {  	_ = 	snop  }
0x5: {  	_ = 	snop  }
0x6: {  	_ = 	snop  }
0x7: {  	_ = 	snop  }
__scs_overlays_trampoline_lowered:
0x8: {  	[smem:$0x3FA7] =	sst s0  }
0x9: {  	[smem:$0x3FA8] =	sst s1  }
0xa: {  	[smem:$0x3FA9] =	sst s2  }
0xb: {  	[smem:$0x3FAA] =	sst s3  }
0xc: {  	[smem:$0x3FAB] =	sst s4  }
0xd: {  	[smem:$0x3FAC] =	sst s5  }
0xe: {  	[smem:$0x3FAD] =	sst s6  }
0xf: {  	[smem:$0x3FAE] =	sst s7  }
0x10: {  	[smem:$0x3FAF] =	sst s8  }
0x11: {  	[smem:$0x3FB0] =	sst s9;
	s0 =	simm.s32 @!p0 $0x0  }
0x12: {  	s1 =	sld [smem:$0x3F96];
	s0 =	simm.s32 @p0 $0x1  }
0x13: {  	[smem:$0x3FB1] =	sst s0;
	s0 =	simm.s32 @!p1 $0x0  }
0x14: {  	s2 =	sld [smem:$0x3F95];
	s0 =	simm.s32 @p1 $0x1  }
0x15: {  	[smem:$0x3FB2] =	sst s0;
	s0 =	simm.s32 @!p2 $0x0  }
0x16: {  	s3 =	sld [smem:$0x3FDB];
	s0 =	simm.s32 @p2 $0x1  }
0x17: {  	s4 =	simm.s32 $0x1BF5;
	[smem:$0x3FB4] =	sst s0  }
0x18: {  	s0 =	sld [smem:$0x3F97];
	_ =	swait.ge [sflag:s4], $0x0  }
0x19: {  	s7 =	sld [smem:$0x3F98]  }
0x1a: {  	s8 =	sadd.s32 $0xFFFFE003, lr  }
0x1b: {  	s9 =	sadd.s32 $0xFFFFFEF7, lr;
	s5 =	simm.s32 $0xFFFFFFFF;
	p2 =	slt.u32 s8, $0xFFFFF086  }
0x1c: {  	p1 =	slt.u32 s9, $0xF7A;
	s5 =	simm.s32 @!p2 $0x0  }
0x1d: {  	s5 =	simm.s32 @p1 $0x1;
	p0 =	seq.s32 s7, s2  }
0x1e: {  	s7 =	smul.u32 @!p0 $0xF7A, s2;
	p2 =	seq.s32 @!p0 s5, $0x0  }
0x1f: {  	s9 =	smul.u32 $0xF7A, s1;
	s8 =	simm.s32 @!p0 $0x1BF5;
	p2 =	por !p2, p0  }
0x20: {  	[sflag:s8] =	ssyncset.s32 @!p0 $0xFFFFF086;
	s6 =	sadd.s32 @!p0 s3, s7;
	s7 =	simm.s32 @!p0 $0x108  }
0x21: {  	s3 =	sadd.s32 s3, s9;
	s6 =	sadd.s32 @!p0 $0x88, s6;
	s7 =	simm.s32 @p2 $0x1082  }
0x22: {  	[simem:s7], [sflag:s8] =	dma.local @!p0 [hbm:s6], $0xF7A  }
0x23: {  	s9 =	sor.u32 $0xD0000000, s2;
	s6 =	simm.s32 $0x108;
	_ =	swait.ge @!p0 [sflag:s8], $0x0  }
0x24: {  	s3 =	sadd.s32 $0x88, s3;
	s6 =	simm.s32 @!p1 $0x1082;
	[sflag:s4] =	ssyncset.s32 $0xFFFFF086  }
0x25: {  	[simem:s6], [sflag:s4] =	dma.local [hbm:s3], $0xF7A  }
0x26: {  	[smem:$0x3F98] =	sst s1;
	(tag) =	ssettag s2;
	_ =	strace s9  }
0x27: {  	s1 =	sld [smem:$0x3FA8]  }
0x28: {  	s2 =	sld [smem:$0x3FA9]  }
0x29: {  	s4 =	sld [smem:$0x3FAB]  }
0x2a: {  	p0 =	seq.s32 s5, $0x0;
	s5 =	sld [smem:$0x3FAC]  }
0x2b: {  	s6 =	sld [smem:$0x3FAD]  }
0x2c: {  	s7 =	sld [smem:$0x3FAE]  }
0x2d: {  	s3 =	simm.s32 $0x108;
	s8 =	sld [smem:$0x3FAF]  }
0x2e: {  	s3 =	simm.s32 @!p0 $0x1082;
	s9 =	sld [smem:$0x3FB0]  }
0x2f: {  	lr =	sadd.s32 s0, s3;
	s0 =	sld [smem:$0x3FA7]  }
0x30: {  	s3 =	sld [smem:$0x3FAA]  }
0x31: {  	[smem:$0x3FB3] =	sst s10  }
0x32: {  	s10 =	sld [smem:$0x3FB1];
	_ =	sdelay $0x3  }
0x33: {  	p0 =	seq.s32 s10, $0x1;
	s10 =	sld [smem:$0x3FB3];
	_ =	sdelay $0x3  }
0x34: {  	[smem:$0x3FB3] =	sst s10  }
0x35: {  	s10 =	sld [smem:$0x3FB2];
	_ =	sdelay $0x3  }
0x36: {  	p1 =	seq.s32 s10, $0x1;
	s10 =	sld [smem:$0x3FB3];
	_ =	sdelay $0x3  }
0x37: {  	[smem:$0x3FB3] =	sst s10  }
0x38: {  	s10 =	sld [smem:$0x3FB4]  }
0x39: {  	_ = 	snop;
	(pc) =	sbr.ind lr, $3  }
0x3a: {  	_ = 	snop  }
0x3b: {  	_ = 	snop  }
0x3c: {  	p2 =	seq.s32 s10, $0x1;
	s10 =	sld [smem:$0x3FB3]  }
0x3d: {  	_ =	shalt  }
0x3e: {  	_ =	shalt  }
0x3f: {  	_ =	shalt  }
0x40: {  	_ =	shalt  }
0x41: {  	_ =	shalt  }
0x42: {  	_ =	shalt  }
0x43: {  	_ =	shalt  }
0x44: {  	_ =	shalt  }
0x45: {  	_ =	shalt  }
0x46: {  	_ =	shalt  }
0x47: {  	_ =	shalt  }
0x48: {  	_ =	shalt  }
0x49: {  	_ =	shalt  }
0x4a: {  	_ =	shalt  }
0x4b: {  	_ =	shalt  }
0x4c: {  	_ =	shalt  }
0x4d: {  	_ =	shalt  }
0x4e: {  	_ =	shalt  }
0x4f: {  	_ =	shalt  }
0x50: {  	_ =	shalt  }
0x51: {  	_ =	shalt  }
0x52: {  	_ =	shalt  }
0x53: {  	_ =	shalt  }
0x54: {  	_ =	shalt  }
0x55: {  	_ =	shalt  }
0x56: {  	_ =	shalt  }
0x57: {  	_ =	shalt  }
0x58: {  	_ =	shalt  }
0x59: {  	_ =	shalt  }
0x5a: {  	_ =	shalt  }
0x5b: {  	_ =	shalt  }
0x5c: {  	_ =	shalt  }
0x5d: {  	_ =	shalt  }
0x5e: {  	_ =	shalt  }
0x5f: {  	_ =	shalt  }
0x60: {  	_ =	shalt  }
0x61: {  	_ =	shalt  }
0x62: {  	_ =	shalt  }
0x63: {  	_ =	shalt  }
0x64: {  	_ =	shalt  }
0x65: {  	_ =	shalt  }
0x66: {  	_ =	shalt  }
0x67: {  	_ =	shalt  }
0x68: {  	_ =	shalt  }
0x69: {  	_ =	shalt  }
0x6a: {  	_ =	shalt  }
0x6b: {  	_ =	shalt  }
0x6c: {  	_ =	shalt  }
0x6d: {  	_ =	shalt  }
0x6e: {  	_ =	shalt  }
0x6f: {  	_ =	shalt  }
0x70: {  	_ =	shalt  }
0x71: {  	_ =	shalt  }
0x72: {  	_ =	shalt  }
0x73: {  	_ =	shalt  }
0x74: {  	_ =	shalt  }
0x75: {  	_ =	shalt  }
0x76: {  	_ =	shalt  }
0x77: {  	_ =	shalt  }
0x78: {  	_ =	shalt  }
0x79: {  	_ =	shalt  }
0x7a: {  	_ =	shalt  }
0x7b: {  	_ =	shalt  }
0x7c: {  	_ =	shalt  }
0x7d: {  	_ =	shalt  }
0x7e: {  	_ =	shalt  }
0x7f: {  	_ =	shalt  }
0x80: {  	_ =	shalt  }
0x81: {  	_ =	shalt  }
0x82: {  	_ =	shalt  }
0x83: {  	_ =	shalt  }
0x84: {  	_ =	shalt  }
0x85: {  	_ =	shalt  }
0x86: {  	_ =	shalt  }
0x87: {  	_ =	shalt  }
.Lfunc_end0:
.L_simem_size_0:
called_computation_lowered:
.L_overlay_start_0:
0x88: {  	s2 =	sld [smem:$0x3FD9]  }
0x89: {  	s3 =	sld [smem:$0x3FFE];
	_ =	sdelay $0x1  }
0x8a: {  	s1 =	srdreg.scid  }
0x8b: {  	s0 =	sand.u32 $0x1, s1  }
0x8c: {  	s17 =	sshll.u32 s0, $0xA;
	s2 =	sadd.s32 s3, s2  }
0x8d: {  	s2 =	sadd.s32 s2, s17  }
0x8e: {  	[smem:$0x3FBF] =	sst s2  }
0x8f: {  	_ = 	snop  }
0x90: {  	s2 =	sld [smem:$0x3FC9];
	(tm) =	ssettm $0x1  }
0x91: {  	s18 =	sld [smem:$0x3FFB];
	_ =	sdelay $0x3  }
0x92: {  	_ =	strace s18  }
0x93: {  	s3 =	sld [smem:$0x3FFC];
	_ =	sdelay $0x3  }
0x94: {  	_ =	strace s3  }
0x95: {  	s3 =	sld [smem:$0x3FFD];
	_ =	sdelay $0x3  }
0x96: {  	_ =	strace s3  }
0x97: {  	_ =	strace $0x8FFFFFFF  }
0x98: {  	s19 =	sld [smem:$0x3FDB];
	_ =	sdelay $0x1  }
0x99: {  	s4 =	simm.s32 $_scs_section_size  }
0x9a: {  	s5 =	simm.s32 $_size__tile_overlayer_lowered;
	s6 =	simm.s32 $_tile_overlayer_lowered  }
0x9b: {  	s22 =	simm.s32 $0x1BFF;
	s21 =	sshll.u32 s6, $0x1;
	s3 =	sadd.s32 s4, s19  }
0x9c: {  	s7 =	simm.s32 $0x0;
	s20 =	sshll.u32 s5, $0x1;
	s5 =	sadd.s32 s21, s3  }
0x9d: {  	[timem:s7], [sflag:s22] =	dma.local [hbm:s5], s20  }
0x9e: {  	_ =	swait.ge [sflag:s22], s20  }
0x9f: {  	s4 =	ssub.s32 $0x0, s20;
	[sflag:s22] =	ssyncset.done $0x0  }
0xa0: {  	[sflag:s22] =	ssyncadd.s32 s4;
	_ =	sdelay $0x1  }
0xa1: {  	s23 =	simm.s32 $0x1B8B  }
0xa2: {  	_ =	swait.ge [sflag:s23], $0x1  }
0xa3: {  	[sflag:s23] =	ssyncset.done $0x0  }
0xa4: {  	s25 =	simm.s32 $0x1B8E;
	s24 =	sld [smem:$0x3FFE];
	[sflag:s23] =	ssyncadd.s32 $0xFFFFFFFF  }
0xa5: {  	s26 =	simm.s32 $execute0_lowered;
	[smem:$0x3FD2] =	sst s25  }
0xa6: {  	s5 =	sshll.u32 s26, $0x1;
	_ =	strace $0x80000046;
	[dreg:$0x1] =	wrdreg $0xFFFFFFFF  }
0xa7: {  	s28 =	simm.s32 $_size_execute0_lowered;
	s3 =	sadd.s32 s3, s5;
	[dreg:$0x0] =	wrdreg $0x0  }
0xa8: {  	s5 =	sshll.u32 s28, $0x1;
	[dreg:$0x2] =	wrdreg s3  }
0xa9: {  	[dreg:$0x3] =	wrdreg s5  }
0xaa: {  	[dreg:$0x4] =	wrdreg $0xC0  }
0xab: {  	_ =	task [dreg:s7], $0x5FFFF  }
0xac: {  	[dreg:$0x1] =	wrdreg $0xFFFFFFFF  }
0xad: {  	[dreg:$0x0] =	wrdreg $0x60  }
0xae: {  	[dreg:$0x2] =	wrdreg s2  }
0xaf: {  	[dreg:$0x3] =	wrdreg s24  }
0xb0: {  	[dreg:$0x4] =	wrdreg $0xB8000  }
0xb1: {  	[dreg:$0x5] =	wrdreg $0x9  }
0xb2: {  	_ =	task.clear_ibuf [dreg:s7], $0x6FFFF;
	_ =	strace $0x90000046  }
0xb3: {  	s29 =	simm.s32 $0x9;
	_ =	strace $0x80000048  }
0xb4: {  	_ =	swait.ge [sflag:s29], $0x1  }
0xb5: {  	[sflag:s29] =	ssyncadd.s32 $0xFFFFFFFF  }
0xb6: {  	_ =	strace $0x90000048  }
0xb7: {  	_ =	sfence  }
0xb8: {  	s30 =	sld [smem:$0x0];
	_ =	sdelay $0x2  }
0xb9: {  	s31 =	sshll.u32 s1, $0xD;
	s1 =	sshrl.u32 s1, $0x2  }
0xba: {  	s3 =	sand.u32 $0x4000, s31;
	s1 =	sadd.s32 s1, s30  }
0xbb: {  	s0 =	sor.u32 s3, s0;
	s1 =	sshll.u32 s1, $0x11  }
0xbc: {  	s0 =	sor.u32 s1, s0  }
0xbd: {  	s0 =	sadd.s32 $0x8F2B, s0  }
0xbe: {  	[sflag:s0] =	ssyncadd.remote.s32 $0x1  }
0xbf: {  	_ =	sfence.sel $0xFFFF  }
0xc0: {  	[dreg:$0x0] =	wrdreg $0xFFFFFFFF;
	(pc) =	sbr.abs _section_cstart, $3  }
0xc1: {  	[dreg:$0x1] =	wrdreg $0xFFFFFFFF  }
0xc2: {  	_ =	task.clear_ibuf [dreg:s7], $0x2FFFF;
	_ =	strace $0x9FFFFFFF  }
0xc3: {  	(tm) =	ssettm $0x7FFFFFFF  }
tec
execute0_lowered:
.L_overlay_start_1:
0x0: {  	(tag) =	ssettag $0x1  }
0x1: {  	s1 =	rddreg [dreg:$0x0]  }
0x2: {  	s0 =	rddreg [dreg:$0x1]  }
0x3: {  	s3 =	rddreg [dreg:$0x2];
	s19 =	simm.s32 $0x0;
	s12 =	stileid.u32  }
0x4: {  	s4 =	srdreg.scid;
	s17 =	simm.s32 $0x5;
	s18 =	simm.s32 $0x9000  }
0x5: {  	s20 =	simm.s32 $0x80;
	s28 =	simm.s32 $0x2;
	s16 =	simm.s32 $0x4  }
0x6: {  	s13 =	simm.s32 $0xB00;
	s14 =	simm.s32 $0xE80;
	s15 =	simm.s32 $0xB80  }
0x7: {  	s30 =	simm.s32 $0x0;
	[smem:$0x7FF] =	sst s19;
	s2 =	smul.u32 $0x14000, s12  }
0x8: {  	s5 =	sadd.s32 $0x2000, s0;
	s4 =	sand.u32 $0x1, s4;
	s6 =	sadd.s32 $0xC000, s0  }
0x9: {  	s11 =	smul.u32 $0x50000, s12;
	s23 =	sshll.u32 s12, $0x6;
	_ =	strace $0x80000047  }
0xa: {  	s8 =	smul.u32 $0x140000, s4;
	s9 =	sshll.u32 s4, $0x4;
	s4 =	ssub.s32 $0x2, s4  }
0xb: {  	s26 =	sor.u32 $0x1C05, s23;
	s23 =	simm.s32 $0xC00;
	s7 =	sshrl.u32 s2, $0x3  }
0xc: {  	s9 =	sor.u32 s12, s9;
	s10 =	sshrl.u32 s4, $0x1;
	s22 =	sshrl.u32 s11, $0x2  }
0xd: {  	[dreg:$0x5] =	wrdreg s26;
	s7 =	sadd.s32 s7, s0;
	s21 =	smul.u32 $0x500, s9  }
0xe: {  	s2 =	sadd.s32 s2, s8;
	s4 =	ssub.s32 s4, s10;
	s9 =	smul.u32 $0xA, s9  }
0xf: {  	s10 =	sadd.s32 s22, s3;
	s22 =	simm.s32 $0x800;
	s8 =	simm.s32 $0x3  }
0x10: {  	s2 =	sshrl.u32 s2, $0x3;
	s7 =	sadd.s32 $0x20000, s7;
	s31 =	smax.u32 s4, $0x1  }
0x11: {  	s29 =	sshrl.u32 s10, $0x3;
	s10 =	simm.s32 $0xE00;
	s4 =	simm.s32 $0xF80  }
0x12: {  	s2 =	sadd.s32 s2, s0;
	s0 =	sadd.s32 s21, s0;
	[dreg:$0x4] =	wrdreg s7  }
0x13: {  	s24 =	sadd.s32 s5, s21;
	s25 =	sadd.s32 s6, s21;
	[dreg:$0xa] =	wrdreg s31  }
0x14: {  	s11 =	sor.u32 $0x1, s9;
	s12 =	sadd.s32 $0x2, s9;
	[dreg:$0xb] =	wrdreg s29  }
0x15: {  	s21 =	simm.s32 $0x1000;
	s9 =	simm.s32 $0xA80;
	[dreg:$0x6] =	wrdreg s24  }
0x16: {  	s7 =	simm.s32 $0xF00;
	[dreg:$0x7] =	wrdreg s25;
	s2 =	sadd.s32 $0x52000, s2  }
0x17: {  	s0 =	sadd.s32 $0x48000, s0;
	s24 =	simm.s32 $0x5000;
	[dreg:$0x8] =	wrdreg s2  }
0x18: {  	v0 =	vimm.f32 $1.000000000e+00;
	s25 =	simm.s32 $0x1;
	[dreg:$0x9] =	wrdreg s0;
	s2 =	simm.s32 $0xD80  }
.LBB2_1:
0x19: {  	[dreg:$0xc] =	wrdreg s30  }
0x1a: {  	s0 =	rddreg [dreg:$0x4]  }
0x1b: {  	[spmem:s29], [sflag:s26] =	dma.local [hbm:s0], $0x2800  }
0x1c: {  	_ =	swait.ge [sflag:s17], $0x2800  }
0x1d: {  	[sflag:s17] =	ssyncset.done $0x0  }
0x1e: {  	[sflag:s17] =	ssyncadd.s32 $0xFFFFD800  }
0x1f: {  	[tilespmem:s18], [sflag:$0x5] =	stream.linear.gather [hbm4b:s0+s19], $0x2800, $0x38;
	[tilespmem:$0x1F800] =	vst v63  }
0x20: {  	_ =	swait.ge [sflag:s17], $0x2800  }
0x21: {  	[sflag:s17] =	ssyncset.done $0x0  }
0x22: {  	s29 =	rddreg [dreg:$0x6];
	[sflag:s17] =	ssyncadd.s32 $0xFFFFD800  }
0x23: {  	[tilespmem:s19], [sflag:$0x5] =	stream.linear.gather [hbm4b:s29+s19], $0x400, $0x38;
	[tilespmem:$0x1F800] =	vst v63  }
0x24: {  	_ =	swait.ge [sflag:s17], $0x400  }
0x25: {  	[sflag:s17] =	ssyncset.done $0x0  }
0x26: {  	s31 =	simm.s32 $0x400;
	s30 =	rddreg [dreg:$0x7];
	[sflag:s17] =	ssyncadd.s32 $0xFFFFFC00  }
0x27: {  	[tilespmem:s31], [sflag:$0x5] =	stream.linear.gather [hbm4b:s30+s19], $0x400, $0x38;
	[tilespmem:$0x1F800] =	vst v63  }
0x28: {  	_ =	swait.ge [sflag:s17], $0x400  }
0x29: {  	[sflag:s17] =	ssyncset.done $0x0  }
0x2a: {  	[sflag:s17] =	ssyncadd.s32 $0xFFFFFC00  }
0x2b: {  	s26 =	simm.s32 $0x0;
	[bflag:$0x0] =	sbarrier.arrive $0xFFFF  }
0x2c: {  	[tilespmem:s21], [sflag:$0x1] =	stream.indirect.gather [hbm4b:s1+s20], $0x80, s19, s20, $0xb8;
	[tilespmem:$0x1F800] =	vst v63  }
.LBB2_2:
0x2d: {  	s29 =	sshll.u32 s26, $0x1  }
0x2e: {  	s19 =	sadd.s32 s29, s11  }
0x2f: {  	s19 =	sshll.u32 s19, $0x7  }
0x30: {  	s19 =	sand.u32 $0x1FFFFF80, s19  }
0x31: {  	s31 =	simm.s32 $0x0;
	s30 =	sadd.s32 s5, s19  }
0x32: {  	[tilespmem:s22], [sflag:$0x3] =	stream.linear.gather [hbm4b:s30+s31], $0x400, $0x38;
	[tilespmem:$0x1F800] =	vst v63  }
0x33: {  	s0 =	sand.u32 $0xE00, s31;
	s19 =	sadd.s32 s6, s19  }
0x34: {  	[tilespmem:s23], [sflag:$0x4] =	stream.linear.gather [hbm4b:s19+s31], $0x400, $0x38;
	[tilespmem:$0x1F800] =	vst v63  }
0x35: {  	s30 =	sand.u32 $0x70, s31;
	s19 =	sshrl.u32 s0, $0x2  }
0x36: {  	s19 =	sor.u32 s30, s19  }
0x37: {  	v1 =	vld [tilespmem:s19+$0x400];
	_ =	sdelay $0x4  }
0x38: {  	s31 =	simm.s32 $0x40  }
0x39: {  	s31 =	sand.u32 $0xE00, s31;
	s30 =	simm.s32 $0x10;
	s19 =	simm.s32 $0x80  }
.LBB2_3:
0x3a: {  	p0 =	sne.s32 s19, $0xFC0;
	s0 =	sand.u32 $0x70, s30;
	s31 =	sshrl.u32 s31, $0x2  }
0x3b: {  	s0 =	sor.u32 s0, s31;
	[tilespmem:v1+s18+$0x0] =	vst.idx.add.f32.msk $0xffff, v0  }
0x3c: {  	v1 =	vld [tilespmem:s0+$0x400];
	_ =	sdelay $0x1  }
.Ltmp0:
0x3d: {  	(pc) =	sbr.rel @p0 .LBB2_3-.Ltmp0, $2  }
0x3e: {  	_ =	sdelay $0x2  }
0x3f: {  	s30 =	sadd.s32 $0x10, s30;
	s31 =	sand.u32 $0xE00, s19;
	s19 =	sadd.s32 $0x40, s19  }
0x40: {  	_ =	sdelay $0x2  }
0x41: {  	s0 =	sand.u32 $0x70, s30;
	s19 =	sshrl.u32 s31, $0x2  }
0x42: {  	[tilespmem:v1+s18+$0x0] =	vst.idx.add.f32.msk $0xffff, v0;
	s0 =	sor.u32 s0, s19  }
0x43: {  	v1 =	vld [tilespmem:s0+$0x400];
	_ =	sdelay $0x7  }
0x44: {  	[tilespmem:v1+s18+$0x0] =	vst.idx.add.f32.msk $0xffff, v0  }
0x45: {  	[tilespmem:s24], [sflag:$0x2] =	stream.indirect.gather [hbm4b:s1+s20], $0x80, s20, s20, $0xb8;
	[tilespmem:$0x1F800] =	vst v63  }
0x46: {  	_ =	swait.ge [sflag:s25], $0x4000  }
0x47: {  	[sflag:s25] =	ssyncset.done $0x0  }
0x48: {  	s19 =	simm.s32 $0x400;
	[sflag:s25] =	ssyncadd.s32 $0xFFFFC000  }
0x49: {  	[spmem:s3] =	stream.indirect.scatter.add.f32 [tilespmem:s21], [sflag:$0x5], $0x80, s19, s20, $0xb8;
	[tilespmem:$0x1F800] =	vst v63  }
0x4a: {  	_ =	swait.ge [sflag:s17], $0x4000  }
0x4b: {  	[sflag:s17] =	ssyncset.done $0x0  }
0x4c: {  	s31 =	simm.s32 $0x100;
	[sflag:s17] =	ssyncadd.s32 $0xFFFFC000  }
0x4d: {  	[tilespmem:s21], [sflag:$0x1] =	stream.indirect.gather [hbm4b:s1+s20], $0x80, s31, s20, $0xb8;
	[tilespmem:$0x1F800] =	vst v63  }
0x4e: {  	_ =	swait.ge [sflag:s28], $0x4000  }
0x4f: {  	[sflag:s28] =	ssyncset.done $0x0  }
0x50: {  	s19 =	simm.s32 $0x480;
	[sflag:s28] =	ssyncadd.s32 $0xFFFFC000  }
0x51: {  	[spmem:s3] =	stream.indirect.scatter.add.f32 [tilespmem:s24], [sflag:$0x5], $0x80, s19, s20, $0xb8;
	[tilespmem:$0x1F800] =	vst v63  }
0x52: {  	_ =	swait.ge [sflag:s17], $0x4000  }
0x53: {  	[sflag:s17] =	ssyncset.done $0x0  }
0x54: {  	s31 =	simm.s32 $0x180;
	[sflag:s17] =	ssyncadd.s32 $0xFFFFC000  }
0x55: {  	[tilespmem:s24], [sflag:$0x2] =	stream.indirect.gather [hbm4b:s1+s20], $0x80, s31, s20, $0xb8;
	[tilespmem:$0x1F800] =	vst v63  }
0x56: {  	_ =	swait.ge [sflag:s25], $0x4000  }
0x57: {  	[sflag:s25] =	ssyncset.done $0x0  }
0x58: {  	s19 =	simm.s32 $0x500;
	[sflag:s25] =	ssyncadd.s32 $0xFFFFC000  }
0x59: {  	[spmem:s3] =	stream.indirect.scatter.add.f32 [tilespmem:s21], [sflag:$0x5], $0x80, s19, s20, $0xb8;
	[tilespmem:$0x1F800] =	vst v63  }
0x5a: {  	_ =	swait.ge [sflag:s17], $0x4000  }
0x5b: {  	[sflag:s17] =	ssyncset.done $0x0  }
0x5c: {  	s31 =	simm.s32 $0x200;
	[sflag:s17] =	ssyncadd.s32 $0xFFFFC000  }
0x5d: {  	[tilespmem:s21], [sflag:$0x1] =	stream.indirect.gather [hbm4b:s1+s20], $0x80, s31, s20, $0xb8;
	[tilespmem:$0x1F800] =	vst v63  }
0x5e: {  	_ =	swait.ge [sflag:s28], $0x4000  }
0x5f: {  	[sflag:s28] =	ssyncset.done $0x0  }
0x60: {  	s19 =	simm.s32 $0x580;
	[sflag:s28] =	ssyncadd.s32 $0xFFFFC000  }
0x61: {  	[spmem:s3] =	stream.indirect.scatter.add.f32 [tilespmem:s24], [sflag:$0x5], $0x80, s19, s20, $0xb8;
	[tilespmem:$0x1F800] =	vst v63  }
0x62: {  	_ =	swait.ge [sflag:s17], $0x4000  }
0x63: {  	[sflag:s17] =	ssyncset.done $0x0  }
0x64: {  	s31 =	simm.s32 $0x280;
	[sflag:s17] =	ssyncadd.s32 $0xFFFFC000  }
0x65: {  	[tilespmem:s24], [sflag:$0x2] =	stream.indirect.gather [hbm4b:s1+s20], $0x80, s31, s20, $0xb8;
	[tilespmem:$0x1F800] =	vst v63  }
0x66: {  	_ =	swait.ge [sflag:s25], $0x4000  }
0x67: {  	[sflag:s25] =	ssyncset.done $0x0  }
0x68: {  	s19 =	simm.s32 $0x600;
	[sflag:s25] =	ssyncadd.s32 $0xFFFFC000  }
0x69: {  	[spmem:s3] =	stream.indirect.scatter.add.f32 [tilespmem:s21], [sflag:$0x5], $0x80, s19, s20, $0xb8;
	[tilespmem:$0x1F800] =	vst v63  }
0x6a: {  	_ =	swait.ge [sflag:s17], $0x4000  }
0x6b: {  	[sflag:s17] =	ssyncset.done $0x0  }
0x6c: {  	s31 =	simm.s32 $0x300;
	[sflag:s17] =	ssyncadd.s32 $0xFFFFC000  }
0x6d: {  	[tilespmem:s21], [sflag:$0x1] =	stream.indirect.gather [hbm4b:s1+s20], $0x80, s31, s20, $0xb8;
	[tilespmem:$0x1F800] =	vst v63  }
0x6e: {  	_ =	swait.ge [sflag:s28], $0x4000  }
0x6f: {  	[sflag:s28] =	ssyncset.done $0x0  }
0x70: {  	s19 =	simm.s32 $0x680;
	[sflag:s28] =	ssyncadd.s32 $0xFFFFC000  }
0x71: {  	[spmem:s3] =	stream.indirect.scatter.add.f32 [tilespmem:s24], [sflag:$0x5], $0x80, s19, s20, $0xb8;
	[tilespmem:$0x1F800] =	vst v63  }
0x72: {  	_ =	swait.ge [sflag:s17], $0x4000  }
0x73: {  	[sflag:s17] =	ssyncset.done $0x0  }
0x74: {  	s31 =	simm.s32 $0x380;
	[sflag:s17] =	ssyncadd.s32 $0xFFFFC000  }
0x75: {  	[tilespmem:s24], [sflag:$0x2] =	stream.indirect.gather [hbm4b:s1+s20], $0x80, s31, s20, $0xb8;
	[tilespmem:$0x1F800] =	vst v63  }
0x76: {  	_ =	swait.ge [sflag:s25], $0x4000  }
0x77: {  	[sflag:s25] =	ssyncset.done $0x0  }
0x78: {  	s19 =	simm.s32 $0x700;
	[sflag:s25] =	ssyncadd.s32 $0xFFFFC000  }
0x79: {  	[spmem:s3] =	stream.indirect.scatter.add.f32 [tilespmem:s21], [sflag:$0x5], $0x80, s19, s20, $0xb8;
	[tilespmem:$0x1F800] =	vst v63  }
0x7a: {  	_ =	swait.ge [sflag:s17], $0x4000  }
0x7b: {  	[sflag:s17] =	ssyncset.done $0x0  }
0x7c: {  	[sflag:s17] =	ssyncadd.s32 $0xFFFFC000  }
0x7d: {  	_ =	swait.ge [sflag:s8], $0x400  }
0x7e: {  	[sflag:s8] =	ssyncset.done $0x0  }
0x7f: {  	[sflag:s8] =	ssyncadd.s32 $0xFFFFFC00  }
0x80: {  	_ =	swait.ge [sflag:s16], $0x400  }
0x81: {  	[sflag:s16] =	ssyncset.done $0x0  }
0x82: {  	[sflag:s16] =	ssyncadd.s32 $0xFFFFFC00  }
0x83: {  	[tilespmem:s21], [sflag:$0x1] =	stream.indirect.gather [hbm4b:s1+s20], $0x80, s22, s20, $0xb8;
	[tilespmem:$0x1F800] =	vst v63  }
0x84: {  	_ =	swait.ge [sflag:s28], $0x4000  }
0x85: {  	p0 =	seq.s32 s26, $0x4;
	[sflag:s28] =	ssyncset.done $0x0  }
0x86: {  	s0 =	sadd.s32 @!p0 s29, s12;
	s31 =	simm.s32 $0x780;
	[sflag:s28] =	ssyncadd.s32 $0xFFFFC000  }
0x87: {  	[spmem:s3] =	stream.indirect.scatter.add.f32 [tilespmem:s24], [sflag:$0x5], $0x80, s31, s20, $0xb8;
	[tilespmem:$0x1F800] =	vst v63  }
0x88: {  	s0 =	sshll.u32 @!p0 s0, $0x7;
	_ =	swait.ge [sflag:s17], $0x4000  }
0x89: {  	s0 =	sand.u32 @!p0 $0x1FFFFF00, s0;
	[sflag:s17] =	ssyncset.done $0x0  }
0x8a: {  	s29 =	simm.s32 @!p0 $0x0;
	s19 =	sadd.s32 @!p0 s5, s0;
	[sflag:s17] =	ssyncadd.s32 $0xFFFFC000  }
0x8b: {  	[tilespmem:s29], [sflag:$0x3] =	stream.linear.gather @!p0 [hbm4b:s19+s29], $0x400, $0x38;
	[tilespmem:$0x1F800] =	vst v63  }
0x8c: {  	s0 =	sadd.s32 @!p0 s6, s0;
	s19 =	simm.s32 @!p0 $0x400  }
0x8d: {  	[tilespmem:s19], [sflag:$0x4] =	stream.linear.gather @!p0 [hbm4b:s0+s29], $0x400, $0x38;
	[tilespmem:$0x1F800] =	vst v63  }
0x8e: {  	s19 =	simm.s32 $0x0  }
0x8f: {  	s31 =	sand.u32 $0xE00, s19  }
0x90: {  	s0 =	sand.u32 $0x70, s19;
	s19 =	sshrl.u32 s31, $0x2  }
0x91: {  	s0 =	sor.u32 s0, s19  }
0x92: {  	v1 =	vld [tilespmem:s0+$0xC00];
	_ =	sdelay $0x4  }
0x93: {  	s29 =	simm.s32 $0x40  }
0x94: {  	s30 =	sand.u32 $0xE00, s29;
	s29 =	simm.s32 $0x10;
	s19 =	simm.s32 $0x80  }
.LBB2_5:
0x95: {  	p1 =	sne.s32 s19, $0xFC0;
	s0 =	sand.u32 $0x70, s29;
	s30 =	sshrl.u32 s30, $0x2  }
0x96: {  	s0 =	sor.u32 s0, s30;
	[tilespmem:v1+s18+$0x0] =	vst.idx.add.f32.msk $0xffff, v0  }
0x97: {  	v1 =	vld [tilespmem:s0+$0xC00];
	_ =	sdelay $0x1  }
.Ltmp1:
0x98: {  	(pc) =	sbr.rel @p1 .LBB2_5-.Ltmp1, $2  }
0x99: {  	_ =	sdelay $0x2  }
0x9a: {  	s29 =	sadd.s32 $0x10, s29;
	s30 =	sand.u32 $0xE00, s19;
	s19 =	sadd.s32 $0x40, s19  }
0x9b: {  	_ =	sdelay $0x2  }
0x9c: {  	s0 =	sand.u32 $0x70, s29;
	s19 =	sshrl.u32 s30, $0x2  }
0x9d: {  	[tilespmem:v1+s18+$0x0] =	vst.idx.add.f32.msk $0xffff, v0;
	s0 =	sor.u32 s0, s19  }
0x9e: {  	v1 =	vld [tilespmem:s0+$0xC00];
	_ =	sdelay $0x7  }
0x9f: {  	s30 =	simm.s32 $0x880;
	[tilespmem:v1+s18+$0x0] =	vst.idx.add.f32.msk $0xffff, v0  }
0xa0: {  	[tilespmem:s24], [sflag:$0x2] =	stream.indirect.gather [hbm4b:s1+s20], $0x80, s30, s20, $0xb8;
	[tilespmem:$0x1F800] =	vst v63  }
0xa1: {  	_ =	swait.ge [sflag:s25], $0x4000  }
0xa2: {  	[sflag:s25] =	ssyncset.done $0x0  }
0xa3: {  	[sflag:s25] =	ssyncadd.s32 $0xFFFFC000  }
0xa4: {  	[spmem:s3] =	stream.indirect.scatter.add.f32 [tilespmem:s21], [sflag:$0x5], $0x80, s23, s20, $0xb8;
	[tilespmem:$0x1F800] =	vst v63  }
0xa5: {  	_ =	swait.ge [sflag:s17], $0x4000  }
0xa6: {  	[sflag:s17] =	ssyncset.done $0x0  }
0xa7: {  	s31 =	simm.s32 $0x900;
	[sflag:s17] =	ssyncadd.s32 $0xFFFFC000  }
0xa8: {  	[tilespmem:s21], [sflag:$0x1] =	stream.indirect.gather [hbm4b:s1+s20], $0x80, s31, s20, $0xb8;
	[tilespmem:$0x1F800] =	vst v63  }
0xa9: {  	_ =	swait.ge [sflag:s28], $0x4000  }
0xaa: {  	[sflag:s28] =	ssyncset.done $0x0  }
0xab: {  	s19 =	simm.s32 $0xC80;
	[sflag:s28] =	ssyncadd.s32 $0xFFFFC000  }
0xac: {  	[spmem:s3] =	stream.indirect.scatter.add.f32 [tilespmem:s24], [sflag:$0x5], $0x80, s19, s20, $0xb8;
	[tilespmem:$0x1F800] =	vst v63  }
0xad: {  	_ =	swait.ge [sflag:s17], $0x4000  }
0xae: {  	[sflag:s17] =	ssyncset.done $0x0  }
0xaf: {  	s29 =	simm.s32 $0x980;
	[sflag:s17] =	ssyncadd.s32 $0xFFFFC000  }
0xb0: {  	[tilespmem:s24], [sflag:$0x2] =	stream.indirect.gather [hbm4b:s1+s20], $0x80, s29, s20, $0xb8;
	[tilespmem:$0x1F800] =	vst v63  }
0xb1: {  	_ =	swait.ge [sflag:s25], $0x4000  }
0xb2: {  	[sflag:s25] =	ssyncset.done $0x0  }
0xb3: {  	s30 =	simm.s32 $0xD00;
	[sflag:s25] =	ssyncadd.s32 $0xFFFFC000  }
0xb4: {  	[spmem:s3] =	stream.indirect.scatter.add.f32 [tilespmem:s21], [sflag:$0x5], $0x80, s30, s20, $0xb8;
	[tilespmem:$0x1F800] =	vst v63  }
0xb5: {  	_ =	swait.ge [sflag:s17], $0x4000  }
0xb6: {  	[sflag:s17] =	ssyncset.done $0x0  }
0xb7: {  	s31 =	simm.s32 $0xA00;
	[sflag:s17] =	ssyncadd.s32 $0xFFFFC000  }
0xb8: {  	[tilespmem:s21], [sflag:$0x1] =	stream.indirect.gather [hbm4b:s1+s20], $0x80, s31, s20, $0xb8;
	[tilespmem:$0x1F800] =	vst v63  }
0xb9: {  	_ =	swait.ge [sflag:s28], $0x4000  }
0xba: {  	[sflag:s28] =	ssyncset.done $0x0  }
0xbb: {  	[sflag:s28] =	ssyncadd.s32 $0xFFFFC000  }
0xbc: {  	[spmem:s3] =	stream.indirect.scatter.add.f32 [tilespmem:s24], [sflag:$0x5], $0x80, s2, s20, $0xb8;
	[tilespmem:$0x1F800] =	vst v63  }
0xbd: {  	_ =	swait.ge [sflag:s17], $0x4000  }
0xbe: {  	[sflag:s17] =	ssyncset.done $0x0  }
0xbf: {  	[sflag:s17] =	ssyncadd.s32 $0xFFFFC000  }
0xc0: {  	[tilespmem:s24], [sflag:$0x2] =	stream.indirect.gather [hbm4b:s1+s20], $0x80, s9, s20, $0xb8;
	[tilespmem:$0x1F800] =	vst v63  }
0xc1: {  	_ =	swait.ge [sflag:s25], $0x4000  }
0xc2: {  	[sflag:s25] =	ssyncset.done $0x0  }
0xc3: {  	[sflag:s25] =	ssyncadd.s32 $0xFFFFC000  }
0xc4: {  	[spmem:s3] =	stream.indirect.scatter.add.f32 [tilespmem:s21], [sflag:$0x5], $0x80, s10, s20, $0xb8;
	[tilespmem:$0x1F800] =	vst v63  }
0xc5: {  	_ =	swait.ge [sflag:s17], $0x4000  }
0xc6: {  	[sflag:s17] =	ssyncset.done $0x0  }
0xc7: {  	[sflag:s17] =	ssyncadd.s32 $0xFFFFC000  }
0xc8: {  	[tilespmem:s21], [sflag:$0x1] =	stream.indirect.gather [hbm4b:s1+s20], $0x80, s13, s20, $0xb8;
	[tilespmem:$0x1F800] =	vst v63  }
0xc9: {  	_ =	swait.ge [sflag:s28], $0x4000  }
0xca: {  	[sflag:s28] =	ssyncset.done $0x0  }
0xcb: {  	[sflag:s28] =	ssyncadd.s32 $0xFFFFC000  }
0xcc: {  	[spmem:s3] =	stream.indirect.scatter.add.f32 [tilespmem:s24], [sflag:$0x5], $0x80, s14, s20, $0xb8;
	[tilespmem:$0x1F800] =	vst v63  }
0xcd: {  	_ =	swait.ge [sflag:s17], $0x4000  }
0xce: {  	[sflag:s17] =	ssyncset.done $0x0  }
0xcf: {  	[sflag:s17] =	ssyncadd.s32 $0xFFFFC000  }
0xd0: {  	[tilespmem:s24], [sflag:$0x2] =	stream.indirect.gather [hbm4b:s1+s20], $0x80, s15, s20, $0xb8;
	[tilespmem:$0x1F800] =	vst v63  }
0xd1: {  	_ =	swait.ge [sflag:s25], $0x4000  }
0xd2: {  	[sflag:s25] =	ssyncset.done $0x0  }
0xd3: {  	[sflag:s25] =	ssyncadd.s32 $0xFFFFC000  }
0xd4: {  	[spmem:s3] =	stream.indirect.scatter.add.f32 [tilespmem:s21], [sflag:$0x5], $0x80, s7, s20, $0xb8;
	[tilespmem:$0x1F800] =	vst v63  }
0xd5: {  	_ =	swait.ge [sflag:s17], $0x4000  }
0xd6: {  	[sflag:s17] =	ssyncset.done $0x0  }
0xd7: {  	s0 =	simm.s32 @!p0 $0x3;
	[sflag:s17] =	ssyncadd.s32 $0xFFFFC000  }
0xd8: {  	_ =	swait.ge @!p0 [sflag:s0], $0x400  }
0xd9: {  	[sflag:s0] =	ssyncset.done @!p0 $0x0  }
0xda: {  	[sflag:s0] =	ssyncadd.s32 @!p0 $0xFFFFFC00;
	s0 =	simm.s32 @!p0 $0x4  }
0xdb: {  	_ =	swait.ge @!p0 [sflag:s0], $0x400  }
0xdc: {  	s19 =	simm.s32 @!p0 $0x0;
	[sflag:s0] =	ssyncset.done @!p0 $0x0  }
0xdd: {  	s29 =	simm.s32 @!p0 $0x1000;
	[sflag:s0] =	ssyncadd.s32 @!p0 $0xFFFFFC00;
	s0 =	simm.s32 @!p0 $0x80  }
0xde: {  	[tilespmem:s29], [sflag:$0x1] =	stream.indirect.gather @!p0 [hbm4b:s1+s0], $0x80, s19, s0, $0xb8;
	[tilespmem:$0x1F800] =	vst v63  }
0xdf: {  	s26 =	sadd.s32 $0x1, s26;
	_ =	swait.ge [sflag:s28], $0x4000  }
0xe0: {  	p0 =	sne.s32 s26, $0x5;
	[sflag:s28] =	ssyncset.done $0x0  }
.Ltmp2:
0xe1: {  	[sflag:s28] =	ssyncadd.s32 $0xFFFFC000;
	(pc) =	sbr.rel @p0 .LBB2_2-.Ltmp2, $4  }
0xe2: {  	[spmem:s3] =	stream.indirect.scatter.add.f32 [tilespmem:s24], [sflag:$0x5], $0x80, s4, s20, $0xb8;
	[tilespmem:$0x1F800] =	vst v63  }
0xe3: {  	_ =	swait.ge [sflag:s17], $0x4000  }
0xe4: {  	[sflag:s17] =	ssyncset.done $0x0  }
0xe5: {  	[sflag:s17] =	ssyncadd.s32 $0xFFFFC000  }
0xe6: {  	[bflag:$0x0] =	sbarrier.arrive $0xFFFF  }
0xe7: {  	s26 =	rddreg [dreg:$0x5]  }
0xe8: {  	s0 =	rddreg [dreg:$0x8]  }
0xe9: {  	s29 =	rddreg [dreg:$0xb]  }
0xea: {  	[hbm:s0], [sflag:s26] =	dma.local [spmem:s29], $0x2800  }
0xeb: {  	_ =	swait.ge [sflag:s17], $0x2800  }
0xec: {  	[sflag:s17] =	ssyncset.done $0x0  }
0xed: {  	s19 =	simm.s32 $0x0;
	s31 =	rddreg [dreg:$0x9];
	[sflag:s17] =	ssyncadd.s32 $0xFFFFD800  }
0xee: {  	[hbm4b:s31+s19] =	stream.linear.scatter [tilespmem:s18], [sflag:$0x5], $0x2800, $0x38;
	[tilespmem:$0x1F800] =	vst v63  }
0xef: {  	_ =	swait.ge [sflag:s17], $0x2800  }
0xf0: {  	s30 =	rddreg [dreg:$0xc]  }
0xf1: {  	s31 =	rddreg [dreg:$0xa];
	s30 =	sadd.s32 $0x1, s30  }
0xf2: {  	p0 =	sne.s32 s30, s31  }
.Ltmp3:
0xf3: {  	_ = 	snop;
	(pc) =	sbr.rel @p0 .LBB2_1-.Ltmp3, $3  }
0xf4: {  	_ =	sdelay $0x1  }
0xf5: {  	[sflag:s17] =	ssyncset.done $0x0  }
0xf6: {  	[sflag:s17] =	ssyncadd.s32 $0xFFFFD800  }
0xf7: {  	_ =	sfence.sel $0x180000  }
0xf8: {  	[bflag:$0x0] =	sbarrier.arrive $0xFFFF  }
0xf9: {  	_ =	strace $0x90000047  }
0xfa: {  	s0 =	stileid.u32;
	[bflag:$0x2] =	sbarrier.arrive $0xFFFF  }
0xfb: {  	p0 =	sne.s32 s0, $0x0;
	s0 =	rddreg [dreg:$0x3]  }
0xfc: {  	s0 =	sadd.s32 @!p0 $0x100000, s0  }
0xfd: {  	[sflag:s0] =	ssyncadd.tile.s32 @!p0 $0x1;
	_ =	shalt  }
.Lfunc_end2:
_tile_overlayer_lowered:
.L_overlay_start_2:
0xfe: {  	(tag) =	ssettag $0x2  }
0xff: {  	s0 =	rddreg [dreg:$0x0];
	s2 =	stileid.u32  }
0x100: {  	s1 =	rddreg [dreg:$0x1];
	p0 =	sne.s32 s2, $0x0  }
0x101: {  	s3 =	rddreg [dreg:$0x2];
	[bflag:$0x3] =	sbarrier.arrive $0xFFFF;
	s2 =	simm.s32 @!p0 $0x1C05  }
0x102: {  	[timem:s3], [sflag:s2] =	dma.local @!p0 [hbm:s0], s1  }
0x103: {  	s0 =	simm.s32 @!p0 $0x5  }
0x104: {  	_ =	swait.ge @!p0 [sflag:s0], s1  }
0x105: {  	s1 =	ssub.s32 @!p0 $0x0, s1;
	[sflag:s0] =	ssyncset.done @!p0 $0x0  }
0x106: {  	[sflag:s0] =	ssyncadd.s32 @!p0 s1  }
0x107: {  	[bflag:$0x3] =	sbarrier.arrive $0xFFFF  }
0x108: {  	_ =	shalt  }

</sc_bundles>
